<compile_context>
chip_gen: v7x
topology: tpu7x:2x2x1
jax: 0.10.2.dev20260603
libtpu: 0.0.44.dev20260713+nightly
codegen_flags: <defaults>
</compile_context>

<pallas_src>
import functools

import jax
import jax.numpy as jnp
import numpy as np
from jax import lax
from jax.experimental import pallas as pl
from jax.experimental.pallas import tpu as pltpu
from jax.experimental.pallas import tpu_sc as plsc

_B = 16384
_NF = 26
_V = 100000
_D = 32
_H = 256
_O = 1

_NC = 2
_NS = 16
_NW = _NC * _NS

_ROWS = _B * _NF
_ROWS_W = _ROWS // _NW
_CHUNK = 128
_NCHUNK = _ROWS_W // _CHUNK
_GROUP = 8
_GROUP_ROWS = _CHUNK * _GROUP
_NGROUP = _NCHUNK // _GROUP

_CHUNKS = (20, 6)
_GRPS = (16, 24)


def _make_gather_body(nchunk, ngroup, rows_w, group=_GROUP):
    def _gather_body(table_hbm, idx_hbm, out_hbm, idx_v, rows_v, sem):
        wid = lax.axis_index("s") * _NC + lax.axis_index("c")
        base = wid * rows_w
        pltpu.sync_copy(idx_hbm.at[wid], idx_v)

        grows = group * _CHUNK

        def body(g, carry):
            cbase = g * group
            copies = []
            for j in range(group):
                cp = pltpu.async_copy(
                    table_hbm.at[idx_v.at[cbase + j]],
                    rows_v.at[pl.ds(j * _CHUNK, _CHUNK)],
                    sem,
                )
                copies.append(cp)
            for cp in copies:
                cp.wait()
            pltpu.sync_copy(
                rows_v, out_hbm.at[pl.ds(base + g * grows, grows)]
            )
            return carry

        lax.fori_loop(0, ngroup, body, 0)

    return _gather_body


def _sc_gather(table_flat, idx3, nrows, group=_GROUP):
    rows_w = nrows // _NW
    nchunk = rows_w // _CHUNK
    ngroup = nchunk // group
    mesh = plsc.VectorSubcoreMesh(core_axis_name="c", subcore_axis_name="s")
    f = pl.kernel(
        _make_gather_body(nchunk, ngroup, rows_w, group),
        mesh=mesh,
        out_type=jax.ShapeDtypeStruct((nrows, _D), jnp.float32),
        scratch_types=[
            pltpu.VMEM((nchunk, _CHUNK), jnp.int32),
            pltpu.VMEM((group * _CHUNK, _D), jnp.float32),
            pltpu.SemaphoreType.DMA,
        ],
        compiler_params=pltpu.CompilerParams(use_tc_tiling_on_sc=False),
    )
    return f(table_flat, idx3)


_BB = 512



def _mlp_body(*refs):
    nch = len(_CHUNKS)
    e_refs = refs[:nch]
    w1t_ref, b1_ref, w2t_ref, b2_ref, out_ref = refs[nch:]
    pieces = []
    for c in range(nch):
        for j in range(_CHUNKS[c]):
            pjt = jnp.swapaxes(e_refs[c][j], 0, 1)
            pieces.append(jnp.concatenate(
                [pjt[32 * a:32 * (a + 1), :] for a in range(4)], axis=1))
    et = jnp.concatenate(pieces, axis=0)
    h = jnp.dot(w1t_ref[...], et, preferred_element_type=jnp.float32)
    h = jnp.maximum(h + b1_ref[...], 0.0)
    o = jnp.dot(w2t_ref[...], h, preferred_element_type=jnp.float32)
    out_ref[...] = jax.nn.sigmoid(o + b2_ref[...])


def _tc_mlp(embs, W1, b1, W2, b2):
    grid = (_B // _BB,)
    outp = pl.pallas_call(
        _mlp_body,
        grid=grid,
        in_specs=[pl.BlockSpec((n, _BB // 4, 128), lambda i: (0, i, 0))
                  for n in _CHUNKS] + [
            pl.BlockSpec((_H, _NF * _D), lambda i: (0, 0)),
            pl.BlockSpec((_H, 1), lambda i: (0, 0)),
            pl.BlockSpec((_O, _H), lambda i: (0, 0)),
            pl.BlockSpec((_O, 1), lambda i: (0, 0)),
        ],
        out_specs=pl.BlockSpec((1, _BB), lambda i: (0, i)),
        out_shape=jax.ShapeDtypeStruct((1, _B), jnp.float32),
    )(*embs, W1.T, b1.reshape(_H, 1), W2.T, b2.reshape(_O, 1))
    return outp.reshape(_B // _BB, 4, _BB // 4).transpose(0, 2, 1).reshape(_B, _O)


_TB = _V // 4


def _tr_body(t_ref, o_ref):
    s = t_ref[0]
    parts = [s[:, a * _TB:(a + 1) * _TB] for a in range(4)]
    stacked = jnp.concatenate(parts, axis=0)
    o_ref[...] = jnp.swapaxes(stacked, 0, 1)


def _tc_relayout(tabT_c, nf, lo=0):
    grid = (nf,)
    return pl.pallas_call(
        _tr_body,
        grid=grid,
        in_specs=[pl.BlockSpec((1, _D, _V), lambda f, lo=lo: (lo + f, 0, 0))],
        out_specs=pl.BlockSpec((_TB, 4 * _D), lambda f: (f, 0)),
        out_shape=jax.ShapeDtypeStruct((nf * _V // 4, 4 * _D), jnp.float32),
        compiler_params=pltpu.CompilerParams(vmem_limit_bytes=100 * 1024 * 1024),
    )(tabT_c)


def kernel(x, tables, W1, b1, W2, b2):
    f_local = np.concatenate([np.arange(n) for n in _CHUNKS])
    offs = jnp.asarray(f_local * _V, dtype=jnp.int32)[:, None]
    xi = x.astype(jnp.int32)
    perm = 4 * (xi % _TB) + xi // _TB
    idxT = perm.T + offs
    tabT = jnp.transpose(tables, (0, 2, 1))
    embs = []
    lo = 0
    for n, grp in zip(_CHUNKS, _GRPS):
        tf_c = _tc_relayout(tabT, n, lo)
        nrows = n * _B
        idx_c = idxT[lo:lo + n].reshape(_NW, nrows // (_NW * _CHUNK), _CHUNK)
        emb_c = _sc_gather(tf_c.reshape(n * _V, _D), idx_c, nrows, grp)
        embs.append(emb_c.reshape(n, _B * _D // 128, 128))
        lo += n
    return _tc_mlp(embs, W1, b1, W2, b2)

# --- scband reference (transcript-rebuilt; emitter-appended) ---
"""Pipeline reference for scband-categorical-nn-23476291240746 (READ-ONLY COPY).

The authoritative reference and input builder live on the scoring server;
editing this copy changes nothing except your own understanding.
"""

import jax, jax.numpy as jnp
import numpy as np

B = 16384
NF = 26
V = 100000
D = 32
H = 256
O = 1


def setup_inputs(seed: int = 0) -> dict:
    key = jax.random.key(seed)
    k1, k2, k3, k4 = jax.random.split(key, 4)
    x = jax.random.randint(k1, (B, NF), 0, V)
    tables = jax.random.normal(k2, (NF, V, D), dtype=jnp.float32) * 0.02
    W1 = jax.random.normal(k3, (NF * D, H), dtype=jnp.float32) * 0.02
    b1 = jnp.zeros((H,), dtype=jnp.float32)
    W2 = jax.random.normal(k4, (H, O), dtype=jnp.float32) * 0.02
    b2 = jnp.zeros((O,), dtype=jnp.float32)
    return {"x": x, "tables": tables, "W1": W1, "b1": b1, "W2": W2, "b2": b2}


def reference(x, tables, W1, b1, W2, b2):
    # per-field embedding lookup: tables[i][x[:, i]] for each field i, then concat
    emb = jax.vmap(lambda t, idx: jnp.take(t, idx, axis=0), in_axes=(0, 1), out_axes=1)(tables, x)
    emb = emb.reshape(x.shape[0], NF * D)
    h = jax.nn.relu(emb @ W1 + b1)
    out = jax.nn.sigmoid(h @ W2 + b2)
    return out

if __name__ == "__main__":
    import jax
    _d = setup_inputs()
    print(jax.jit(kernel)(*tuple(_d.values())))

</pallas_src>

<mosaic_0001>
#map = affine_map<(d0, d1) -> (0, 0)>
#map1 = affine_map<(d0, d1) -> (0, 0, 0)>
module attributes {stable_mosaic.version = 14 : i64} {
  func.func @_gather_body(%arg0: i32, %arg1: i32, %arg2: memref<2000000x32xf32, #tpu.memory_space<hbm>>, %arg3: memref<32x80x128xi32, #tpu.memory_space<hbm>>, %arg4: memref<327680x32xf32, #tpu.memory_space<hbm>>, %arg5: memref<80x128xi32, #tpu.memory_space<vmem>>, %arg6: memref<2048x32xf32, #tpu.memory_space<vmem>>, %arg7: memref<!tpu.dma_semaphore, #tpu.memory_space<semaphore_mem>>) attributes {dimension_semantics = [#tpu.dimension_semantics<core_parallel>, #tpu.dimension_semantics<subcore_parallel>], iteration_bounds = array<i64: 2, 16>, scalar_prefetch = 0 : i64, scratch_operands = 3 : i64, tpu.core_type = #tpu.core_type<sc_vector_subcore>, window_params = [{transform_indices = #map}, {transform_indices = #map1}, {transform_indices = #map}]} {
    %mul3A = arith.constant 2 : i32
    %mul3A_0 = arith.muli %arg1, %mul3A : i32
    %add3A = arith.addi %mul3A_0, %arg0 : i32
    %mul3A_1 = arith.constant 10240 : i32
    %mul3A_2 = arith.muli %add3A, %mul3A_1 : i32
    "tpu.region"() ({
      %run_scoped3A = tpu.sem_alloc : memref<!tpu.dma_semaphore, #tpu.memory_space<semaphore_mem>>
      %dma_start3A = arith.constant 0 : i32
      %dma_start3A_8 = arith.constant 0 : i32
      %dma_start3A_9 = tpu.memref_slice %arg3[%add3A, %dma_start3A, %dma_start3A_8] : memref<32x80x128xi32, #tpu.memory_space<hbm>> -> memref<1x80x128xi32, #tpu.memory_space<hbm>>
      %dma_start3A_10 = tpu.memref_squeeze %dma_start3A_9 : memref<1x80x128xi32, #tpu.memory_space<hbm>> -> memref<80x128xi32, #tpu.memory_space<hbm>>
      %dma_start3A_11 = arith.constant 0 : i32
      %dma_start3A_12 = arith.constant 0 : i32
      %dma_start3A_13 = tpu.memref_slice %arg3[%add3A, %dma_start3A_11, %dma_start3A_12] : memref<32x80x128xi32, #tpu.memory_space<hbm>> -> memref<1x80x128xi32, #tpu.memory_space<hbm>>
      %dma_start3A_14 = tpu.memref_squeeze %dma_start3A_13 : memref<1x80x128xi32, #tpu.memory_space<hbm>> -> memref<80x128xi32, #tpu.memory_space<hbm>>
      tpu.enqueue_dma source(%dma_start3A_14 : memref<80x128xi32, #tpu.memory_space<hbm>>) target(%arg5 : memref<80x128xi32, #tpu.memory_space<vmem>>) target_semaphore(%run_scoped3A : memref<!tpu.dma_semaphore, #tpu.memory_space<semaphore_mem>>)
      %dma_wait3A = arith.constant 0 : i32
      %dma_wait3A_15 = arith.constant 0 : i32
      %dma_wait3A_16 = tpu.memref_slice %arg3[%add3A, %dma_wait3A, %dma_wait3A_15] : memref<32x80x128xi32, #tpu.memory_space<hbm>> -> memref<1x80x128xi32, #tpu.memory_space<hbm>>
      %dma_wait3A_17 = tpu.memref_squeeze %dma_wait3A_16 : memref<1x80x128xi32, #tpu.memory_space<hbm>> -> memref<80x128xi32, #tpu.memory_space<hbm>>
      %dma_wait3A_18 = arith.constant 0 : i32
      %dma_wait3A_19 = arith.constant 0 : i32
      %dma_wait3A_20 = tpu.memref_slice %arg3[%add3A, %dma_wait3A_18, %dma_wait3A_19] : memref<32x80x128xi32, #tpu.memory_space<hbm>> -> memref<1x80x128xi32, #tpu.memory_space<hbm>>
      %dma_wait3A_21 = tpu.memref_squeeze %dma_wait3A_20 : memref<1x80x128xi32, #tpu.memory_space<hbm>> -> memref<80x128xi32, #tpu.memory_space<hbm>>
      tpu.wait_dma2 semaphore(%run_scoped3A : memref<!tpu.dma_semaphore, #tpu.memory_space<semaphore_mem>>) src(%dma_wait3A_21 : memref<80x128xi32, #tpu.memory_space<hbm>>) dst(%arg5 : memref<80x128xi32, #tpu.memory_space<vmem>>)
      tpu.yield
    }) : () -> ()
    %scan3A = arith.constant 0 : i32
    %scan3A_3 = arith.constant 0 : i32
    %scan3A_4 = arith.constant 5 : i32
    %scan3A_5 = arith.addi %scan3A_3, %scan3A_4 : i32
    %scan3A_6 = arith.constant 1 : i32
    scf.for %scan3A_8 = %scan3A_3 to %scan3A_5 step %scan3A_6  : i32 {
      %mul3A_9 = arith.constant 16 : i32
      %mul3A_10 = arith.muli %scan3A_8, %mul3A_9 : i32
      %add3A_11 = arith.constant 0 : i32
      %add3A_12 = arith.addi %mul3A_10, %add3A_11 : i32
      %dma_start3A = arith.constant 0 : i32
      %dma_start3A_13 = arith.constant 0 : i32
      %dma_start3A_14 = tpu.memref_slice %arg6[%dma_start3A, %dma_start3A_13] : memref<2048x32xf32, #tpu.memory_space<vmem>> -> memref<128x32xf32, #tpu.memory_space<vmem>>
      %dma_start3A_15 = arith.constant 0 : i32
      %dma_start3A_16 = tpu.memref_slice %arg5[%add3A_12, %dma_start3A_15] : memref<80x128xi32, #tpu.memory_space<vmem>> -> memref<1x128xi32, #tpu.memory_space<vmem>>
      %dma_start3A_17 = tpu.memref_squeeze %dma_start3A_16 : memref<1x128xi32, #tpu.memory_space<vmem>> -> memref<128xi32, #tpu.memory_space<vmem>>
      %dma_start3A_18 = arith.constant 0 : i32
      %dma_start3A_19 = arith.constant 0 : i32
      %dma_start3A_20 = tpu.memref_slice %arg2[%dma_start3A_18, %dma_start3A_19] : memref<2000000x32xf32, #tpu.memory_space<hbm>> -> memref<2000000x32xf32, #tpu.memory_space<hbm>>
      tpu.enqueue_indirect_dma source(%dma_start3A_20 : memref<2000000x32xf32, #tpu.memory_space<hbm>>) target(%dma_start3A_14 : memref<128x32xf32, #tpu.memory_space<vmem>>) offsets(%dma_start3A_17 : memref<128xi32, #tpu.memory_space<vmem>>) semaphore(%arg7 : memref<!tpu.dma_semaphore, #tpu.memory_space<semaphore_mem>>)
      %add3A_21 = arith.constant 1 : i32
      %add3A_22 = arith.addi %mul3A_10, %add3A_21 : i32
      %dma_start3A_23 = arith.constant 128 : i32
      %dma_start3A_24 = arith.constant 0 : i32
      %dma_start3A_25 = tpu.memref_slice %arg6[%dma_start3A_23, %dma_start3A_24] : memref<2048x32xf32, #tpu.memory_space<vmem>> -> memref<128x32xf32, #tpu.memory_space<vmem>>
      %dma_start3A_26 = arith.constant 0 : i32
      %dma_start3A_27 = tpu.memref_slice %arg5[%add3A_22, %dma_start3A_26] : memref<80x128xi32, #tpu.memory_space<vmem>> -> memref<1x128xi32, #tpu.memory_space<vmem>>
      %dma_start3A_28 = tpu.memref_squeeze %dma_start3A_27 : memref<1x128xi32, #tpu.memory_space<vmem>> -> memref<128xi32, #tpu.memory_space<vmem>>
      %dma_start3A_29 = arith.constant 0 : i32
      %dma_start3A_30 = arith.constant 0 : i32
      %dma_start3A_31 = tpu.memref_slice %arg2[%dma_start3A_29, %dma_start3A_30] : memref<2000000x32xf32, #tpu.memory_space<hbm>> -> memref<2000000x32xf32, #tpu.memory_space<hbm>>
      tpu.enqueue_indirect_dma source(%dma_start3A_31 : memref<2000000x32xf32, #tpu.memory_space<hbm>>) target(%dma_start3A_25 : memref<128x32xf32, #tpu.memory_space<vmem>>) offsets(%dma_start3A_28 : memref<128xi32, #tpu.memory_space<vmem>>) semaphore(%arg7 : memref<!tpu.dma_semaphore, #tpu.memory_space<semaphore_mem>>)
      %add3A_32 = arith.constant 2 : i32
      %add3A_33 = arith.addi %mul3A_10, %add3A_32 : i32
      %dma_start3A_34 = arith.constant 256 : i32
      %dma_start3A_35 = arith.constant 0 : i32
      %dma_start3A_36 = tpu.memref_slice %arg6[%dma_start3A_34, %dma_start3A_35] : memref<2048x32xf32, #tpu.memory_space<vmem>> -> memref<128x32xf32, #tpu.memory_space<vmem>>
      %dma_start3A_37 = arith.constant 0 : i32
      %dma_start3A_38 = tpu.memref_slice %arg5[%add3A_33, %dma_start3A_37] : memref<80x128xi32, #tpu.memory_space<vmem>> -> memref<1x128xi32, #tpu.memory_space<vmem>>
      %dma_start3A_39 = tpu.memref_squeeze %dma_start3A_38 : memref<1x128xi32, #tpu.memory_space<vmem>> -> memref<128xi32, #tpu.memory_space<vmem>>
      %dma_start3A_40 = arith.constant 0 : i32
      %dma_start3A_41 = arith.constant 0 : i32
      %dma_start3A_42 = tpu.memref_slice %arg2[%dma_start3A_40, %dma_start3A_41] : memref<2000000x32xf32, #tpu.memory_space<hbm>> -> memref<2000000x32xf32, #tpu.memory_space<hbm>>
      tpu.enqueue_indirect_dma source(%dma_start3A_42 : memref<2000000x32xf32, #tpu.memory_space<hbm>>) target(%dma_start3A_36 : memref<128x32xf32, #tpu.memory_space<vmem>>) offsets(%dma_start3A_39 : memref<128xi32, #tpu.memory_space<vmem>>) semaphore(%arg7 : memref<!tpu.dma_semaphore, #tpu.memory_space<semaphore_mem>>)
      %add3A_43 = arith.constant 3 : i32
      %add3A_44 = arith.addi %mul3A_10, %add3A_43 : i32
      %dma_start3A_45 = arith.constant 384 : i32
      %dma_start3A_46 = arith.constant 0 : i32
      %dma_start3A_47 = tpu.memref_slice %arg6[%dma_start3A_45, %dma_start3A_46] : memref<2048x32xf32, #tpu.memory_space<vmem>> -> memref<128x32xf32, #tpu.memory_space<vmem>>
      %dma_start3A_48 = arith.constant 0 : i32
      %dma_start3A_49 = tpu.memref_slice %arg5[%add3A_44, %dma_start3A_48] : memref<80x128xi32, #tpu.memory_space<vmem>> -> memref<1x128xi32, #tpu.memory_space<vmem>>
      %dma_start3A_50 = tpu.memref_squeeze %dma_start3A_49 : memref<1x128xi32, #tpu.memory_space<vmem>> -> memref<128xi32, #tpu.memory_space<vmem>>
      %dma_start3A_51 = arith.constant 0 : i32
      %dma_start3A_52 = arith.constant 0 : i32
      %dma_start3A_53 = tpu.memref_slice %arg2[%dma_start3A_51, %dma_start3A_52] : memref<2000000x32xf32, #tpu.memory_space<hbm>> -> memref<2000000x32xf32, #tpu.memory_space<hbm>>
      tpu.enqueue_indirect_dma source(%dma_start3A_53 : memref<2000000x32xf32, #tpu.memory_space<hbm>>) target(%dma_start3A_47 : memref<128x32xf32, #tpu.memory_space<vmem>>) offsets(%dma_start3A_50 : memref<128xi32, #tpu.memory_space<vmem>>) semaphore(%arg7 : memref<!tpu.dma_semaphore, #tpu.memory_space<semaphore_mem>>)
      %add3A_54 = arith.constant 4 : i32
      %add3A_55 = arith.addi %mul3A_10, %add3A_54 : i32
      %dma_start3A_56 = arith.constant 512 : i32
      %dma_start3A_57 = arith.constant 0 : i32
      %dma_start3A_58 = tpu.memref_slice %arg6[%dma_start3A_56, %dma_start3A_57] : memref<2048x32xf32, #tpu.memory_space<vmem>> -> memref<128x32xf32, #tpu.memory_space<vmem>>
      %dma_start3A_59 = arith.constant 0 : i32
      %dma_start3A_60 = tpu.memref_slice %arg5[%add3A_55, %dma_start3A_59] : memref<80x128xi32, #tpu.memory_space<vmem>> -> memref<1x128xi32, #tpu.memory_space<vmem>>
      %dma_start3A_61 = tpu.memref_squeeze %dma_start3A_60 : memref<1x128xi32, #tpu.memory_space<vmem>> -> memref<128xi32, #tpu.memory_space<vmem>>
      %dma_start3A_62 = arith.constant 0 : i32
      %dma_start3A_63 = arith.constant 0 : i32
      %dma_start3A_64 = tpu.memref_slice %arg2[%dma_start3A_62, %dma_start3A_63] : memref<2000000x32xf32, #tpu.memory_space<hbm>> -> memref<2000000x32xf32, #tpu.memory_space<hbm>>
      tpu.enqueue_indirect_dma source(%dma_start3A_64 : memref<2000000x32xf32, #tpu.memory_space<hbm>>) target(%dma_start3A_58 : memref<128x32xf32, #tpu.memory_space<vmem>>) offsets(%dma_start3A_61 : memref<128xi32, #tpu.memory_space<vmem>>) semaphore(%arg7 : memref<!tpu.dma_semaphore, #tpu.memory_space<semaphore_mem>>)
      %add3A_65 = arith.constant 5 : i32
      %add3A_66 = arith.addi %mul3A_10, %add3A_65 : i32
      %dma_start3A_67 = arith.constant 640 : i32
      %dma_start3A_68 = arith.constant 0 : i32
      %dma_start3A_69 = tpu.memref_slice %arg6[%dma_start3A_67, %dma_start3A_68] : memref<2048x32xf32, #tpu.memory_space<vmem>> -> memref<128x32xf32, #tpu.memory_space<vmem>>
      %dma_start3A_70 = arith.constant 0 : i32
      %dma_start3A_71 = tpu.memref_slice %arg5[%add3A_66, %dma_start3A_70] : memref<80x128xi32, #tpu.memory_space<vmem>> -> memref<1x128xi32, #tpu.memory_space<vmem>>
      %dma_start3A_72 = tpu.memref_squeeze %dma_start3A_71 : memref<1x128xi32, #tpu.memory_space<vmem>> -> memref<128xi32, #tpu.memory_space<vmem>>
      %dma_start3A_73 = arith.constant 0 : i32
      %dma_start3A_74 = arith.constant 0 : i32
      %dma_start3A_75 = tpu.memref_slice %arg2[%dma_start3A_73, %dma_start3A_74] : memref<2000000x32xf32, #tpu.memory_space<hbm>> -> memref<2000000x32xf32, #tpu.memory_space<hbm>>
      tpu.enqueue_indirect_dma source(%dma_start3A_75 : memref<2000000x32xf32, #tpu.memory_space<hbm>>) target(%dma_start3A_69 : memref<128x32xf32, #tpu.memory_space<vmem>>) offsets(%dma_start3A_72 : memref<128xi32, #tpu.memory_space<vmem>>) semaphore(%arg7 : memref<!tpu.dma_semaphore, #tpu.memory_space<semaphore_mem>>)
      %add3A_76 = arith.constant 6 : i32
      %add3A_77 = arith.addi %mul3A_10, %add3A_76 : i32
      %dma_start3A_78 = arith.constant 768 : i32
      %dma_start3A_79 = arith.constant 0 : i32
      %dma_start3A_80 = tpu.memref_slice %arg6[%dma_start3A_78, %dma_start3A_79] : memref<2048x32xf32, #tpu.memory_space<vmem>> -> memref<128x32xf32, #tpu.memory_space<vmem>>
      %dma_start3A_81 = arith.constant 0 : i32
      %dma_start3A_82 = tpu.memref_slice %arg5[%add3A_77, %dma_start3A_81] : memref<80x128xi32, #tpu.memory_space<vmem>> -> memref<1x128xi32, #tpu.memory_space<vmem>>
      %dma_start3A_83 = tpu.memref_squeeze %dma_start3A_82 : memref<1x128xi32, #tpu.memory_space<vmem>> -> memref<128xi32, #tpu.memory_space<vmem>>
      %dma_start3A_84 = arith.constant 0 : i32
      %dma_start3A_85 = arith.constant 0 : i32
      %dma_start3A_86 = tpu.memref_slice %arg2[%dma_start3A_84, %dma_start3A_85] : memref<2000000x32xf32, #tpu.memory_space<hbm>> -> memref<2000000x32xf32, #tpu.memory_space<hbm>>
      tpu.enqueue_indirect_dma source(%dma_start3A_86 : memref<2000000x32xf32, #tpu.memory_space<hbm>>) target(%dma_start3A_80 : memref<128x32xf32, #tpu.memory_space<vmem>>) offsets(%dma_start3A_83 : memref<128xi32, #tpu.memory_space<vmem>>) semaphore(%arg7 : memref<!tpu.dma_semaphore, #tpu.memory_space<semaphore_mem>>)
      %add3A_87 = arith.constant 7 : i32
      %add3A_88 = arith.addi %mul3A_10, %add3A_87 : i32
      %dma_start3A_89 = arith.constant 896 : i32
      %dma_start3A_90 = arith.constant 0 : i32
      %dma_start3A_91 = tpu.memref_slice %arg6[%dma_start3A_89, %dma_start3A_90] : memref<2048x32xf32, #tpu.memory_space<vmem>> -> memref<128x32xf32, #tpu.memory_space<vmem>>
      %dma_start3A_92 = arith.constant 0 : i32
      %dma_start3A_93 = tpu.memref_slice %arg5[%add3A_88, %dma_start3A_92] : memref<80x128xi32, #tpu.memory_space<vmem>> -> memref<1x128xi32, #tpu.memory_space<vmem>>
      %dma_start3A_94 = tpu.memref_squeeze %dma_start3A_93 : memref<1x128xi32, #tpu.memory_space<vmem>> -> memref<128xi32, #tpu.memory_space<vmem>>
      %dma_start3A_95 = arith.constant 0 : i32
      %dma_start3A_96 = arith.constant 0 : i32
      %dma_start3A_97 = tpu.memref_slice %arg2[%dma_start3A_95, %dma_start3A_96] : memref<2000000x32xf32, #tpu.memory_space<hbm>> -> memref<2000000x32xf32, #tpu.memory_space<hbm>>
      tpu.enqueue_indirect_dma source(%dma_start3A_97 : memref<2000000x32xf32, #tpu.memory_space<hbm>>) target(%dma_start3A_91 : memref<128x32xf32, #tpu.memory_space<vmem>>) offsets(%dma_start3A_94 : memref<128xi32, #tpu.memory_space<vmem>>) semaphore(%arg7 : memref<!tpu.dma_semaphore, #tpu.memory_space<semaphore_mem>>)
      %add3A_98 = arith.constant 8 : i32
      %add3A_99 = arith.addi %mul3A_10, %add3A_98 : i32
      %dma_start3A_100 = arith.constant 1024 : i32
      %dma_start3A_101 = arith.constant 0 : i32
      %dma_start3A_102 = tpu.memref_slice %arg6[%dma_start3A_100, %dma_start3A_101] : memref<2048x32xf32, #tpu.memory_space<vmem>> -> memref<128x32xf32, #tpu.memory_space<vmem>>
      %dma_start3A_103 = arith.constant 0 : i32
      %dma_start3A_104 = tpu.memref_slice %arg5[%add3A_99, %dma_start3A_103] : memref<80x128xi32, #tpu.memory_space<vmem>> -> memref<1x128xi32, #tpu.memory_space<vmem>>
      %dma_start3A_105 = tpu.memref_squeeze %dma_start3A_104 : memref<1x128xi32, #tpu.memory_space<vmem>> -> memref<128xi32, #tpu.memory_space<vmem>>
      %dma_start3A_106 = arith.constant 0 : i32
      %dma_start3A_107 = arith.constant 0 : i32
      %dma_start3A_108 = tpu.memref_slice %arg2[%dma_start3A_106, %dma_start3A_107] : memref<2000000x32xf32, #tpu.memory_space<hbm>> -> memref<2000000x32xf32, #tpu.memory_space<hbm>>
      tpu.enqueue_indirect_dma source(%dma_start3A_108 : memref<2000000x32xf32, #tpu.memory_space<hbm>>) target(%dma_start3A_102 : memref<128x32xf32, #tpu.memory_space<vmem>>) offsets(%dma_start3A_105 : memref<128xi32, #tpu.memory_space<vmem>>) semaphore(%arg7 : memref<!tpu.dma_semaphore, #tpu.memory_space<semaphore_mem>>)
      %add3A_109 = arith.constant 9 : i32
      %add3A_110 = arith.addi %mul3A_10, %add3A_109 : i32
      %dma_start3A_111 = arith.constant 1152 : i32
      %dma_start3A_112 = arith.constant 0 : i32
      %dma_start3A_113 = tpu.memref_slice %arg6[%dma_start3A_111, %dma_start3A_112] : memref<2048x32xf32, #tpu.memory_space<vmem>> -> memref<128x32xf32, #tpu.memory_space<vmem>>
      %dma_start3A_114 = arith.constant 0 : i32
      %dma_start3A_115 = tpu.memref_slice %arg5[%add3A_110, %dma_start3A_114] : memref<80x128xi32, #tpu.memory_space<vmem>> -> memref<1x128xi32, #tpu.memory_space<vmem>>
      %dma_start3A_116 = tpu.memref_squeeze %dma_start3A_115 : memref<1x128xi32, #tpu.memory_space<vmem>> -> memref<128xi32, #tpu.memory_space<vmem>>
      %dma_start3A_117 = arith.constant 0 : i32
      %dma_start3A_118 = arith.constant 0 : i32
      %dma_start3A_119 = tpu.memref_slice %arg2[%dma_start3A_117, %dma_start3A_118] : memref<2000000x32xf32, #tpu.memory_space<hbm>> -> memref<2000000x32xf32, #tpu.memory_space<hbm>>
      tpu.enqueue_indirect_dma source(%dma_start3A_119 : memref<2000000x32xf32, #tpu.memory_space<hbm>>) target(%dma_start3A_113 : memref<128x32xf32, #tpu.memory_space<vmem>>) offsets(%dma_start3A_116 : memref<128xi32, #tpu.memory_space<vmem>>) semaphore(%arg7 : memref<!tpu.dma_semaphore, #tpu.memory_space<semaphore_mem>>)
      %add3A_120 = arith.constant 10 : i32
      %add3A_121 = arith.addi %mul3A_10, %add3A_120 : i32
      %dma_start3A_122 = arith.constant 1280 : i32
      %dma_start3A_123 = arith.constant 0 : i32
      %dma_start3A_124 = tpu.memref_slice %arg6[%dma_start3A_122, %dma_start3A_123] : memref<2048x32xf32, #tpu.memory_space<vmem>> -> memref<128x32xf32, #tpu.memory_space<vmem>>
      %dma_start3A_125 = arith.constant 0 : i32
      %dma_start3A_126 = tpu.memref_slice %arg5[%add3A_121, %dma_start3A_125] : memref<80x128xi32, #tpu.memory_space<vmem>> -> memref<1x128xi32, #tpu.memory_space<vmem>>
      %dma_start3A_127 = tpu.memref_squeeze %dma_start3A_126 : memref<1x128xi32, #tpu.memory_space<vmem>> -> memref<128xi32, #tpu.memory_space<vmem>>
      %dma_start3A_128 = arith.constant 0 : i32
      %dma_start3A_129 = arith.constant 0 : i32
      %dma_start3A_130 = tpu.memref_slice %arg2[%dma_start3A_128, %dma_start3A_129] : memref<2000000x32xf32, #tpu.memory_space<hbm>> -> memref<2000000x32xf32, #tpu.memory_space<hbm>>
      tpu.enqueue_indirect_dma source(%dma_start3A_130 : memref<2000000x32xf32, #tpu.memory_space<hbm>>) target(%dma_start3A_124 : memref<128x32xf32, #tpu.memory_space<vmem>>) offsets(%dma_start3A_127 : memref<128xi32, #tpu.memory_space<vmem>>) semaphore(%arg7 : memref<!tpu.dma_semaphore, #tpu.memory_space<semaphore_mem>>)
      %add3A_131 = arith.constant 11 : i32
      %add3A_132 = arith.addi %mul3A_10, %add3A_131 : i32
      %dma_start3A_133 = arith.constant 1408 : i32
      %dma_start3A_134 = arith.constant 0 : i32
      %dma_start3A_135 = tpu.memref_slice %arg6[%dma_start3A_133, %dma_start3A_134] : memref<2048x32xf32, #tpu.memory_space<vmem>> -> memref<128x32xf32, #tpu.memory_space<vmem>>
      %dma_start3A_136 = arith.constant 0 : i32
      %dma_start3A_137 = tpu.memref_slice %arg5[%add3A_132, %dma_start3A_136] : memref<80x128xi32, #tpu.memory_space<vmem>> -> memref<1x128xi32, #tpu.memory_space<vmem>>
      %dma_start3A_138 = tpu.memref_squeeze %dma_start3A_137 : memref<1x128xi32, #tpu.memory_space<vmem>> -> memref<128xi32, #tpu.memory_space<vmem>>
      %dma_start3A_139 = arith.constant 0 : i32
      %dma_start3A_140 = arith.constant 0 : i32
      %dma_start3A_141 = tpu.memref_slice %arg2[%dma_start3A_139, %dma_start3A_140] : memref<2000000x32xf32, #tpu.memory_space<hbm>> -> memref<2000000x32xf32, #tpu.memory_space<hbm>>
      tpu.enqueue_indirect_dma source(%dma_start3A_141 : memref<2000000x32xf32, #tpu.memory_space<hbm>>) target(%dma_start3A_135 : memref<128x32xf32, #tpu.memory_space<vmem>>) offsets(%dma_start3A_138 : memref<128xi32, #tpu.memory_space<vmem>>) semaphore(%arg7 : memref<!tpu.dma_semaphore, #tpu.memory_space<semaphore_mem>>)
      %add3A_142 = arith.constant 12 : i32
      %add3A_143 = arith.addi %mul3A_10, %add3A_142 : i32
      %dma_start3A_144 = arith.constant 1536 : i32
      %dma_start3A_145 = arith.constant 0 : i32
      %dma_start3A_146 = tpu.memref_slice %arg6[%dma_start3A_144, %dma_start3A_145] : memref<2048x32xf32, #tpu.memory_space<vmem>> -> memref<128x32xf32, #tpu.memory_space<vmem>>
      %dma_start3A_147 = arith.constant 0 : i32
      %dma_start3A_148 = tpu.memref_slice %arg5[%add3A_143, %dma_start3A_147] : memref<80x128xi32, #tpu.memory_space<vmem>> -> memref<1x128xi32, #tpu.memory_space<vmem>>
      %dma_start3A_149 = tpu.memref_squeeze %dma_start3A_148 : memref<1x128xi32, #tpu.memory_space<vmem>> -> memref<128xi32, #tpu.memory_space<vmem>>
      %dma_start3A_150 = arith.constant 0 : i32
      %dma_start3A_151 = arith.constant 0 : i32
      %dma_start3A_152 = tpu.memref_slice %arg2[%dma_start3A_150, %dma_start3A_151] : memref<2000000x32xf32, #tpu.memory_space<hbm>> -> memref<2000000x32xf32, #tpu.memory_space<hbm>>
      tpu.enqueue_indirect_dma source(%dma_start3A_152 : memref<2000000x32xf32, #tpu.memory_space<hbm>>) target(%dma_start3A_146 : memref<128x32xf32, #tpu.memory_space<vmem>>) offsets(%dma_start3A_149 : memref<128xi32, #tpu.memory_space<vmem>>) semaphore(%arg7 : memref<!tpu.dma_semaphore, #tpu.memory_space<semaphore_mem>>)
      %add3A_153 = arith.constant 13 : i32
      %add3A_154 = arith.addi %mul3A_10, %add3A_153 : i32
      %dma_start3A_155 = arith.constant 1664 : i32
      %dma_start3A_156 = arith.constant 0 : i32
      %dma_start3A_157 = tpu.memref_slice %arg6[%dma_start3A_155, %dma_start3A_156] : memref<2048x32xf32, #tpu.memory_space<vmem>> -> memref<128x32xf32, #tpu.memory_space<vmem>>
      %dma_start3A_158 = arith.constant 0 : i32
      %dma_start3A_159 = tpu.memref_slice %arg5[%add3A_154, %dma_start3A_158] : memref<80x128xi32, #tpu.memory_space<vmem>> -> memref<1x128xi32, #tpu.memory_space<vmem>>
      %dma_start3A_160 = tpu.memref_squeeze %dma_start3A_159 : memref<1x128xi32, #tpu.memory_space<vmem>> -> memref<128xi32, #tpu.memory_space<vmem>>
      %dma_start3A_161 = arith.constant 0 : i32
      %dma_start3A_162 = arith.constant 0 : i32
      %dma_start3A_163 = tpu.memref_slice %arg2[%dma_start3A_161, %dma_start3A_162] : memref<2000000x32xf32, #tpu.memory_space<hbm>> -> memref<2000000x32xf32, #tpu.memory_space<hbm>>
      tpu.enqueue_indirect_dma source(%dma_start3A_163 : memref<2000000x32xf32, #tpu.memory_space<hbm>>) target(%dma_start3A_157 : memref<128x32xf32, #tpu.memory_space<vmem>>) offsets(%dma_start3A_160 : memref<128xi32, #tpu.memory_space<vmem>>) semaphore(%arg7 : memref<!tpu.dma_semaphore, #tpu.memory_space<semaphore_mem>>)
      %add3A_164 = arith.constant 14 : i32
      %add3A_165 = arith.addi %mul3A_10, %add3A_164 : i32
      %dma_start3A_166 = arith.constant 1792 : i32
      %dma_start3A_167 = arith.constant 0 : i32
      %dma_start3A_168 = tpu.memref_slice %arg6[%dma_start3A_166, %dma_start3A_167] : memref<2048x32xf32, #tpu.memory_space<vmem>> -> memref<128x32xf32, #tpu.memory_space<vmem>>
      %dma_start3A_169 = arith.constant 0 : i32
      %dma_start3A_170 = tpu.memref_slice %arg5[%add3A_165, %dma_start3A_169] : memref<80x128xi32, #tpu.memory_space<vmem>> -> memref<1x128xi32, #tpu.memory_space<vmem>>
      %dma_start3A_171 = tpu.memref_squeeze %dma_start3A_170 : memref<1x128xi32, #tpu.memory_space<vmem>> -> memref<128xi32, #tpu.memory_space<vmem>>
      %dma_start3A_172 = arith.constant 0 : i32
      %dma_start3A_173 = arith.constant 0 : i32
      %dma_start3A_174 = tpu.memref_slice %arg2[%dma_start3A_172, %dma_start3A_173] : memref<2000000x32xf32, #tpu.memory_space<hbm>> -> memref<2000000x32xf32, #tpu.memory_space<hbm>>
      tpu.enqueue_indirect_dma source(%dma_start3A_174 : memref<2000000x32xf32, #tpu.memory_space<hbm>>) target(%dma_start3A_168 : memref<128x32xf32, #tpu.memory_space<vmem>>) offsets(%dma_start3A_171 : memref<128xi32, #tpu.memory_space<vmem>>) semaphore(%arg7 : memref<!tpu.dma_semaphore, #tpu.memory_space<semaphore_mem>>)
      %add3A_175 = arith.constant 15 : i32
      %add3A_176 = arith.addi %mul3A_10, %add3A_175 : i32
      %dma_start3A_177 = arith.constant 1920 : i32
      %dma_start3A_178 = arith.constant 0 : i32
      %dma_start3A_179 = tpu.memref_slice %arg6[%dma_start3A_177, %dma_start3A_178] : memref<2048x32xf32, #tpu.memory_space<vmem>> -> memref<128x32xf32, #tpu.memory_space<vmem>>
      %dma_start3A_180 = arith.constant 0 : i32
      %dma_start3A_181 = tpu.memref_slice %arg5[%add3A_176, %dma_start3A_180] : memref<80x128xi32, #tpu.memory_space<vmem>> -> memref<1x128xi32, #tpu.memory_space<vmem>>
      %dma_start3A_182 = tpu.memref_squeeze %dma_start3A_181 : memref<1x128xi32, #tpu.memory_space<vmem>> -> memref<128xi32, #tpu.memory_space<vmem>>
      %dma_start3A_183 = arith.constant 0 : i32
      %dma_start3A_184 = arith.constant 0 : i32
      %dma_start3A_185 = tpu.memref_slice %arg2[%dma_start3A_183, %dma_start3A_184] : memref<2000000x32xf32, #tpu.memory_space<hbm>> -> memref<2000000x32xf32, #tpu.memory_space<hbm>>
      tpu.enqueue_indirect_dma source(%dma_start3A_185 : memref<2000000x32xf32, #tpu.memory_space<hbm>>) target(%dma_start3A_179 : memref<128x32xf32, #tpu.memory_space<vmem>>) offsets(%dma_start3A_182 : memref<128xi32, #tpu.memory_space<vmem>>) semaphore(%arg7 : memref<!tpu.dma_semaphore, #tpu.memory_space<semaphore_mem>>)
      %dma_wait3A = arith.constant 0 : i32
      %dma_wait3A_186 = arith.constant 0 : i32
      %dma_wait3A_187 = tpu.memref_slice %arg6[%dma_wait3A, %dma_wait3A_186] : memref<2048x32xf32, #tpu.memory_space<vmem>> -> memref<128x32xf32, #tpu.memory_space<vmem>>
      %dma_wait3A_188 = arith.constant 0 : i32
      %dma_wait3A_189 = tpu.memref_slice %arg5[%add3A_12, %dma_wait3A_188] : memref<80x128xi32, #tpu.memory_space<vmem>> -> memref<1x128xi32, #tpu.memory_space<vmem>>
      %dma_wait3A_190 = tpu.memref_squeeze %dma_wait3A_189 : memref<1x128xi32, #tpu.memory_space<vmem>> -> memref<128xi32, #tpu.memory_space<vmem>>
      %dma_wait3A_191 = arith.constant 0 : i32
      %dma_wait3A_192 = arith.constant 0 : i32
      %dma_wait3A_193 = tpu.memref_slice %arg2[%dma_wait3A_191, %dma_wait3A_192] : memref<2000000x32xf32, #tpu.memory_space<hbm>> -> memref<2000000x32xf32, #tpu.memory_space<hbm>>
      tpu.wait_indirect_dma semaphore(%arg7 : memref<!tpu.dma_semaphore, #tpu.memory_space<semaphore_mem>>) src(%dma_wait3A_193 : memref<2000000x32xf32, #tpu.memory_space<hbm>>) dst(%dma_wait3A_187 : memref<128x32xf32, #tpu.memory_space<vmem>>)
      %dma_wait3A_194 = arith.constant 128 : i32
      %dma_wait3A_195 = arith.constant 0 : i32
      %dma_wait3A_196 = tpu.memref_slice %arg6[%dma_wait3A_194, %dma_wait3A_195] : memref<2048x32xf32, #tpu.memory_space<vmem>> -> memref<128x32xf32, #tpu.memory_space<vmem>>
      %dma_wait3A_197 = arith.constant 0 : i32
      %dma_wait3A_198 = tpu.memref_slice %arg5[%add3A_22, %dma_wait3A_197] : memref<80x128xi32, #tpu.memory_space<vmem>> -> memref<1x128xi32, #tpu.memory_space<vmem>>
      %dma_wait3A_199 = tpu.memref_squeeze %dma_wait3A_198 : memref<1x128xi32, #tpu.memory_space<vmem>> -> memref<128xi32, #tpu.memory_space<vmem>>
      %dma_wait3A_200 = arith.constant 0 : i32
      %dma_wait3A_201 = arith.constant 0 : i32
      %dma_wait3A_202 = tpu.memref_slice %arg2[%dma_wait3A_200, %dma_wait3A_201] : memref<2000000x32xf32, #tpu.memory_space<hbm>> -> memref<2000000x32xf32, #tpu.memory_space<hbm>>
      tpu.wait_indirect_dma semaphore(%arg7 : memref<!tpu.dma_semaphore, #tpu.memory_space<semaphore_mem>>) src(%dma_wait3A_202 : memref<2000000x32xf32, #tpu.memory_space<hbm>>) dst(%dma_wait3A_196 : memref<128x32xf32, #tpu.memory_space<vmem>>)
      %dma_wait3A_203 = arith.constant 256 : i32
      %dma_wait3A_204 = arith.constant 0 : i32
      %dma_wait3A_205 = tpu.memref_slice %arg6[%dma_wait3A_203, %dma_wait3A_204] : memref<2048x32xf32, #tpu.memory_space<vmem>> -> memref<128x32xf32, #tpu.memory_space<vmem>>
      %dma_wait3A_206 = arith.constant 0 : i32
      %dma_wait3A_207 = tpu.memref_slice %arg5[%add3A_33, %dma_wait3A_206] : memref<80x128xi32, #tpu.memory_space<vmem>> -> memref<1x128xi32, #tpu.memory_space<vmem>>
      %dma_wait3A_208 = tpu.memref_squeeze %dma_wait3A_207 : memref<1x128xi32, #tpu.memory_space<vmem>> -> memref<128xi32, #tpu.memory_space<vmem>>
      %dma_wait3A_209 = arith.constant 0 : i32
      %dma_wait3A_210 = arith.constant 0 : i32
      %dma_wait3A_211 = tpu.memref_slice %arg2[%dma_wait3A_209, %dma_wait3A_210] : memref<2000000x32xf32, #tpu.memory_space<hbm>> -> memref<2000000x32xf32, #tpu.memory_space<hbm>>
      tpu.wait_indirect_dma semaphore(%arg7 : memref<!tpu.dma_semaphore, #tpu.memory_space<semaphore_mem>>) src(%dma_wait3A_211 : memref<2000000x32xf32, #tpu.memory_space<hbm>>) dst(%dma_wait3A_205 : memref<128x32xf32, #tpu.memory_space<vmem>>)
      %dma_wait3A_212 = arith.constant 384 : i32
      %dma_wait3A_213 = arith.constant 0 : i32
      %dma_wait3A_214 = tpu.memref_slice %arg6[%dma_wait3A_212, %dma_wait3A_213] : memref<2048x32xf32, #tpu.memory_space<vmem>> -> memref<128x32xf32, #tpu.memory_space<vmem>>
      %dma_wait3A_215 = arith.constant 0 : i32
      %dma_wait3A_216 = tpu.memref_slice %arg5[%add3A_44, %dma_wait3A_215] : memref<80x128xi32, #tpu.memory_space<vmem>> -> memref<1x128xi32, #tpu.memory_space<vmem>>
      %dma_wait3A_217 = tpu.memref_squeeze %dma_wait3A_216 : memref<1x128xi32, #tpu.memory_space<vmem>> -> memref<128xi32, #tpu.memory_space<vmem>>
      %dma_wait3A_218 = arith.constant 0 : i32
      %dma_wait3A_219 = arith.constant 0 : i32
      %dma_wait3A_220 = tpu.memref_slice %arg2[%dma_wait3A_218, %dma_wait3A_219] : memref<2000000x32xf32, #tpu.memory_space<hbm>> -> memref<2000000x32xf32, #tpu.memory_space<hbm>>
      tpu.wait_indirect_dma semaphore(%arg7 : memref<!tpu.dma_semaphore, #tpu.memory_space<semaphore_mem>>) src(%dma_wait3A_220 : memref<2000000x32xf32, #tpu.memory_space<hbm>>) dst(%dma_wait3A_214 : memref<128x32xf32, #tpu.memory_space<vmem>>)
      %dma_wait3A_221 = arith.constant 512 : i32
      %dma_wait3A_222 = arith.constant 0 : i32
      %dma_wait3A_223 = tpu.memref_slice %arg6[%dma_wait3A_221, %dma_wait3A_222] : memref<2048x32xf32, #tpu.memory_space<vmem>> -> memref<128x32xf32, #tpu.memory_space<vmem>>
      %dma_wait3A_224 = arith.constant 0 : i32
      %dma_wait3A_225 = tpu.memref_slice %arg5[%add3A_55, %dma_wait3A_224] : memref<80x128xi32, #tpu.memory_space<vmem>> -> memref<1x128xi32, #tpu.memory_space<vmem>>
      %dma_wait3A_226 = tpu.memref_squeeze %dma_wait3A_225 : memref<1x128xi32, #tpu.memory_space<vmem>> -> memref<128xi32, #tpu.memory_space<vmem>>
      %dma_wait3A_227 = arith.constant 0 : i32
      %dma_wait3A_228 = arith.constant 0 : i32
      %dma_wait3A_229 = tpu.memref_slice %arg2[%dma_wait3A_227, %dma_wait3A_228] : memref<2000000x32xf32, #tpu.memory_space<hbm>> -> memref<2000000x32xf32, #tpu.memory_space<hbm>>
      tpu.wait_indirect_dma semaphore(%arg7 : memref<!tpu.dma_semaphore, #tpu.memory_space<semaphore_mem>>) src(%dma_wait3A_229 : memref<2000000x32xf32, #tpu.memory_space<hbm>>) dst(%dma_wait3A_223 : memref<128x32xf32, #tpu.memory_space<vmem>>)
      %dma_wait3A_230 = arith.constant 640 : i32
      %dma_wait3A_231 = arith.constant 0 : i32
      %dma_wait3A_232 = tpu.memref_slice %arg6[%dma_wait3A_230, %dma_wait3A_231] : memref<2048x32xf32, #tpu.memory_space<vmem>> -> memref<128x32xf32, #tpu.memory_space<vmem>>
      %dma_wait3A_233 = arith.constant 0 : i32
      %dma_wait3A_234 = tpu.memref_slice %arg5[%add3A_66, %dma_wait3A_233] : memref<80x128xi32, #tpu.memory_space<vmem>> -> memref<1x128xi32, #tpu.memory_space<vmem>>
      %dma_wait3A_235 = tpu.memref_squeeze %dma_wait3A_234 : memref<1x128xi32, #tpu.memory_space<vmem>> -> memref<128xi32, #tpu.memory_space<vmem>>
      %dma_wait3A_236 = arith.constant 0 : i32
      %dma_wait3A_237 = arith.constant 0 : i32
      %dma_wait3A_238 = tpu.memref_slice %arg2[%dma_wait3A_236, %dma_wait3A_237] : memref<2000000x32xf32, #tpu.memory_space<hbm>> -> memref<2000000x32xf32, #tpu.memory_space<hbm>>
      tpu.wait_indirect_dma semaphore(%arg7 : memref<!tpu.dma_semaphore, #tpu.memory_space<semaphore_mem>>) src(%dma_wait3A_238 : memref<2000000x32xf32, #tpu.memory_space<hbm>>) dst(%dma_wait3A_232 : memref<128x32xf32, #tpu.memory_space<vmem>>)
      %dma_wait3A_239 = arith.constant 768 : i32
      %dma_wait3A_240 = arith.constant 0 : i32
      %dma_wait3A_241 = tpu.memref_slice %arg6[%dma_wait3A_239, %dma_wait3A_240] : memref<2048x32xf32, #tpu.memory_space<vmem>> -> memref<128x32xf32, #tpu.memory_space<vmem>>
      %dma_wait3A_242 = arith.constant 0 : i32
      %dma_wait3A_243 = tpu.memref_slice %arg5[%add3A_77, %dma_wait3A_242] : memref<80x128xi32, #tpu.memory_space<vmem>> -> memref<1x128xi32, #tpu.memory_space<vmem>>
      %dma_wait3A_244 = tpu.memref_squeeze %dma_wait3A_243 : memref<1x128xi32, #tpu.memory_space<vmem>> -> memref<128xi32, #tpu.memory_space<vmem>>
      %dma_wait3A_245 = arith.constant 0 : i32
      %dma_wait3A_246 = arith.constant 0 : i32
      %dma_wait3A_247 = tpu.memref_slice %arg2[%dma_wait3A_245, %dma_wait3A_246] : memref<2000000x32xf32, #tpu.memory_space<hbm>> -> memref<2000000x32xf32, #tpu.memory_space<hbm>>
      tpu.wait_indirect_dma semaphore(%arg7 : memref<!tpu.dma_semaphore, #tpu.memory_space<semaphore_mem>>) src(%dma_wait3A_247 : memref<2000000x32xf32, #tpu.memory_space<hbm>>) dst(%dma_wait3A_241 : memref<128x32xf32, #tpu.memory_space<vmem>>)
      %dma_wait3A_248 = arith.constant 896 : i32
      %dma_wait3A_249 = arith.constant 0 : i32
      %dma_wait3A_250 = tpu.memref_slice %arg6[%dma_wait3A_248, %dma_wait3A_249] : memref<2048x32xf32, #tpu.memory_space<vmem>> -> memref<128x32xf32, #tpu.memory_space<vmem>>
      %dma_wait3A_251 = arith.constant 0 : i32
      %dma_wait3A_252 = tpu.memref_slice %arg5[%add3A_88, %dma_wait3A_251] : memref<80x128xi32, #tpu.memory_space<vmem>> -> memref<1x128xi32, #tpu.memory_space<vmem>>
      %dma_wait3A_253 = tpu.memref_squeeze %dma_wait3A_252 : memref<1x128xi32, #tpu.memory_space<vmem>> -> memref<128xi32, #tpu.memory_space<vmem>>
      %dma_wait3A_254 = arith.constant 0 : i32
      %dma_wait3A_255 = arith.constant 0 : i32
      %dma_wait3A_256 = tpu.memref_slice %arg2[%dma_wait3A_254, %dma_wait3A_255] : memref<2000000x32xf32, #tpu.memory_space<hbm>> -> memref<2000000x32xf32, #tpu.memory_space<hbm>>
      tpu.wait_indirect_dma semaphore(%arg7 : memref<!tpu.dma_semaphore, #tpu.memory_space<semaphore_mem>>) src(%dma_wait3A_256 : memref<2000000x32xf32, #tpu.memory_space<hbm>>) dst(%dma_wait3A_250 : memref<128x32xf32, #tpu.memory_space<vmem>>)
      %dma_wait3A_257 = arith.constant 1024 : i32
      %dma_wait3A_258 = arith.constant 0 : i32
      %dma_wait3A_259 = tpu.memref_slice %arg6[%dma_wait3A_257, %dma_wait3A_258] : memref<2048x32xf32, #tpu.memory_space<vmem>> -> memref<128x32xf32, #tpu.memory_space<vmem>>
      %dma_wait3A_260 = arith.constant 0 : i32
      %dma_wait3A_261 = tpu.memref_slice %arg5[%add3A_99, %dma_wait3A_260] : memref<80x128xi32, #tpu.memory_space<vmem>> -> memref<1x128xi32, #tpu.memory_space<vmem>>
      %dma_wait3A_262 = tpu.memref_squeeze %dma_wait3A_261 : memref<1x128xi32, #tpu.memory_space<vmem>> -> memref<128xi32, #tpu.memory_space<vmem>>
      %dma_wait3A_263 = arith.constant 0 : i32
      %dma_wait3A_264 = arith.constant 0 : i32
      %dma_wait3A_265 = tpu.memref_slice %arg2[%dma_wait3A_263, %dma_wait3A_264] : memref<2000000x32xf32, #tpu.memory_space<hbm>> -> memref<2000000x32xf32, #tpu.memory_space<hbm>>
      tpu.wait_indirect_dma semaphore(%arg7 : memref<!tpu.dma_semaphore, #tpu.memory_space<semaphore_mem>>) src(%dma_wait3A_265 : memref<2000000x32xf32, #tpu.memory_space<hbm>>) dst(%dma_wait3A_259 : memref<128x32xf32, #tpu.memory_space<vmem>>)
      %dma_wait3A_266 = arith.constant 1152 : i32
      %dma_wait3A_267 = arith.constant 0 : i32
      %dma_wait3A_268 = tpu.memref_slice %arg6[%dma_wait3A_266, %dma_wait3A_267] : memref<2048x32xf32, #tpu.memory_space<vmem>> -> memref<128x32xf32, #tpu.memory_space<vmem>>
      %dma_wait3A_269 = arith.constant 0 : i32
      %dma_wait3A_270 = tpu.memref_slice %arg5[%add3A_110, %dma_wait3A_269] : memref<80x128xi32, #tpu.memory_space<vmem>> -> memref<1x128xi32, #tpu.memory_space<vmem>>
      %dma_wait3A_271 = tpu.memref_squeeze %dma_wait3A_270 : memref<1x128xi32, #tpu.memory_space<vmem>> -> memref<128xi32, #tpu.memory_space<vmem>>
      %dma_wait3A_272 = arith.constant 0 : i32
      %dma_wait3A_273 = arith.constant 0 : i32
      %dma_wait3A_274 = tpu.memref_slice %arg2[%dma_wait3A_272, %dma_wait3A_273] : memref<2000000x32xf32, #tpu.memory_space<hbm>> -> memref<2000000x32xf32, #tpu.memory_space<hbm>>
      tpu.wait_indirect_dma semaphore(%arg7 : memref<!tpu.dma_semaphore, #tpu.memory_space<semaphore_mem>>) src(%dma_wait3A_274 : memref<2000000x32xf32, #tpu.memory_space<hbm>>) dst(%dma_wait3A_268 : memref<128x32xf32, #tpu.memory_space<vmem>>)
      %dma_wait3A_275 = arith.constant 1280 : i32
      %dma_wait3A_276 = arith.constant 0 : i32
      %dma_wait3A_277 = tpu.memref_slice %arg6[%dma_wait3A_275, %dma_wait3A_276] : memref<2048x32xf32, #tpu.memory_space<vmem>> -> memref<128x32xf32, #tpu.memory_space<vmem>>
      %dma_wait3A_278 = arith.constant 0 : i32
      %dma_wait3A_279 = tpu.memref_slice %arg5[%add3A_121, %dma_wait3A_278] : memref<80x128xi32, #tpu.memory_space<vmem>> -> memref<1x128xi32, #tpu.memory_space<vmem>>
      %dma_wait3A_280 = tpu.memref_squeeze %dma_wait3A_279 : memref<1x128xi32, #tpu.memory_space<vmem>> -> memref<128xi32, #tpu.memory_space<vmem>>
      %dma_wait3A_281 = arith.constant 0 : i32
      %dma_wait3A_282 = arith.constant 0 : i32
      %dma_wait3A_283 = tpu.memref_slice %arg2[%dma_wait3A_281, %dma_wait3A_282] : memref<2000000x32xf32, #tpu.memory_space<hbm>> -> memref<2000000x32xf32, #tpu.memory_space<hbm>>
      tpu.wait_indirect_dma semaphore(%arg7 : memref<!tpu.dma_semaphore, #tpu.memory_space<semaphore_mem>>) src(%dma_wait3A_283 : memref<2000000x32xf32, #tpu.memory_space<hbm>>) dst(%dma_wait3A_277 : memref<128x32xf32, #tpu.memory_space<vmem>>)
      %dma_wait3A_284 = arith.constant 1408 : i32
      %dma_wait3A_285 = arith.constant 0 : i32
      %dma_wait3A_286 = tpu.memref_slice %arg6[%dma_wait3A_284, %dma_wait3A_285] : memref<2048x32xf32, #tpu.memory_space<vmem>> -> memref<128x32xf32, #tpu.memory_space<vmem>>
      %dma_wait3A_287 = arith.constant 0 : i32
      %dma_wait3A_288 = tpu.memref_slice %arg5[%add3A_132, %dma_wait3A_287] : memref<80x128xi32, #tpu.memory_space<vmem>> -> memref<1x128xi32, #tpu.memory_space<vmem>>
      %dma_wait3A_289 = tpu.memref_squeeze %dma_wait3A_288 : memref<1x128xi32, #tpu.memory_space<vmem>> -> memref<128xi32, #tpu.memory_space<vmem>>
      %dma_wait3A_290 = arith.constant 0 : i32
      %dma_wait3A_291 = arith.constant 0 : i32
      %dma_wait3A_292 = tpu.memref_slice %arg2[%dma_wait3A_290, %dma_wait3A_291] : memref<2000000x32xf32, #tpu.memory_space<hbm>> -> memref<2000000x32xf32, #tpu.memory_space<hbm>>
      tpu.wait_indirect_dma semaphore(%arg7 : memref<!tpu.dma_semaphore, #tpu.memory_space<semaphore_mem>>) src(%dma_wait3A_292 : memref<2000000x32xf32, #tpu.memory_space<hbm>>) dst(%dma_wait3A_286 : memref<128x32xf32, #tpu.memory_space<vmem>>)
      %dma_wait3A_293 = arith.constant 1536 : i32
      %dma_wait3A_294 = arith.constant 0 : i32
      %dma_wait3A_295 = tpu.memref_slice %arg6[%dma_wait3A_293, %dma_wait3A_294] : memref<2048x32xf32, #tpu.memory_space<vmem>> -> memref<128x32xf32, #tpu.memory_space<vmem>>
      %dma_wait3A_296 = arith.constant 0 : i32
      %dma_wait3A_297 = tpu.memref_slice %arg5[%add3A_143, %dma_wait3A_296] : memref<80x128xi32, #tpu.memory_space<vmem>> -> memref<1x128xi32, #tpu.memory_space<vmem>>
      %dma_wait3A_298 = tpu.memref_squeeze %dma_wait3A_297 : memref<1x128xi32, #tpu.memory_space<vmem>> -> memref<128xi32, #tpu.memory_space<vmem>>
      %dma_wait3A_299 = arith.constant 0 : i32
      %dma_wait3A_300 = arith.constant 0 : i32
      %dma_wait3A_301 = tpu.memref_slice %arg2[%dma_wait3A_299, %dma_wait3A_300] : memref<2000000x32xf32, #tpu.memory_space<hbm>> -> memref<2000000x32xf32, #tpu.memory_space<hbm>>
      tpu.wait_indirect_dma semaphore(%arg7 : memref<!tpu.dma_semaphore, #tpu.memory_space<semaphore_mem>>) src(%dma_wait3A_301 : memref<2000000x32xf32, #tpu.memory_space<hbm>>) dst(%dma_wait3A_295 : memref<128x32xf32, #tpu.memory_space<vmem>>)
      %dma_wait3A_302 = arith.constant 1664 : i32
      %dma_wait3A_303 = arith.constant 0 : i32
      %dma_wait3A_304 = tpu.memref_slice %arg6[%dma_wait3A_302, %dma_wait3A_303] : memref<2048x32xf32, #tpu.memory_space<vmem>> -> memref<128x32xf32, #tpu.memory_space<vmem>>
      %dma_wait3A_305 = arith.constant 0 : i32
      %dma_wait3A_306 = tpu.memref_slice %arg5[%add3A_154, %dma_wait3A_305] : memref<80x128xi32, #tpu.memory_space<vmem>> -> memref<1x128xi32, #tpu.memory_space<vmem>>
      %dma_wait3A_307 = tpu.memref_squeeze %dma_wait3A_306 : memref<1x128xi32, #tpu.memory_space<vmem>> -> memref<128xi32, #tpu.memory_space<vmem>>
      %dma_wait3A_308 = arith.constant 0 : i32
      %dma_wait3A_309 = arith.constant 0 : i32
      %dma_wait3A_310 = tpu.memref_slice %arg2[%dma_wait3A_308, %dma_wait3A_309] : memref<2000000x32xf32, #tpu.memory_space<hbm>> -> memref<2000000x32xf32, #tpu.memory_space<hbm>>
      tpu.wait_indirect_dma semaphore(%arg7 : memref<!tpu.dma_semaphore, #tpu.memory_space<semaphore_mem>>) src(%dma_wait3A_310 : memref<2000000x32xf32, #tpu.memory_space<hbm>>) dst(%dma_wait3A_304 : memref<128x32xf32, #tpu.memory_space<vmem>>)
      %dma_wait3A_311 = arith.constant 1792 : i32
      %dma_wait3A_312 = arith.constant 0 : i32
      %dma_wait3A_313 = tpu.memref_slice %arg6[%dma_wait3A_311, %dma_wait3A_312] : memref<2048x32xf32, #tpu.memory_space<vmem>> -> memref<128x32xf32, #tpu.memory_space<vmem>>
      %dma_wait3A_314 = arith.constant 0 : i32
      %dma_wait3A_315 = tpu.memref_slice %arg5[%add3A_165, %dma_wait3A_314] : memref<80x128xi32, #tpu.memory_space<vmem>> -> memref<1x128xi32, #tpu.memory_space<vmem>>
      %dma_wait3A_316 = tpu.memref_squeeze %dma_wait3A_315 : memref<1x128xi32, #tpu.memory_space<vmem>> -> memref<128xi32, #tpu.memory_space<vmem>>
      %dma_wait3A_317 = arith.constant 0 : i32
      %dma_wait3A_318 = arith.constant 0 : i32
      %dma_wait3A_319 = tpu.memref_slice %arg2[%dma_wait3A_317, %dma_wait3A_318] : memref<2000000x32xf32, #tpu.memory_space<hbm>> -> memref<2000000x32xf32, #tpu.memory_space<hbm>>
      tpu.wait_indirect_dma semaphore(%arg7 : memref<!tpu.dma_semaphore, #tpu.memory_space<semaphore_mem>>) src(%dma_wait3A_319 : memref<2000000x32xf32, #tpu.memory_space<hbm>>) dst(%dma_wait3A_313 : memref<128x32xf32, #tpu.memory_space<vmem>>)
      %dma_wait3A_320 = arith.constant 1920 : i32
      %dma_wait3A_321 = arith.constant 0 : i32
      %dma_wait3A_322 = tpu.memref_slice %arg6[%dma_wait3A_320, %dma_wait3A_321] : memref<2048x32xf32, #tpu.memory_space<vmem>> -> memref<128x32xf32, #tpu.memory_space<vmem>>
      %dma_wait3A_323 = arith.constant 0 : i32
      %dma_wait3A_324 = tpu.memref_slice %arg5[%add3A_176, %dma_wait3A_323] : memref<80x128xi32, #tpu.memory_space<vmem>> -> memref<1x128xi32, #tpu.memory_space<vmem>>
      %dma_wait3A_325 = tpu.memref_squeeze %dma_wait3A_324 : memref<1x128xi32, #tpu.memory_space<vmem>> -> memref<128xi32, #tpu.memory_space<vmem>>
      %dma_wait3A_326 = arith.constant 0 : i32
      %dma_wait3A_327 = arith.constant 0 : i32
      %dma_wait3A_328 = tpu.memref_slice %arg2[%dma_wait3A_326, %dma_wait3A_327] : memref<2000000x32xf32, #tpu.memory_space<hbm>> -> memref<2000000x32xf32, #tpu.memory_space<hbm>>
      tpu.wait_indirect_dma semaphore(%arg7 : memref<!tpu.dma_semaphore, #tpu.memory_space<semaphore_mem>>) src(%dma_wait3A_328 : memref<2000000x32xf32, #tpu.memory_space<hbm>>) dst(%dma_wait3A_322 : memref<128x32xf32, #tpu.memory_space<vmem>>)
      %mul3A_329 = arith.constant 2048 : i32
      %mul3A_330 = arith.muli %scan3A_8, %mul3A_329 : i32
      %add3A_331 = arith.addi %mul3A_2, %mul3A_330 : i32
      "tpu.region"() ({
        %run_scoped3A = tpu.sem_alloc : memref<!tpu.dma_semaphore, #tpu.memory_space<semaphore_mem>>
        %dma_start3A_332 = arith.constant 0 : i32
        %dma_start3A_333 = tpu.memref_slice %arg4[%add3A_331, %dma_start3A_332] : memref<327680x32xf32, #tpu.memory_space<hbm>> -> memref<2048x32xf32, #tpu.memory_space<hbm>>
        %dma_start3A_334 = arith.constant 0 : i32
        %dma_start3A_335 = tpu.memref_slice %arg4[%add3A_331, %dma_start3A_334] : memref<327680x32xf32, #tpu.memory_space<hbm>> -> memref<2048x32xf32, #tpu.memory_space<hbm>>
        tpu.enqueue_dma source(%arg6 : memref<2048x32xf32, #tpu.memory_space<vmem>>) target(%dma_start3A_335 : memref<2048x32xf32, #tpu.memory_space<hbm>>) target_semaphore(%run_scoped3A : memref<!tpu.dma_semaphore, #tpu.memory_space<semaphore_mem>>)
        %dma_wait3A_336 = arith.constant 0 : i32
        %dma_wait3A_337 = tpu.memref_slice %arg4[%add3A_331, %dma_wait3A_336] : memref<327680x32xf32, #tpu.memory_space<hbm>> -> memref<2048x32xf32, #tpu.memory_space<hbm>>
        %dma_wait3A_338 = arith.constant 0 : i32
        %dma_wait3A_339 = tpu.memref_slice %arg4[%add3A_331, %dma_wait3A_338] : memref<327680x32xf32, #tpu.memory_space<hbm>> -> memref<2048x32xf32, #tpu.memory_space<hbm>>
        tpu.wait_dma2 semaphore(%run_scoped3A : memref<!tpu.dma_semaphore, #tpu.memory_space<semaphore_mem>>) src(%arg6 : memref<2048x32xf32, #tpu.memory_space<vmem>>) dst(%dma_wait3A_339 : memref<2048x32xf32, #tpu.memory_space<hbm>>)
        tpu.yield
      }) : () -> ()
    }
    %scan3A_7 = arith.constant 5 : i32
    return
  }
}

#map = affine_map<(d0, d1) -> (0, 0)>
#map1 = affine_map<(d0, d1) -> (0, 0, 0)>
module attributes {stable_mosaic.version = 14 : i64} {
  func.func @_gather_body(%arg0: i32, %arg1: i32, %arg2: memref<600000x32xf32, #tpu.memory_space<hbm>>, %arg3: memref<32x24x128xi32, #tpu.memory_space<hbm>>, %arg4: memref<98304x32xf32, #tpu.memory_space<hbm>>, %arg5: memref<24x128xi32, #tpu.memory_space<vmem>>, %arg6: memref<3072x32xf32, #tpu.memory_space<vmem>>, %arg7: memref<!tpu.dma_semaphore, #tpu.memory_space<semaphore_mem>>) attributes {dimension_semantics = [#tpu.dimension_semantics<core_parallel>, #tpu.dimension_semantics<subcore_parallel>], iteration_bounds = array<i64: 2, 16>, scalar_prefetch = 0 : i64, scratch_operands = 3 : i64, tpu.core_type = #tpu.core_type<sc_vector_subcore>, window_params = [{transform_indices = #map}, {transform_indices = #map1}, {transform_indices = #map}]} {
    %mul3A = arith.constant 2 : i32
    %mul3A_0 = arith.muli %arg1, %mul3A : i32
    %add3A = arith.addi %mul3A_0, %arg0 : i32
    %mul3A_1 = arith.constant 3072 : i32
    %mul3A_2 = arith.muli %add3A, %mul3A_1 : i32
    "tpu.region"() ({
      %run_scoped3A = tpu.sem_alloc : memref<!tpu.dma_semaphore, #tpu.memory_space<semaphore_mem>>
      %dma_start3A_488 = arith.constant 0 : i32
      %dma_start3A_489 = arith.constant 0 : i32
      %dma_start3A_490 = tpu.memref_slice %arg3[%add3A, %dma_start3A_488, %dma_start3A_489] : memref<32x24x128xi32, #tpu.memory_space<hbm>> -> memref<1x24x128xi32, #tpu.memory_space<hbm>>
      %dma_start3A_491 = tpu.memref_squeeze %dma_start3A_490 : memref<1x24x128xi32, #tpu.memory_space<hbm>> -> memref<24x128xi32, #tpu.memory_space<hbm>>
      %dma_start3A_492 = arith.constant 0 : i32
      %dma_start3A_493 = arith.constant 0 : i32
      %dma_start3A_494 = tpu.memref_slice %arg3[%add3A, %dma_start3A_492, %dma_start3A_493] : memref<32x24x128xi32, #tpu.memory_space<hbm>> -> memref<1x24x128xi32, #tpu.memory_space<hbm>>
      %dma_start3A_495 = tpu.memref_squeeze %dma_start3A_494 : memref<1x24x128xi32, #tpu.memory_space<hbm>> -> memref<24x128xi32, #tpu.memory_space<hbm>>
      tpu.enqueue_dma source(%dma_start3A_495 : memref<24x128xi32, #tpu.memory_space<hbm>>) target(%arg5 : memref<24x128xi32, #tpu.memory_space<vmem>>) target_semaphore(%run_scoped3A : memref<!tpu.dma_semaphore, #tpu.memory_space<semaphore_mem>>)
      %dma_wait3A_496 = arith.constant 0 : i32
      %dma_wait3A_497 = arith.constant 0 : i32
      %dma_wait3A_498 = tpu.memref_slice %arg3[%add3A, %dma_wait3A_496, %dma_wait3A_497] : memref<32x24x128xi32, #tpu.memory_space<hbm>> -> memref<1x24x128xi32, #tpu.memory_space<hbm>>
      %dma_wait3A_499 = tpu.memref_squeeze %dma_wait3A_498 : memref<1x24x128xi32, #tpu.memory_space<hbm>> -> memref<24x128xi32, #tpu.memory_space<hbm>>
      %dma_wait3A_500 = arith.constant 0 : i32
      %dma_wait3A_501 = arith.constant 0 : i32
      %dma_wait3A_502 = tpu.memref_slice %arg3[%add3A, %dma_wait3A_500, %dma_wait3A_501] : memref<32x24x128xi32, #tpu.memory_space<hbm>> -> memref<1x24x128xi32, #tpu.memory_space<hbm>>
      %dma_wait3A_503 = tpu.memref_squeeze %dma_wait3A_502 : memref<1x24x128xi32, #tpu.memory_space<hbm>> -> memref<24x128xi32, #tpu.memory_space<hbm>>
      tpu.wait_dma2 semaphore(%run_scoped3A : memref<!tpu.dma_semaphore, #tpu.memory_space<semaphore_mem>>) src(%dma_wait3A_503 : memref<24x128xi32, #tpu.memory_space<hbm>>) dst(%arg5 : memref<24x128xi32, #tpu.memory_space<vmem>>)
      tpu.yield
    }) : () -> ()
    %scan3A = arith.constant 0 : i32
    %scan3A_3 = arith.constant 0 : i32
    %mul3A_4 = arith.constant 24 : i32
    %mul3A_5 = arith.muli %scan3A_3, %mul3A_4 : i32
    %add3A_6 = arith.constant 0 : i32
    %add3A_7 = arith.addi %mul3A_5, %add3A_6 : i32
    %dma_start3A = arith.constant 0 : i32
    %dma_start3A_8 = arith.constant 0 : i32
    %dma_start3A_9 = tpu.memref_slice %arg6[%dma_start3A, %dma_start3A_8] : memref<3072x32xf32, #tpu.memory_space<vmem>> -> memref<128x32xf32, #tpu.memory_space<vmem>>
    %dma_start3A_10 = arith.constant 0 : i32
    %dma_start3A_11 = tpu.memref_slice %arg5[%add3A_7, %dma_start3A_10] : memref<24x128xi32, #tpu.memory_space<vmem>> -> memref<1x128xi32, #tpu.memory_space<vmem>>
    %dma_start3A_12 = tpu.memref_squeeze %dma_start3A_11 : memref<1x128xi32, #tpu.memory_space<vmem>> -> memref<128xi32, #tpu.memory_space<vmem>>
    %dma_start3A_13 = arith.constant 0 : i32
    %dma_start3A_14 = arith.constant 0 : i32
    %dma_start3A_15 = tpu.memref_slice %arg2[%dma_start3A_13, %dma_start3A_14] : memref<600000x32xf32, #tpu.memory_space<hbm>> -> memref<600000x32xf32, #tpu.memory_space<hbm>>
    tpu.enqueue_indirect_dma source(%dma_start3A_15 : memref<600000x32xf32, #tpu.memory_space<hbm>>) target(%dma_start3A_9 : memref<128x32xf32, #tpu.memory_space<vmem>>) offsets(%dma_start3A_12 : memref<128xi32, #tpu.memory_space<vmem>>) semaphore(%arg7 : memref<!tpu.dma_semaphore, #tpu.memory_space<semaphore_mem>>)
    %add3A_16 = arith.constant 1 : i32
    %add3A_17 = arith.addi %mul3A_5, %add3A_16 : i32
    %dma_start3A_18 = arith.constant 128 : i32
    %dma_start3A_19 = arith.constant 0 : i32
    %dma_start3A_20 = tpu.memref_slice %arg6[%dma_start3A_18, %dma_start3A_19] : memref<3072x32xf32, #tpu.memory_space<vmem>> -> memref<128x32xf32, #tpu.memory_space<vmem>>
    %dma_start3A_21 = arith.constant 0 : i32
    %dma_start3A_22 = tpu.memref_slice %arg5[%add3A_17, %dma_start3A_21] : memref<24x128xi32, #tpu.memory_space<vmem>> -> memref<1x128xi32, #tpu.memory_space<vmem>>
    %dma_start3A_23 = tpu.memref_squeeze %dma_start3A_22 : memref<1x128xi32, #tpu.memory_space<vmem>> -> memref<128xi32, #tpu.memory_space<vmem>>
    %dma_start3A_24 = arith.constant 0 : i32
    %dma_start3A_25 = arith.constant 0 : i32
    %dma_start3A_26 = tpu.memref_slice %arg2[%dma_start3A_24, %dma_start3A_25] : memref<600000x32xf32, #tpu.memory_space<hbm>> -> memref<600000x32xf32, #tpu.memory_space<hbm>>
    tpu.enqueue_indirect_dma source(%dma_start3A_26 : memref<600000x32xf32, #tpu.memory_space<hbm>>) target(%dma_start3A_20 : memref<128x32xf32, #tpu.memory_space<vmem>>) offsets(%dma_start3A_23 : memref<128xi32, #tpu.memory_space<vmem>>) semaphore(%arg7 : memref<!tpu.dma_semaphore, #tpu.memory_space<semaphore_mem>>)
    %add3A_27 = arith.constant 2 : i32
    %add3A_28 = arith.addi %mul3A_5, %add3A_27 : i32
    %dma_start3A_29 = arith.constant 256 : i32
    %dma_start3A_30 = arith.constant 0 : i32
    %dma_start3A_31 = tpu.memref_slice %arg6[%dma_start3A_29, %dma_start3A_30] : memref<3072x32xf32, #tpu.memory_space<vmem>> -> memref<128x32xf32, #tpu.memory_space<vmem>>
    %dma_start3A_32 = arith.constant 0 : i32
    %dma_start3A_33 = tpu.memref_slice %arg5[%add3A_28, %dma_start3A_32] : memref<24x128xi32, #tpu.memory_space<vmem>> -> memref<1x128xi32, #tpu.memory_space<vmem>>
    %dma_start3A_34 = tpu.memref_squeeze %dma_start3A_33 : memref<1x128xi32, #tpu.memory_space<vmem>> -> memref<128xi32, #tpu.memory_space<vmem>>
    %dma_start3A_35 = arith.constant 0 : i32
    %dma_start3A_36 = arith.constant 0 : i32
    %dma_start3A_37 = tpu.memref_slice %arg2[%dma_start3A_35, %dma_start3A_36] : memref<600000x32xf32, #tpu.memory_space<hbm>> -> memref<600000x32xf32, #tpu.memory_space<hbm>>
    tpu.enqueue_indirect_dma source(%dma_start3A_37 : memref<600000x32xf32, #tpu.memory_space<hbm>>) target(%dma_start3A_31 : memref<128x32xf32, #tpu.memory_space<vmem>>) offsets(%dma_start3A_34 : memref<128xi32, #tpu.memory_space<vmem>>) semaphore(%arg7 : memref<!tpu.dma_semaphore, #tpu.memory_space<semaphore_mem>>)
    %add3A_38 = arith.constant 3 : i32
    %add3A_39 = arith.addi %mul3A_5, %add3A_38 : i32
    %dma_start3A_40 = arith.constant 384 : i32
    %dma_start3A_41 = arith.constant 0 : i32
    %dma_start3A_42 = tpu.memref_slice %arg6[%dma_start3A_40, %dma_start3A_41] : memref<3072x32xf32, #tpu.memory_space<vmem>> -> memref<128x32xf32, #tpu.memory_space<vmem>>
    %dma_start3A_43 = arith.constant 0 : i32
    %dma_start3A_44 = tpu.memref_slice %arg5[%add3A_39, %dma_start3A_43] : memref<24x128xi32, #tpu.memory_space<vmem>> -> memref<1x128xi32, #tpu.memory_space<vmem>>
    %dma_start3A_45 = tpu.memref_squeeze %dma_start3A_44 : memref<1x128xi32, #tpu.memory_space<vmem>> -> memref<128xi32, #tpu.memory_space<vmem>>
    %dma_start3A_46 = arith.constant 0 : i32
    %dma_start3A_47 = arith.constant 0 : i32
    %dma_start3A_48 = tpu.memref_slice %arg2[%dma_start3A_46, %dma_start3A_47] : memref<600000x32xf32, #tpu.memory_space<hbm>> -> memref<600000x32xf32, #tpu.memory_space<hbm>>
    tpu.enqueue_indirect_dma source(%dma_start3A_48 : memref<600000x32xf32, #tpu.memory_space<hbm>>) target(%dma_start3A_42 : memref<128x32xf32, #tpu.memory_space<vmem>>) offsets(%dma_start3A_45 : memref<128xi32, #tpu.memory_space<vmem>>) semaphore(%arg7 : memref<!tpu.dma_semaphore, #tpu.memory_space<semaphore_mem>>)
    %add3A_49 = arith.constant 4 : i32
    %add3A_50 = arith.addi %mul3A_5, %add3A_49 : i32
    %dma_start3A_51 = arith.constant 512 : i32
    %dma_start3A_52 = arith.constant 0 : i32
    %dma_start3A_53 = tpu.memref_slice %arg6[%dma_start3A_51, %dma_start3A_52] : memref<3072x32xf32, #tpu.memory_space<vmem>> -> memref<128x32xf32, #tpu.memory_space<vmem>>
    %dma_start3A_54 = arith.constant 0 : i32
    %dma_start3A_55 = tpu.memref_slice %arg5[%add3A_50, %dma_start3A_54] : memref<24x128xi32, #tpu.memory_space<vmem>> -> memref<1x128xi32, #tpu.memory_space<vmem>>
    %dma_start3A_56 = tpu.memref_squeeze %dma_start3A_55 : memref<1x128xi32, #tpu.memory_space<vmem>> -> memref<128xi32, #tpu.memory_space<vmem>>
    %dma_start3A_57 = arith.constant 0 : i32
    %dma_start3A_58 = arith.constant 0 : i32
    %dma_start3A_59 = tpu.memref_slice %arg2[%dma_start3A_57, %dma_start3A_58] : memref<600000x32xf32, #tpu.memory_space<hbm>> -> memref<600000x32xf32, #tpu.memory_space<hbm>>
    tpu.enqueue_indirect_dma source(%dma_start3A_59 : memref<600000x32xf32, #tpu.memory_space<hbm>>) target(%dma_start3A_53 : memref<128x32xf32, #tpu.memory_space<vmem>>) offsets(%dma_start3A_56 : memref<128xi32, #tpu.memory_space<vmem>>) semaphore(%arg7 : memref<!tpu.dma_semaphore, #tpu.memory_space<semaphore_mem>>)
    %add3A_60 = arith.constant 5 : i32
    %add3A_61 = arith.addi %mul3A_5, %add3A_60 : i32
    %dma_start3A_62 = arith.constant 640 : i32
    %dma_start3A_63 = arith.constant 0 : i32
    %dma_start3A_64 = tpu.memref_slice %arg6[%dma_start3A_62, %dma_start3A_63] : memref<3072x32xf32, #tpu.memory_space<vmem>> -> memref<128x32xf32, #tpu.memory_space<vmem>>
    %dma_start3A_65 = arith.constant 0 : i32
    %dma_start3A_66 = tpu.memref_slice %arg5[%add3A_61, %dma_start3A_65] : memref<24x128xi32, #tpu.memory_space<vmem>> -> memref<1x128xi32, #tpu.memory_space<vmem>>
    %dma_start3A_67 = tpu.memref_squeeze %dma_start3A_66 : memref<1x128xi32, #tpu.memory_space<vmem>> -> memref<128xi32, #tpu.memory_space<vmem>>
    %dma_start3A_68 = arith.constant 0 : i32
    %dma_start3A_69 = arith.constant 0 : i32
    %dma_start3A_70 = tpu.memref_slice %arg2[%dma_start3A_68, %dma_start3A_69] : memref<600000x32xf32, #tpu.memory_space<hbm>> -> memref<600000x32xf32, #tpu.memory_space<hbm>>
    tpu.enqueue_indirect_dma source(%dma_start3A_70 : memref<600000x32xf32, #tpu.memory_space<hbm>>) target(%dma_start3A_64 : memref<128x32xf32, #tpu.memory_space<vmem>>) offsets(%dma_start3A_67 : memref<128xi32, #tpu.memory_space<vmem>>) semaphore(%arg7 : memref<!tpu.dma_semaphore, #tpu.memory_space<semaphore_mem>>)
    %add3A_71 = arith.constant 6 : i32
    %add3A_72 = arith.addi %mul3A_5, %add3A_71 : i32
    %dma_start3A_73 = arith.constant 768 : i32
    %dma_start3A_74 = arith.constant 0 : i32
    %dma_start3A_75 = tpu.memref_slice %arg6[%dma_start3A_73, %dma_start3A_74] : memref<3072x32xf32, #tpu.memory_space<vmem>> -> memref<128x32xf32, #tpu.memory_space<vmem>>
    %dma_start3A_76 = arith.constant 0 : i32
    %dma_start3A_77 = tpu.memref_slice %arg5[%add3A_72, %dma_start3A_76] : memref<24x128xi32, #tpu.memory_space<vmem>> -> memref<1x128xi32, #tpu.memory_space<vmem>>
    %dma_start3A_78 = tpu.memref_squeeze %dma_start3A_77 : memref<1x128xi32, #tpu.memory_space<vmem>> -> memref<128xi32, #tpu.memory_space<vmem>>
    %dma_start3A_79 = arith.constant 0 : i32
    %dma_start3A_80 = arith.constant 0 : i32
    %dma_start3A_81 = tpu.memref_slice %arg2[%dma_start3A_79, %dma_start3A_80] : memref<600000x32xf32, #tpu.memory_space<hbm>> -> memref<600000x32xf32, #tpu.memory_space<hbm>>
    tpu.enqueue_indirect_dma source(%dma_start3A_81 : memref<600000x32xf32, #tpu.memory_space<hbm>>) target(%dma_start3A_75 : memref<128x32xf32, #tpu.memory_space<vmem>>) offsets(%dma_start3A_78 : memref<128xi32, #tpu.memory_space<vmem>>) semaphore(%arg7 : memref<!tpu.dma_semaphore, #tpu.memory_space<semaphore_mem>>)
    %add3A_82 = arith.constant 7 : i32
    %add3A_83 = arith.addi %mul3A_5, %add3A_82 : i32
    %dma_start3A_84 = arith.constant 896 : i32
    %dma_start3A_85 = arith.constant 0 : i32
    %dma_start3A_86 = tpu.memref_slice %arg6[%dma_start3A_84, %dma_start3A_85] : memref<3072x32xf32, #tpu.memory_space<vmem>> -> memref<128x32xf32, #tpu.memory_space<vmem>>
    %dma_start3A_87 = arith.constant 0 : i32
    %dma_start3A_88 = tpu.memref_slice %arg5[%add3A_83, %dma_start3A_87] : memref<24x128xi32, #tpu.memory_space<vmem>> -> memref<1x128xi32, #tpu.memory_space<vmem>>
    %dma_start3A_89 = tpu.memref_squeeze %dma_start3A_88 : memref<1x128xi32, #tpu.memory_space<vmem>> -> memref<128xi32, #tpu.memory_space<vmem>>
    %dma_start3A_90 = arith.constant 0 : i32
    %dma_start3A_91 = arith.constant 0 : i32
    %dma_start3A_92 = tpu.memref_slice %arg2[%dma_start3A_90, %dma_start3A_91] : memref<600000x32xf32, #tpu.memory_space<hbm>> -> memref<600000x32xf32, #tpu.memory_space<hbm>>
    tpu.enqueue_indirect_dma source(%dma_start3A_92 : memref<600000x32xf32, #tpu.memory_space<hbm>>) target(%dma_start3A_86 : memref<128x32xf32, #tpu.memory_space<vmem>>) offsets(%dma_start3A_89 : memref<128xi32, #tpu.memory_space<vmem>>) semaphore(%arg7 : memref<!tpu.dma_semaphore, #tpu.memory_space<semaphore_mem>>)
    %add3A_93 = arith.constant 8 : i32
    %add3A_94 = arith.addi %mul3A_5, %add3A_93 : i32
    %dma_start3A_95 = arith.constant 1024 : i32
    %dma_start3A_96 = arith.constant 0 : i32
    %dma_start3A_97 = tpu.memref_slice %arg6[%dma_start3A_95, %dma_start3A_96] : memref<3072x32xf32, #tpu.memory_space<vmem>> -> memref<128x32xf32, #tpu.memory_space<vmem>>
    %dma_start3A_98 = arith.constant 0 : i32
    %dma_start3A_99 = tpu.memref_slice %arg5[%add3A_94, %dma_start3A_98] : memref<24x128xi32, #tpu.memory_space<vmem>> -> memref<1x128xi32, #tpu.memory_space<vmem>>
    %dma_start3A_100 = tpu.memref_squeeze %dma_start3A_99 : memref<1x128xi32, #tpu.memory_space<vmem>> -> memref<128xi32, #tpu.memory_space<vmem>>
    %dma_start3A_101 = arith.constant 0 : i32
    %dma_start3A_102 = arith.constant 0 : i32
    %dma_start3A_103 = tpu.memref_slice %arg2[%dma_start3A_101, %dma_start3A_102] : memref<600000x32xf32, #tpu.memory_space<hbm>> -> memref<600000x32xf32, #tpu.memory_space<hbm>>
    tpu.enqueue_indirect_dma source(%dma_start3A_103 : memref<600000x32xf32, #tpu.memory_space<hbm>>) target(%dma_start3A_97 : memref<128x32xf32, #tpu.memory_space<vmem>>) offsets(%dma_start3A_100 : memref<128xi32, #tpu.memory_space<vmem>>) semaphore(%arg7 : memref<!tpu.dma_semaphore, #tpu.memory_space<semaphore_mem>>)
    %add3A_104 = arith.constant 9 : i32
    %add3A_105 = arith.addi %mul3A_5, %add3A_104 : i32
    %dma_start3A_106 = arith.constant 1152 : i32
    %dma_start3A_107 = arith.constant 0 : i32
    %dma_start3A_108 = tpu.memref_slice %arg6[%dma_start3A_106, %dma_start3A_107] : memref<3072x32xf32, #tpu.memory_space<vmem>> -> memref<128x32xf32, #tpu.memory_space<vmem>>
    %dma_start3A_109 = arith.constant 0 : i32
    %dma_start3A_110 = tpu.memref_slice %arg5[%add3A_105, %dma_start3A_109] : memref<24x128xi32, #tpu.memory_space<vmem>> -> memref<1x128xi32, #tpu.memory_space<vmem>>
    %dma_start3A_111 = tpu.memref_squeeze %dma_start3A_110 : memref<1x128xi32, #tpu.memory_space<vmem>> -> memref<128xi32, #tpu.memory_space<vmem>>
    %dma_start3A_112 = arith.constant 0 : i32
    %dma_start3A_113 = arith.constant 0 : i32
    %dma_start3A_114 = tpu.memref_slice %arg2[%dma_start3A_112, %dma_start3A_113] : memref<600000x32xf32, #tpu.memory_space<hbm>> -> memref<600000x32xf32, #tpu.memory_space<hbm>>
    tpu.enqueue_indirect_dma source(%dma_start3A_114 : memref<600000x32xf32, #tpu.memory_space<hbm>>) target(%dma_start3A_108 : memref<128x32xf32, #tpu.memory_space<vmem>>) offsets(%dma_start3A_111 : memref<128xi32, #tpu.memory_space<vmem>>) semaphore(%arg7 : memref<!tpu.dma_semaphore, #tpu.memory_space<semaphore_mem>>)
    %add3A_115 = arith.constant 10 : i32
    %add3A_116 = arith.addi %mul3A_5, %add3A_115 : i32
    %dma_start3A_117 = arith.constant 1280 : i32
    %dma_start3A_118 = arith.constant 0 : i32
    %dma_start3A_119 = tpu.memref_slice %arg6[%dma_start3A_117, %dma_start3A_118] : memref<3072x32xf32, #tpu.memory_space<vmem>> -> memref<128x32xf32, #tpu.memory_space<vmem>>
    %dma_start3A_120 = arith.constant 0 : i32
    %dma_start3A_121 = tpu.memref_slice %arg5[%add3A_116, %dma_start3A_120] : memref<24x128xi32, #tpu.memory_space<vmem>> -> memref<1x128xi32, #tpu.memory_space<vmem>>
    %dma_start3A_122 = tpu.memref_squeeze %dma_start3A_121 : memref<1x128xi32, #tpu.memory_space<vmem>> -> memref<128xi32, #tpu.memory_space<vmem>>
    %dma_start3A_123 = arith.constant 0 : i32
    %dma_start3A_124 = arith.constant 0 : i32
    %dma_start3A_125 = tpu.memref_slice %arg2[%dma_start3A_123, %dma_start3A_124] : memref<600000x32xf32, #tpu.memory_space<hbm>> -> memref<600000x32xf32, #tpu.memory_space<hbm>>
    tpu.enqueue_indirect_dma source(%dma_start3A_125 : memref<600000x32xf32, #tpu.memory_space<hbm>>) target(%dma_start3A_119 : memref<128x32xf32, #tpu.memory_space<vmem>>) offsets(%dma_start3A_122 : memref<128xi32, #tpu.memory_space<vmem>>) semaphore(%arg7 : memref<!tpu.dma_semaphore, #tpu.memory_space<semaphore_mem>>)
    %add3A_126 = arith.constant 11 : i32
    %add3A_127 = arith.addi %mul3A_5, %add3A_126 : i32
    %dma_start3A_128 = arith.constant 1408 : i32
    %dma_start3A_129 = arith.constant 0 : i32
    %dma_start3A_130 = tpu.memref_slice %arg6[%dma_start3A_128, %dma_start3A_129] : memref<3072x32xf32, #tpu.memory_space<vmem>> -> memref<128x32xf32, #tpu.memory_space<vmem>>
    %dma_start3A_131 = arith.constant 0 : i32
    %dma_start3A_132 = tpu.memref_slice %arg5[%add3A_127, %dma_start3A_131] : memref<24x128xi32, #tpu.memory_space<vmem>> -> memref<1x128xi32, #tpu.memory_space<vmem>>
    %dma_start3A_133 = tpu.memref_squeeze %dma_start3A_132 : memref<1x128xi32, #tpu.memory_space<vmem>> -> memref<128xi32, #tpu.memory_space<vmem>>
    %dma_start3A_134 = arith.constant 0 : i32
    %dma_start3A_135 = arith.constant 0 : i32
    %dma_start3A_136 = tpu.memref_slice %arg2[%dma_start3A_134, %dma_start3A_135] : memref<600000x32xf32, #tpu.memory_space<hbm>> -> memref<600000x32xf32, #tpu.memory_space<hbm>>
    tpu.enqueue_indirect_dma source(%dma_start3A_136 : memref<600000x32xf32, #tpu.memory_space<hbm>>) target(%dma_start3A_130 : memref<128x32xf32, #tpu.memory_space<vmem>>) offsets(%dma_start3A_133 : memref<128xi32, #tpu.memory_space<vmem>>) semaphore(%arg7 : memref<!tpu.dma_semaphore, #tpu.memory_space<semaphore_mem>>)
    %add3A_137 = arith.constant 12 : i32
    %add3A_138 = arith.addi %mul3A_5, %add3A_137 : i32
    %dma_start3A_139 = arith.constant 1536 : i32
    %dma_start3A_140 = arith.constant 0 : i32
    %dma_start3A_141 = tpu.memref_slice %arg6[%dma_start3A_139, %dma_start3A_140] : memref<3072x32xf32, #tpu.memory_space<vmem>> -> memref<128x32xf32, #tpu.memory_space<vmem>>
    %dma_start3A_142 = arith.constant 0 : i32
    %dma_start3A_143 = tpu.memref_slice %arg5[%add3A_138, %dma_start3A_142] : memref<24x128xi32, #tpu.memory_space<vmem>> -> memref<1x128xi32, #tpu.memory_space<vmem>>
    %dma_start3A_144 = tpu.memref_squeeze %dma_start3A_143 : memref<1x128xi32, #tpu.memory_space<vmem>> -> memref<128xi32, #tpu.memory_space<vmem>>
    %dma_start3A_145 = arith.constant 0 : i32
    %dma_start3A_146 = arith.constant 0 : i32
    %dma_start3A_147 = tpu.memref_slice %arg2[%dma_start3A_145, %dma_start3A_146] : memref<600000x32xf32, #tpu.memory_space<hbm>> -> memref<600000x32xf32, #tpu.memory_space<hbm>>
    tpu.enqueue_indirect_dma source(%dma_start3A_147 : memref<600000x32xf32, #tpu.memory_space<hbm>>) target(%dma_start3A_141 : memref<128x32xf32, #tpu.memory_space<vmem>>) offsets(%dma_start3A_144 : memref<128xi32, #tpu.memory_space<vmem>>) semaphore(%arg7 : memref<!tpu.dma_semaphore, #tpu.memory_space<semaphore_mem>>)
    %add3A_148 = arith.constant 13 : i32
    %add3A_149 = arith.addi %mul3A_5, %add3A_148 : i32
    %dma_start3A_150 = arith.constant 1664 : i32
    %dma_start3A_151 = arith.constant 0 : i32
    %dma_start3A_152 = tpu.memref_slice %arg6[%dma_start3A_150, %dma_start3A_151] : memref<3072x32xf32, #tpu.memory_space<vmem>> -> memref<128x32xf32, #tpu.memory_space<vmem>>
    %dma_start3A_153 = arith.constant 0 : i32
    %dma_start3A_154 = tpu.memref_slice %arg5[%add3A_149, %dma_start3A_153] : memref<24x128xi32, #tpu.memory_space<vmem>> -> memref<1x128xi32, #tpu.memory_space<vmem>>
    %dma_start3A_155 = tpu.memref_squeeze %dma_start3A_154 : memref<1x128xi32, #tpu.memory_space<vmem>> -> memref<128xi32, #tpu.memory_space<vmem>>
    %dma_start3A_156 = arith.constant 0 : i32
    %dma_start3A_157 = arith.constant 0 : i32
    %dma_start3A_158 = tpu.memref_slice %arg2[%dma_start3A_156, %dma_start3A_157] : memref<600000x32xf32, #tpu.memory_space<hbm>> -> memref<600000x32xf32, #tpu.memory_space<hbm>>
    tpu.enqueue_indirect_dma source(%dma_start3A_158 : memref<600000x32xf32, #tpu.memory_space<hbm>>) target(%dma_start3A_152 : memref<128x32xf32, #tpu.memory_space<vmem>>) offsets(%dma_start3A_155 : memref<128xi32, #tpu.memory_space<vmem>>) semaphore(%arg7 : memref<!tpu.dma_semaphore, #tpu.memory_space<semaphore_mem>>)
    %add3A_159 = arith.constant 14 : i32
    %add3A_160 = arith.addi %mul3A_5, %add3A_159 : i32
    %dma_start3A_161 = arith.constant 1792 : i32
    %dma_start3A_162 = arith.constant 0 : i32
    %dma_start3A_163 = tpu.memref_slice %arg6[%dma_start3A_161, %dma_start3A_162] : memref<3072x32xf32, #tpu.memory_space<vmem>> -> memref<128x32xf32, #tpu.memory_space<vmem>>
    %dma_start3A_164 = arith.constant 0 : i32
    %dma_start3A_165 = tpu.memref_slice %arg5[%add3A_160, %dma_start3A_164] : memref<24x128xi32, #tpu.memory_space<vmem>> -> memref<1x128xi32, #tpu.memory_space<vmem>>
    %dma_start3A_166 = tpu.memref_squeeze %dma_start3A_165 : memref<1x128xi32, #tpu.memory_space<vmem>> -> memref<128xi32, #tpu.memory_space<vmem>>
    %dma_start3A_167 = arith.constant 0 : i32
    %dma_start3A_168 = arith.constant 0 : i32
    %dma_start3A_169 = tpu.memref_slice %arg2[%dma_start3A_167, %dma_start3A_168] : memref<600000x32xf32, #tpu.memory_space<hbm>> -> memref<600000x32xf32, #tpu.memory_space<hbm>>
    tpu.enqueue_indirect_dma source(%dma_start3A_169 : memref<600000x32xf32, #tpu.memory_space<hbm>>) target(%dma_start3A_163 : memref<128x32xf32, #tpu.memory_space<vmem>>) offsets(%dma_start3A_166 : memref<128xi32, #tpu.memory_space<vmem>>) semaphore(%arg7 : memref<!tpu.dma_semaphore, #tpu.memory_space<semaphore_mem>>)
    %add3A_170 = arith.constant 15 : i32
    %add3A_171 = arith.addi %mul3A_5, %add3A_170 : i32
    %dma_start3A_172 = arith.constant 1920 : i32
    %dma_start3A_173 = arith.constant 0 : i32
    %dma_start3A_174 = tpu.memref_slice %arg6[%dma_start3A_172, %dma_start3A_173] : memref<3072x32xf32, #tpu.memory_space<vmem>> -> memref<128x32xf32, #tpu.memory_space<vmem>>
    %dma_start3A_175 = arith.constant 0 : i32
    %dma_start3A_176 = tpu.memref_slice %arg5[%add3A_171, %dma_start3A_175] : memref<24x128xi32, #tpu.memory_space<vmem>> -> memref<1x128xi32, #tpu.memory_space<vmem>>
    %dma_start3A_177 = tpu.memref_squeeze %dma_start3A_176 : memref<1x128xi32, #tpu.memory_space<vmem>> -> memref<128xi32, #tpu.memory_space<vmem>>
    %dma_start3A_178 = arith.constant 0 : i32
    %dma_start3A_179 = arith.constant 0 : i32
    %dma_start3A_180 = tpu.memref_slice %arg2[%dma_start3A_178, %dma_start3A_179] : memref<600000x32xf32, #tpu.memory_space<hbm>> -> memref<600000x32xf32, #tpu.memory_space<hbm>>
    tpu.enqueue_indirect_dma source(%dma_start3A_180 : memref<600000x32xf32, #tpu.memory_space<hbm>>) target(%dma_start3A_174 : memref<128x32xf32, #tpu.memory_space<vmem>>) offsets(%dma_start3A_177 : memref<128xi32, #tpu.memory_space<vmem>>) semaphore(%arg7 : memref<!tpu.dma_semaphore, #tpu.memory_space<semaphore_mem>>)
    %add3A_181 = arith.constant 16 : i32
    %add3A_182 = arith.addi %mul3A_5, %add3A_181 : i32
    %dma_start3A_183 = arith.constant 2048 : i32
    %dma_start3A_184 = arith.constant 0 : i32
    %dma_start3A_185 = tpu.memref_slice %arg6[%dma_start3A_183, %dma_start3A_184] : memref<3072x32xf32, #tpu.memory_space<vmem>> -> memref<128x32xf32, #tpu.memory_space<vmem>>
    %dma_start3A_186 = arith.constant 0 : i32
    %dma_start3A_187 = tpu.memref_slice %arg5[%add3A_182, %dma_start3A_186] : memref<24x128xi32, #tpu.memory_space<vmem>> -> memref<1x128xi32, #tpu.memory_space<vmem>>
    %dma_start3A_188 = tpu.memref_squeeze %dma_start3A_187 : memref<1x128xi32, #tpu.memory_space<vmem>> -> memref<128xi32, #tpu.memory_space<vmem>>
    %dma_start3A_189 = arith.constant 0 : i32
    %dma_start3A_190 = arith.constant 0 : i32
    %dma_start3A_191 = tpu.memref_slice %arg2[%dma_start3A_189, %dma_start3A_190] : memref<600000x32xf32, #tpu.memory_space<hbm>> -> memref<600000x32xf32, #tpu.memory_space<hbm>>
    tpu.enqueue_indirect_dma source(%dma_start3A_191 : memref<600000x32xf32, #tpu.memory_space<hbm>>) target(%dma_start3A_185 : memref<128x32xf32, #tpu.memory_space<vmem>>) offsets(%dma_start3A_188 : memref<128xi32, #tpu.memory_space<vmem>>) semaphore(%arg7 : memref<!tpu.dma_semaphore, #tpu.memory_space<semaphore_mem>>)
    %add3A_192 = arith.constant 17 : i32
    %add3A_193 = arith.addi %mul3A_5, %add3A_192 : i32
    %dma_start3A_194 = arith.constant 2176 : i32
    %dma_start3A_195 = arith.constant 0 : i32
    %dma_start3A_196 = tpu.memref_slice %arg6[%dma_start3A_194, %dma_start3A_195] : memref<3072x32xf32, #tpu.memory_space<vmem>> -> memref<128x32xf32, #tpu.memory_space<vmem>>
    %dma_start3A_197 = arith.constant 0 : i32
    %dma_start3A_198 = tpu.memref_slice %arg5[%add3A_193, %dma_start3A_197] : memref<24x128xi32, #tpu.memory_space<vmem>> -> memref<1x128xi32, #tpu.memory_space<vmem>>
    %dma_start3A_199 = tpu.memref_squeeze %dma_start3A_198 : memref<1x128xi32, #tpu.memory_space<vmem>> -> memref<128xi32, #tpu.memory_space<vmem>>
    %dma_start3A_200 = arith.constant 0 : i32
    %dma_start3A_201 = arith.constant 0 : i32
    %dma_start3A_202 = tpu.memref_slice %arg2[%dma_start3A_200, %dma_start3A_201] : memref<600000x32xf32, #tpu.memory_space<hbm>> -> memref<600000x32xf32, #tpu.memory_space<hbm>>
    tpu.enqueue_indirect_dma source(%dma_start3A_202 : memref<600000x32xf32, #tpu.memory_space<hbm>>) target(%dma_start3A_196 : memref<128x32xf32, #tpu.memory_space<vmem>>) offsets(%dma_start3A_199 : memref<128xi32, #tpu.memory_space<vmem>>) semaphore(%arg7 : memref<!tpu.dma_semaphore, #tpu.memory_space<semaphore_mem>>)
    %add3A_203 = arith.constant 18 : i32
    %add3A_204 = arith.addi %mul3A_5, %add3A_203 : i32
    %dma_start3A_205 = arith.constant 2304 : i32
    %dma_start3A_206 = arith.constant 0 : i32
    %dma_start3A_207 = tpu.memref_slice %arg6[%dma_start3A_205, %dma_start3A_206] : memref<3072x32xf32, #tpu.memory_space<vmem>> -> memref<128x32xf32, #tpu.memory_space<vmem>>
    %dma_start3A_208 = arith.constant 0 : i32
    %dma_start3A_209 = tpu.memref_slice %arg5[%add3A_204, %dma_start3A_208] : memref<24x128xi32, #tpu.memory_space<vmem>> -> memref<1x128xi32, #tpu.memory_space<vmem>>
    %dma_start3A_210 = tpu.memref_squeeze %dma_start3A_209 : memref<1x128xi32, #tpu.memory_space<vmem>> -> memref<128xi32, #tpu.memory_space<vmem>>
    %dma_start3A_211 = arith.constant 0 : i32
    %dma_start3A_212 = arith.constant 0 : i32
    %dma_start3A_213 = tpu.memref_slice %arg2[%dma_start3A_211, %dma_start3A_212] : memref<600000x32xf32, #tpu.memory_space<hbm>> -> memref<600000x32xf32, #tpu.memory_space<hbm>>
    tpu.enqueue_indirect_dma source(%dma_start3A_213 : memref<600000x32xf32, #tpu.memory_space<hbm>>) target(%dma_start3A_207 : memref<128x32xf32, #tpu.memory_space<vmem>>) offsets(%dma_start3A_210 : memref<128xi32, #tpu.memory_space<vmem>>) semaphore(%arg7 : memref<!tpu.dma_semaphore, #tpu.memory_space<semaphore_mem>>)
    %add3A_214 = arith.constant 19 : i32
    %add3A_215 = arith.addi %mul3A_5, %add3A_214 : i32
    %dma_start3A_216 = arith.constant 2432 : i32
    %dma_start3A_217 = arith.constant 0 : i32
    %dma_start3A_218 = tpu.memref_slice %arg6[%dma_start3A_216, %dma_start3A_217] : memref<3072x32xf32, #tpu.memory_space<vmem>> -> memref<128x32xf32, #tpu.memory_space<vmem>>
    %dma_start3A_219 = arith.constant 0 : i32
    %dma_start3A_220 = tpu.memref_slice %arg5[%add3A_215, %dma_start3A_219] : memref<24x128xi32, #tpu.memory_space<vmem>> -> memref<1x128xi32, #tpu.memory_space<vmem>>
    %dma_start3A_221 = tpu.memref_squeeze %dma_start3A_220 : memref<1x128xi32, #tpu.memory_space<vmem>> -> memref<128xi32, #tpu.memory_space<vmem>>
    %dma_start3A_222 = arith.constant 0 : i32
    %dma_start3A_223 = arith.constant 0 : i32
    %dma_start3A_224 = tpu.memref_slice %arg2[%dma_start3A_222, %dma_start3A_223] : memref<600000x32xf32, #tpu.memory_space<hbm>> -> memref<600000x32xf32, #tpu.memory_space<hbm>>
    tpu.enqueue_indirect_dma source(%dma_start3A_224 : memref<600000x32xf32, #tpu.memory_space<hbm>>) target(%dma_start3A_218 : memref<128x32xf32, #tpu.memory_space<vmem>>) offsets(%dma_start3A_221 : memref<128xi32, #tpu.memory_space<vmem>>) semaphore(%arg7 : memref<!tpu.dma_semaphore, #tpu.memory_space<semaphore_mem>>)
    %add3A_225 = arith.constant 20 : i32
    %add3A_226 = arith.addi %mul3A_5, %add3A_225 : i32
    %dma_start3A_227 = arith.constant 2560 : i32
    %dma_start3A_228 = arith.constant 0 : i32
    %dma_start3A_229 = tpu.memref_slice %arg6[%dma_start3A_227, %dma_start3A_228] : memref<3072x32xf32, #tpu.memory_space<vmem>> -> memref<128x32xf32, #tpu.memory_space<vmem>>
    %dma_start3A_230 = arith.constant 0 : i32
    %dma_start3A_231 = tpu.memref_slice %arg5[%add3A_226, %dma_start3A_230] : memref<24x128xi32, #tpu.memory_space<vmem>> -> memref<1x128xi32, #tpu.memory_space<vmem>>
    %dma_start3A_232 = tpu.memref_squeeze %dma_start3A_231 : memref<1x128xi32, #tpu.memory_space<vmem>> -> memref<128xi32, #tpu.memory_space<vmem>>
    %dma_start3A_233 = arith.constant 0 : i32
    %dma_start3A_234 = arith.constant 0 : i32
    %dma_start3A_235 = tpu.memref_slice %arg2[%dma_start3A_233, %dma_start3A_234] : memref<600000x32xf32, #tpu.memory_space<hbm>> -> memref<600000x32xf32, #tpu.memory_space<hbm>>
    tpu.enqueue_indirect_dma source(%dma_start3A_235 : memref<600000x32xf32, #tpu.memory_space<hbm>>) target(%dma_start3A_229 : memref<128x32xf32, #tpu.memory_space<vmem>>) offsets(%dma_start3A_232 : memref<128xi32, #tpu.memory_space<vmem>>) semaphore(%arg7 : memref<!tpu.dma_semaphore, #tpu.memory_space<semaphore_mem>>)
    %add3A_236 = arith.constant 21 : i32
    %add3A_237 = arith.addi %mul3A_5, %add3A_236 : i32
    %dma_start3A_238 = arith.constant 2688 : i32
    %dma_start3A_239 = arith.constant 0 : i32
    %dma_start3A_240 = tpu.memref_slice %arg6[%dma_start3A_238, %dma_start3A_239] : memref<3072x32xf32, #tpu.memory_space<vmem>> -> memref<128x32xf32, #tpu.memory_space<vmem>>
    %dma_start3A_241 = arith.constant 0 : i32
    %dma_start3A_242 = tpu.memref_slice %arg5[%add3A_237, %dma_start3A_241] : memref<24x128xi32, #tpu.memory_space<vmem>> -> memref<1x128xi32, #tpu.memory_space<vmem>>
    %dma_start3A_243 = tpu.memref_squeeze %dma_start3A_242 : memref<1x128xi32, #tpu.memory_space<vmem>> -> memref<128xi32, #tpu.memory_space<vmem>>
    %dma_start3A_244 = arith.constant 0 : i32
    %dma_start3A_245 = arith.constant 0 : i32
    %dma_start3A_246 = tpu.memref_slice %arg2[%dma_start3A_244, %dma_start3A_245] : memref<600000x32xf32, #tpu.memory_space<hbm>> -> memref<600000x32xf32, #tpu.memory_space<hbm>>
    tpu.enqueue_indirect_dma source(%dma_start3A_246 : memref<600000x32xf32, #tpu.memory_space<hbm>>) target(%dma_start3A_240 : memref<128x32xf32, #tpu.memory_space<vmem>>) offsets(%dma_start3A_243 : memref<128xi32, #tpu.memory_space<vmem>>) semaphore(%arg7 : memref<!tpu.dma_semaphore, #tpu.memory_space<semaphore_mem>>)
    %add3A_247 = arith.constant 22 : i32
    %add3A_248 = arith.addi %mul3A_5, %add3A_247 : i32
    %dma_start3A_249 = arith.constant 2816 : i32
    %dma_start3A_250 = arith.constant 0 : i32
    %dma_start3A_251 = tpu.memref_slice %arg6[%dma_start3A_249, %dma_start3A_250] : memref<3072x32xf32, #tpu.memory_space<vmem>> -> memref<128x32xf32, #tpu.memory_space<vmem>>
    %dma_start3A_252 = arith.constant 0 : i32
    %dma_start3A_253 = tpu.memref_slice %arg5[%add3A_248, %dma_start3A_252] : memref<24x128xi32, #tpu.memory_space<vmem>> -> memref<1x128xi32, #tpu.memory_space<vmem>>
    %dma_start3A_254 = tpu.memref_squeeze %dma_start3A_253 : memref<1x128xi32, #tpu.memory_space<vmem>> -> memref<128xi32, #tpu.memory_space<vmem>>
    %dma_start3A_255 = arith.constant 0 : i32
    %dma_start3A_256 = arith.constant 0 : i32
    %dma_start3A_257 = tpu.memref_slice %arg2[%dma_start3A_255, %dma_start3A_256] : memref<600000x32xf32, #tpu.memory_space<hbm>> -> memref<600000x32xf32, #tpu.memory_space<hbm>>
    tpu.enqueue_indirect_dma source(%dma_start3A_257 : memref<600000x32xf32, #tpu.memory_space<hbm>>) target(%dma_start3A_251 : memref<128x32xf32, #tpu.memory_space<vmem>>) offsets(%dma_start3A_254 : memref<128xi32, #tpu.memory_space<vmem>>) semaphore(%arg7 : memref<!tpu.dma_semaphore, #tpu.memory_space<semaphore_mem>>)
    %add3A_258 = arith.constant 23 : i32
    %add3A_259 = arith.addi %mul3A_5, %add3A_258 : i32
    %dma_start3A_260 = arith.constant 2944 : i32
    %dma_start3A_261 = arith.constant 0 : i32
    %dma_start3A_262 = tpu.memref_slice %arg6[%dma_start3A_260, %dma_start3A_261] : memref<3072x32xf32, #tpu.memory_space<vmem>> -> memref<128x32xf32, #tpu.memory_space<vmem>>
    %dma_start3A_263 = arith.constant 0 : i32
    %dma_start3A_264 = tpu.memref_slice %arg5[%add3A_259, %dma_start3A_263] : memref<24x128xi32, #tpu.memory_space<vmem>> -> memref<1x128xi32, #tpu.memory_space<vmem>>
    %dma_start3A_265 = tpu.memref_squeeze %dma_start3A_264 : memref<1x128xi32, #tpu.memory_space<vmem>> -> memref<128xi32, #tpu.memory_space<vmem>>
    %dma_start3A_266 = arith.constant 0 : i32
    %dma_start3A_267 = arith.constant 0 : i32
    %dma_start3A_268 = tpu.memref_slice %arg2[%dma_start3A_266, %dma_start3A_267] : memref<600000x32xf32, #tpu.memory_space<hbm>> -> memref<600000x32xf32, #tpu.memory_space<hbm>>
    tpu.enqueue_indirect_dma source(%dma_start3A_268 : memref<600000x32xf32, #tpu.memory_space<hbm>>) target(%dma_start3A_262 : memref<128x32xf32, #tpu.memory_space<vmem>>) offsets(%dma_start3A_265 : memref<128xi32, #tpu.memory_space<vmem>>) semaphore(%arg7 : memref<!tpu.dma_semaphore, #tpu.memory_space<semaphore_mem>>)
    %dma_wait3A = arith.constant 0 : i32
    %dma_wait3A_269 = arith.constant 0 : i32
    %dma_wait3A_270 = tpu.memref_slice %arg6[%dma_wait3A, %dma_wait3A_269] : memref<3072x32xf32, #tpu.memory_space<vmem>> -> memref<128x32xf32, #tpu.memory_space<vmem>>
    %dma_wait3A_271 = arith.constant 0 : i32
    %dma_wait3A_272 = tpu.memref_slice %arg5[%add3A_7, %dma_wait3A_271] : memref<24x128xi32, #tpu.memory_space<vmem>> -> memref<1x128xi32, #tpu.memory_space<vmem>>
    %dma_wait3A_273 = tpu.memref_squeeze %dma_wait3A_272 : memref<1x128xi32, #tpu.memory_space<vmem>> -> memref<128xi32, #tpu.memory_space<vmem>>
    %dma_wait3A_274 = arith.constant 0 : i32
    %dma_wait3A_275 = arith.constant 0 : i32
    %dma_wait3A_276 = tpu.memref_slice %arg2[%dma_wait3A_274, %dma_wait3A_275] : memref<600000x32xf32, #tpu.memory_space<hbm>> -> memref<600000x32xf32, #tpu.memory_space<hbm>>
    tpu.wait_indirect_dma semaphore(%arg7 : memref<!tpu.dma_semaphore, #tpu.memory_space<semaphore_mem>>) src(%dma_wait3A_276 : memref<600000x32xf32, #tpu.memory_space<hbm>>) dst(%dma_wait3A_270 : memref<128x32xf32, #tpu.memory_space<vmem>>)
    %dma_wait3A_277 = arith.constant 128 : i32
    %dma_wait3A_278 = arith.constant 0 : i32
    %dma_wait3A_279 = tpu.memref_slice %arg6[%dma_wait3A_277, %dma_wait3A_278] : memref<3072x32xf32, #tpu.memory_space<vmem>> -> memref<128x32xf32, #tpu.memory_space<vmem>>
    %dma_wait3A_280 = arith.constant 0 : i32
    %dma_wait3A_281 = tpu.memref_slice %arg5[%add3A_17, %dma_wait3A_280] : memref<24x128xi32, #tpu.memory_space<vmem>> -> memref<1x128xi32, #tpu.memory_space<vmem>>
    %dma_wait3A_282 = tpu.memref_squeeze %dma_wait3A_281 : memref<1x128xi32, #tpu.memory_space<vmem>> -> memref<128xi32, #tpu.memory_space<vmem>>
    %dma_wait3A_283 = arith.constant 0 : i32
    %dma_wait3A_284 = arith.constant 0 : i32
    %dma_wait3A_285 = tpu.memref_slice %arg2[%dma_wait3A_283, %dma_wait3A_284] : memref<600000x32xf32, #tpu.memory_space<hbm>> -> memref<600000x32xf32, #tpu.memory_space<hbm>>
    tpu.wait_indirect_dma semaphore(%arg7 : memref<!tpu.dma_semaphore, #tpu.memory_space<semaphore_mem>>) src(%dma_wait3A_285 : memref<600000x32xf32, #tpu.memory_space<hbm>>) dst(%dma_wait3A_279 : memref<128x32xf32, #tpu.memory_space<vmem>>)
    %dma_wait3A_286 = arith.constant 256 : i32
    %dma_wait3A_287 = arith.constant 0 : i32
    %dma_wait3A_288 = tpu.memref_slice %arg6[%dma_wait3A_286, %dma_wait3A_287] : memref<3072x32xf32, #tpu.memory_space<vmem>> -> memref<128x32xf32, #tpu.memory_space<vmem>>
    %dma_wait3A_289 = arith.constant 0 : i32
    %dma_wait3A_290 = tpu.memref_slice %arg5[%add3A_28, %dma_wait3A_289] : memref<24x128xi32, #tpu.memory_space<vmem>> -> memref<1x128xi32, #tpu.memory_space<vmem>>
    %dma_wait3A_291 = tpu.memref_squeeze %dma_wait3A_290 : memref<1x128xi32, #tpu.memory_space<vmem>> -> memref<128xi32, #tpu.memory_space<vmem>>
    %dma_wait3A_292 = arith.constant 0 : i32
    %dma_wait3A_293 = arith.constant 0 : i32
    %dma_wait3A_294 = tpu.memref_slice %arg2[%dma_wait3A_292, %dma_wait3A_293] : memref<600000x32xf32, #tpu.memory_space<hbm>> -> memref<600000x32xf32, #tpu.memory_space<hbm>>
    tpu.wait_indirect_dma semaphore(%arg7 : memref<!tpu.dma_semaphore, #tpu.memory_space<semaphore_mem>>) src(%dma_wait3A_294 : memref<600000x32xf32, #tpu.memory_space<hbm>>) dst(%dma_wait3A_288 : memref<128x32xf32, #tpu.memory_space<vmem>>)
    %dma_wait3A_295 = arith.constant 384 : i32
    %dma_wait3A_296 = arith.constant 0 : i32
    %dma_wait3A_297 = tpu.memref_slice %arg6[%dma_wait3A_295, %dma_wait3A_296] : memref<3072x32xf32, #tpu.memory_space<vmem>> -> memref<128x32xf32, #tpu.memory_space<vmem>>
    %dma_wait3A_298 = arith.constant 0 : i32
    %dma_wait3A_299 = tpu.memref_slice %arg5[%add3A_39, %dma_wait3A_298] : memref<24x128xi32, #tpu.memory_space<vmem>> -> memref<1x128xi32, #tpu.memory_space<vmem>>
    %dma_wait3A_300 = tpu.memref_squeeze %dma_wait3A_299 : memref<1x128xi32, #tpu.memory_space<vmem>> -> memref<128xi32, #tpu.memory_space<vmem>>
    %dma_wait3A_301 = arith.constant 0 : i32
    %dma_wait3A_302 = arith.constant 0 : i32
    %dma_wait3A_303 = tpu.memref_slice %arg2[%dma_wait3A_301, %dma_wait3A_302] : memref<600000x32xf32, #tpu.memory_space<hbm>> -> memref<600000x32xf32, #tpu.memory_space<hbm>>
    tpu.wait_indirect_dma semaphore(%arg7 : memref<!tpu.dma_semaphore, #tpu.memory_space<semaphore_mem>>) src(%dma_wait3A_303 : memref<600000x32xf32, #tpu.memory_space<hbm>>) dst(%dma_wait3A_297 : memref<128x32xf32, #tpu.memory_space<vmem>>)
    %dma_wait3A_304 = arith.constant 512 : i32
    %dma_wait3A_305 = arith.constant 0 : i32
    %dma_wait3A_306 = tpu.memref_slice %arg6[%dma_wait3A_304, %dma_wait3A_305] : memref<3072x32xf32, #tpu.memory_space<vmem>> -> memref<128x32xf32, #tpu.memory_space<vmem>>
    %dma_wait3A_307 = arith.constant 0 : i32
    %dma_wait3A_308 = tpu.memref_slice %arg5[%add3A_50, %dma_wait3A_307] : memref<24x128xi32, #tpu.memory_space<vmem>> -> memref<1x128xi32, #tpu.memory_space<vmem>>
    %dma_wait3A_309 = tpu.memref_squeeze %dma_wait3A_308 : memref<1x128xi32, #tpu.memory_space<vmem>> -> memref<128xi32, #tpu.memory_space<vmem>>
    %dma_wait3A_310 = arith.constant 0 : i32
    %dma_wait3A_311 = arith.constant 0 : i32
    %dma_wait3A_312 = tpu.memref_slice %arg2[%dma_wait3A_310, %dma_wait3A_311] : memref<600000x32xf32, #tpu.memory_space<hbm>> -> memref<600000x32xf32, #tpu.memory_space<hbm>>
    tpu.wait_indirect_dma semaphore(%arg7 : memref<!tpu.dma_semaphore, #tpu.memory_space<semaphore_mem>>) src(%dma_wait3A_312 : memref<600000x32xf32, #tpu.memory_space<hbm>>) dst(%dma_wait3A_306 : memref<128x32xf32, #tpu.memory_space<vmem>>)
    %dma_wait3A_313 = arith.constant 640 : i32
    %dma_wait3A_314 = arith.constant 0 : i32
    %dma_wait3A_315 = tpu.memref_slice %arg6[%dma_wait3A_313, %dma_wait3A_314] : memref<3072x32xf32, #tpu.memory_space<vmem>> -> memref<128x32xf32, #tpu.memory_space<vmem>>
    %dma_wait3A_316 = arith.constant 0 : i32
    %dma_wait3A_317 = tpu.memref_slice %arg5[%add3A_61, %dma_wait3A_316] : memref<24x128xi32, #tpu.memory_space<vmem>> -> memref<1x128xi32, #tpu.memory_space<vmem>>
    %dma_wait3A_318 = tpu.memref_squeeze %dma_wait3A_317 : memref<1x128xi32, #tpu.memory_space<vmem>> -> memref<128xi32, #tpu.memory_space<vmem>>
    %dma_wait3A_319 = arith.constant 0 : i32
    %dma_wait3A_320 = arith.constant 0 : i32
    %dma_wait3A_321 = tpu.memref_slice %arg2[%dma_wait3A_319, %dma_wait3A_320] : memref<600000x32xf32, #tpu.memory_space<hbm>> -> memref<600000x32xf32, #tpu.memory_space<hbm>>
    tpu.wait_indirect_dma semaphore(%arg7 : memref<!tpu.dma_semaphore, #tpu.memory_space<semaphore_mem>>) src(%dma_wait3A_321 : memref<600000x32xf32, #tpu.memory_space<hbm>>) dst(%dma_wait3A_315 : memref<128x32xf32, #tpu.memory_space<vmem>>)
    %dma_wait3A_322 = arith.constant 768 : i32
    %dma_wait3A_323 = arith.constant 0 : i32
    %dma_wait3A_324 = tpu.memref_slice %arg6[%dma_wait3A_322, %dma_wait3A_323] : memref<3072x32xf32, #tpu.memory_space<vmem>> -> memref<128x32xf32, #tpu.memory_space<vmem>>
    %dma_wait3A_325 = arith.constant 0 : i32
    %dma_wait3A_326 = tpu.memref_slice %arg5[%add3A_72, %dma_wait3A_325] : memref<24x128xi32, #tpu.memory_space<vmem>> -> memref<1x128xi32, #tpu.memory_space<vmem>>
    %dma_wait3A_327 = tpu.memref_squeeze %dma_wait3A_326 : memref<1x128xi32, #tpu.memory_space<vmem>> -> memref<128xi32, #tpu.memory_space<vmem>>
    %dma_wait3A_328 = arith.constant 0 : i32
    %dma_wait3A_329 = arith.constant 0 : i32
    %dma_wait3A_330 = tpu.memref_slice %arg2[%dma_wait3A_328, %dma_wait3A_329] : memref<600000x32xf32, #tpu.memory_space<hbm>> -> memref<600000x32xf32, #tpu.memory_space<hbm>>
    tpu.wait_indirect_dma semaphore(%arg7 : memref<!tpu.dma_semaphore, #tpu.memory_space<semaphore_mem>>) src(%dma_wait3A_330 : memref<600000x32xf32, #tpu.memory_space<hbm>>) dst(%dma_wait3A_324 : memref<128x32xf32, #tpu.memory_space<vmem>>)
    %dma_wait3A_331 = arith.constant 896 : i32
    %dma_wait3A_332 = arith.constant 0 : i32
    %dma_wait3A_333 = tpu.memref_slice %arg6[%dma_wait3A_331, %dma_wait3A_332] : memref<3072x32xf32, #tpu.memory_space<vmem>> -> memref<128x32xf32, #tpu.memory_space<vmem>>
    %dma_wait3A_334 = arith.constant 0 : i32
    %dma_wait3A_335 = tpu.memref_slice %arg5[%add3A_83, %dma_wait3A_334] : memref<24x128xi32, #tpu.memory_space<vmem>> -> memref<1x128xi32, #tpu.memory_space<vmem>>
    %dma_wait3A_336 = tpu.memref_squeeze %dma_wait3A_335 : memref<1x128xi32, #tpu.memory_space<vmem>> -> memref<128xi32, #tpu.memory_space<vmem>>
    %dma_wait3A_337 = arith.constant 0 : i32
    %dma_wait3A_338 = arith.constant 0 : i32
    %dma_wait3A_339 = tpu.memref_slice %arg2[%dma_wait3A_337, %dma_wait3A_338] : memref<600000x32xf32, #tpu.memory_space<hbm>> -> memref<600000x32xf32, #tpu.memory_space<hbm>>
    tpu.wait_indirect_dma semaphore(%arg7 : memref<!tpu.dma_semaphore, #tpu.memory_space<semaphore_mem>>) src(%dma_wait3A_339 : memref<600000x32xf32, #tpu.memory_space<hbm>>) dst(%dma_wait3A_333 : memref<128x32xf32, #tpu.memory_space<vmem>>)
    %dma_wait3A_340 = arith.constant 1024 : i32
    %dma_wait3A_341 = arith.constant 0 : i32
    %dma_wait3A_342 = tpu.memref_slice %arg6[%dma_wait3A_340, %dma_wait3A_341] : memref<3072x32xf32, #tpu.memory_space<vmem>> -> memref<128x32xf32, #tpu.memory_space<vmem>>
    %dma_wait3A_343 = arith.constant 0 : i32
    %dma_wait3A_344 = tpu.memref_slice %arg5[%add3A_94, %dma_wait3A_343] : memref<24x128xi32, #tpu.memory_space<vmem>> -> memref<1x128xi32, #tpu.memory_space<vmem>>
    %dma_wait3A_345 = tpu.memref_squeeze %dma_wait3A_344 : memref<1x128xi32, #tpu.memory_space<vmem>> -> memref<128xi32, #tpu.memory_space<vmem>>
    %dma_wait3A_346 = arith.constant 0 : i32
    %dma_wait3A_347 = arith.constant 0 : i32
    %dma_wait3A_348 = tpu.memref_slice %arg2[%dma_wait3A_346, %dma_wait3A_347] : memref<600000x32xf32, #tpu.memory_space<hbm>> -> memref<600000x32xf32, #tpu.memory_space<hbm>>
    tpu.wait_indirect_dma semaphore(%arg7 : memref<!tpu.dma_semaphore, #tpu.memory_space<semaphore_mem>>) src(%dma_wait3A_348 : memref<600000x32xf32, #tpu.memory_space<hbm>>) dst(%dma_wait3A_342 : memref<128x32xf32, #tpu.memory_space<vmem>>)
    %dma_wait3A_349 = arith.constant 1152 : i32
    %dma_wait3A_350 = arith.constant 0 : i32
    %dma_wait3A_351 = tpu.memref_slice %arg6[%dma_wait3A_349, %dma_wait3A_350] : memref<3072x32xf32, #tpu.memory_space<vmem>> -> memref<128x32xf32, #tpu.memory_space<vmem>>
    %dma_wait3A_352 = arith.constant 0 : i32
    %dma_wait3A_353 = tpu.memref_slice %arg5[%add3A_105, %dma_wait3A_352] : memref<24x128xi32, #tpu.memory_space<vmem>> -> memref<1x128xi32, #tpu.memory_space<vmem>>
    %dma_wait3A_354 = tpu.memref_squeeze %dma_wait3A_353 : memref<1x128xi32, #tpu.memory_space<vmem>> -> memref<128xi32, #tpu.memory_space<vmem>>
    %dma_wait3A_355 = arith.constant 0 : i32
    %dma_wait3A_356 = arith.constant 0 : i32
    %dma_wait3A_357 = tpu.memref_slice %arg2[%dma_wait3A_355, %dma_wait3A_356] : memref<600000x32xf32, #tpu.memory_space<hbm>> -> memref<600000x32xf32, #tpu.memory_space<hbm>>
    tpu.wait_indirect_dma semaphore(%arg7 : memref<!tpu.dma_semaphore, #tpu.memory_space<semaphore_mem>>) src(%dma_wait3A_357 : memref<600000x32xf32, #tpu.memory_space<hbm>>) dst(%dma_wait3A_351 : memref<128x32xf32, #tpu.memory_space<vmem>>)
    %dma_wait3A_358 = arith.constant 1280 : i32
    %dma_wait3A_359 = arith.constant 0 : i32
    %dma_wait3A_360 = tpu.memref_slice %arg6[%dma_wait3A_358, %dma_wait3A_359] : memref<3072x32xf32, #tpu.memory_space<vmem>> -> memref<128x32xf32, #tpu.memory_space<vmem>>
    %dma_wait3A_361 = arith.constant 0 : i32
    %dma_wait3A_362 = tpu.memref_slice %arg5[%add3A_116, %dma_wait3A_361] : memref<24x128xi32, #tpu.memory_space<vmem>> -> memref<1x128xi32, #tpu.memory_space<vmem>>
    %dma_wait3A_363 = tpu.memref_squeeze %dma_wait3A_362 : memref<1x128xi32, #tpu.memory_space<vmem>> -> memref<128xi32, #tpu.memory_space<vmem>>
    %dma_wait3A_364 = arith.constant 0 : i32
    %dma_wait3A_365 = arith.constant 0 : i32
    %dma_wait3A_366 = tpu.memref_slice %arg2[%dma_wait3A_364, %dma_wait3A_365] : memref<600000x32xf32, #tpu.memory_space<hbm>> -> memref<600000x32xf32, #tpu.memory_space<hbm>>
    tpu.wait_indirect_dma semaphore(%arg7 : memref<!tpu.dma_semaphore, #tpu.memory_space<semaphore_mem>>) src(%dma_wait3A_366 : memref<600000x32xf32, #tpu.memory_space<hbm>>) dst(%dma_wait3A_360 : memref<128x32xf32, #tpu.memory_space<vmem>>)
    %dma_wait3A_367 = arith.constant 1408 : i32
    %dma_wait3A_368 = arith.constant 0 : i32
    %dma_wait3A_369 = tpu.memref_slice %arg6[%dma_wait3A_367, %dma_wait3A_368] : memref<3072x32xf32, #tpu.memory_space<vmem>> -> memref<128x32xf32, #tpu.memory_space<vmem>>
    %dma_wait3A_370 = arith.constant 0 : i32
    %dma_wait3A_371 = tpu.memref_slice %arg5[%add3A_127, %dma_wait3A_370] : memref<24x128xi32, #tpu.memory_space<vmem>> -> memref<1x128xi32, #tpu.memory_space<vmem>>
    %dma_wait3A_372 = tpu.memref_squeeze %dma_wait3A_371 : memref<1x128xi32, #tpu.memory_space<vmem>> -> memref<128xi32, #tpu.memory_space<vmem>>
    %dma_wait3A_373 = arith.constant 0 : i32
    %dma_wait3A_374 = arith.constant 0 : i32
    %dma_wait3A_375 = tpu.memref_slice %arg2[%dma_wait3A_373, %dma_wait3A_374] : memref<600000x32xf32, #tpu.memory_space<hbm>> -> memref<600000x32xf32, #tpu.memory_space<hbm>>
    tpu.wait_indirect_dma semaphore(%arg7 : memref<!tpu.dma_semaphore, #tpu.memory_space<semaphore_mem>>) src(%dma_wait3A_375 : memref<600000x32xf32, #tpu.memory_space<hbm>>) dst(%dma_wait3A_369 : memref<128x32xf32, #tpu.memory_space<vmem>>)
    %dma_wait3A_376 = arith.constant 1536 : i32
    %dma_wait3A_377 = arith.constant 0 : i32
    %dma_wait3A_378 = tpu.memref_slice %arg6[%dma_wait3A_376, %dma_wait3A_377] : memref<3072x32xf32, #tpu.memory_space<vmem>> -> memref<128x32xf32, #tpu.memory_space<vmem>>
    %dma_wait3A_379 = arith.constant 0 : i32
    %dma_wait3A_380 = tpu.memref_slice %arg5[%add3A_138, %dma_wait3A_379] : memref<24x128xi32, #tpu.memory_space<vmem>> -> memref<1x128xi32, #tpu.memory_space<vmem>>
    %dma_wait3A_381 = tpu.memref_squeeze %dma_wait3A_380 : memref<1x128xi32, #tpu.memory_space<vmem>> -> memref<128xi32, #tpu.memory_space<vmem>>
    %dma_wait3A_382 = arith.constant 0 : i32
    %dma_wait3A_383 = arith.constant 0 : i32
    %dma_wait3A_384 = tpu.memref_slice %arg2[%dma_wait3A_382, %dma_wait3A_383] : memref<600000x32xf32, #tpu.memory_space<hbm>> -> memref<600000x32xf32, #tpu.memory_space<hbm>>
    tpu.wait_indirect_dma semaphore(%arg7 : memref<!tpu.dma_semaphore, #tpu.memory_space<semaphore_mem>>) src(%dma_wait3A_384 : memref<600000x32xf32, #tpu.memory_space<hbm>>) dst(%dma_wait3A_378 : memref<128x32xf32, #tpu.memory_space<vmem>>)
    %dma_wait3A_385 = arith.constant 1664 : i32
    %dma_wait3A_386 = arith.constant 0 : i32
    %dma_wait3A_387 = tpu.memref_slice %arg6[%dma_wait3A_385, %dma_wait3A_386] : memref<3072x32xf32, #tpu.memory_space<vmem>> -> memref<128x32xf32, #tpu.memory_space<vmem>>
    %dma_wait3A_388 = arith.constant 0 : i32
    %dma_wait3A_389 = tpu.memref_slice %arg5[%add3A_149, %dma_wait3A_388] : memref<24x128xi32, #tpu.memory_space<vmem>> -> memref<1x128xi32, #tpu.memory_space<vmem>>
    %dma_wait3A_390 = tpu.memref_squeeze %dma_wait3A_389 : memref<1x128xi32, #tpu.memory_space<vmem>> -> memref<128xi32, #tpu.memory_space<vmem>>
    %dma_wait3A_391 = arith.constant 0 : i32
    %dma_wait3A_392 = arith.constant 0 : i32
    %dma_wait3A_393 = tpu.memref_slice %arg2[%dma_wait3A_391, %dma_wait3A_392] : memref<600000x32xf32, #tpu.memory_space<hbm>> -> memref<600000x32xf32, #tpu.memory_space<hbm>>
    tpu.wait_indirect_dma semaphore(%arg7 : memref<!tpu.dma_semaphore, #tpu.memory_space<semaphore_mem>>) src(%dma_wait3A_393 : memref<600000x32xf32, #tpu.memory_space<hbm>>) dst(%dma_wait3A_387 : memref<128x32xf32, #tpu.memory_space<vmem>>)
    %dma_wait3A_394 = arith.constant 1792 : i32
    %dma_wait3A_395 = arith.constant 0 : i32
    %dma_wait3A_396 = tpu.memref_slice %arg6[%dma_wait3A_394, %dma_wait3A_395] : memref<3072x32xf32, #tpu.memory_space<vmem>> -> memref<128x32xf32, #tpu.memory_space<vmem>>
    %dma_wait3A_397 = arith.constant 0 : i32
    %dma_wait3A_398 = tpu.memref_slice %arg5[%add3A_160, %dma_wait3A_397] : memref<24x128xi32, #tpu.memory_space<vmem>> -> memref<1x128xi32, #tpu.memory_space<vmem>>
    %dma_wait3A_399 = tpu.memref_squeeze %dma_wait3A_398 : memref<1x128xi32, #tpu.memory_space<vmem>> -> memref<128xi32, #tpu.memory_space<vmem>>
    %dma_wait3A_400 = arith.constant 0 : i32
    %dma_wait3A_401 = arith.constant 0 : i32
    %dma_wait3A_402 = tpu.memref_slice %arg2[%dma_wait3A_400, %dma_wait3A_401] : memref<600000x32xf32, #tpu.memory_space<hbm>> -> memref<600000x32xf32, #tpu.memory_space<hbm>>
    tpu.wait_indirect_dma semaphore(%arg7 : memref<!tpu.dma_semaphore, #tpu.memory_space<semaphore_mem>>) src(%dma_wait3A_402 : memref<600000x32xf32, #tpu.memory_space<hbm>>) dst(%dma_wait3A_396 : memref<128x32xf32, #tpu.memory_space<vmem>>)
    %dma_wait3A_403 = arith.constant 1920 : i32
    %dma_wait3A_404 = arith.constant 0 : i32
    %dma_wait3A_405 = tpu.memref_slice %arg6[%dma_wait3A_403, %dma_wait3A_404] : memref<3072x32xf32, #tpu.memory_space<vmem>> -> memref<128x32xf32, #tpu.memory_space<vmem>>
    %dma_wait3A_406 = arith.constant 0 : i32
    %dma_wait3A_407 = tpu.memref_slice %arg5[%add3A_171, %dma_wait3A_406] : memref<24x128xi32, #tpu.memory_space<vmem>> -> memref<1x128xi32, #tpu.memory_space<vmem>>
    %dma_wait3A_408 = tpu.memref_squeeze %dma_wait3A_407 : memref<1x128xi32, #tpu.memory_space<vmem>> -> memref<128xi32, #tpu.memory_space<vmem>>
    %dma_wait3A_409 = arith.constant 0 : i32
    %dma_wait3A_410 = arith.constant 0 : i32
    %dma_wait3A_411 = tpu.memref_slice %arg2[%dma_wait3A_409, %dma_wait3A_410] : memref<600000x32xf32, #tpu.memory_space<hbm>> -> memref<600000x32xf32, #tpu.memory_space<hbm>>
    tpu.wait_indirect_dma semaphore(%arg7 : memref<!tpu.dma_semaphore, #tpu.memory_space<semaphore_mem>>) src(%dma_wait3A_411 : memref<600000x32xf32, #tpu.memory_space<hbm>>) dst(%dma_wait3A_405 : memref<128x32xf32, #tpu.memory_space<vmem>>)
    %dma_wait3A_412 = arith.constant 2048 : i32
    %dma_wait3A_413 = arith.constant 0 : i32
    %dma_wait3A_414 = tpu.memref_slice %arg6[%dma_wait3A_412, %dma_wait3A_413] : memref<3072x32xf32, #tpu.memory_space<vmem>> -> memref<128x32xf32, #tpu.memory_space<vmem>>
    %dma_wait3A_415 = arith.constant 0 : i32
    %dma_wait3A_416 = tpu.memref_slice %arg5[%add3A_182, %dma_wait3A_415] : memref<24x128xi32, #tpu.memory_space<vmem>> -> memref<1x128xi32, #tpu.memory_space<vmem>>
    %dma_wait3A_417 = tpu.memref_squeeze %dma_wait3A_416 : memref<1x128xi32, #tpu.memory_space<vmem>> -> memref<128xi32, #tpu.memory_space<vmem>>
    %dma_wait3A_418 = arith.constant 0 : i32
    %dma_wait3A_419 = arith.constant 0 : i32
    %dma_wait3A_420 = tpu.memref_slice %arg2[%dma_wait3A_418, %dma_wait3A_419] : memref<600000x32xf32, #tpu.memory_space<hbm>> -> memref<600000x32xf32, #tpu.memory_space<hbm>>
    tpu.wait_indirect_dma semaphore(%arg7 : memref<!tpu.dma_semaphore, #tpu.memory_space<semaphore_mem>>) src(%dma_wait3A_420 : memref<600000x32xf32, #tpu.memory_space<hbm>>) dst(%dma_wait3A_414 : memref<128x32xf32, #tpu.memory_space<vmem>>)
    %dma_wait3A_421 = arith.constant 2176 : i32
    %dma_wait3A_422 = arith.constant 0 : i32
    %dma_wait3A_423 = tpu.memref_slice %arg6[%dma_wait3A_421, %dma_wait3A_422] : memref<3072x32xf32, #tpu.memory_space<vmem>> -> memref<128x32xf32, #tpu.memory_space<vmem>>
    %dma_wait3A_424 = arith.constant 0 : i32
    %dma_wait3A_425 = tpu.memref_slice %arg5[%add3A_193, %dma_wait3A_424] : memref<24x128xi32, #tpu.memory_space<vmem>> -> memref<1x128xi32, #tpu.memory_space<vmem>>
    %dma_wait3A_426 = tpu.memref_squeeze %dma_wait3A_425 : memref<1x128xi32, #tpu.memory_space<vmem>> -> memref<128xi32, #tpu.memory_space<vmem>>
    %dma_wait3A_427 = arith.constant 0 : i32
    %dma_wait3A_428 = arith.constant 0 : i32
    %dma_wait3A_429 = tpu.memref_slice %arg2[%dma_wait3A_427, %dma_wait3A_428] : memref<600000x32xf32, #tpu.memory_space<hbm>> -> memref<600000x32xf32, #tpu.memory_space<hbm>>
    tpu.wait_indirect_dma semaphore(%arg7 : memref<!tpu.dma_semaphore, #tpu.memory_space<semaphore_mem>>) src(%dma_wait3A_429 : memref<600000x32xf32, #tpu.memory_space<hbm>>) dst(%dma_wait3A_423 : memref<128x32xf32, #tpu.memory_space<vmem>>)
    %dma_wait3A_430 = arith.constant 2304 : i32
    %dma_wait3A_431 = arith.constant 0 : i32
    %dma_wait3A_432 = tpu.memref_slice %arg6[%dma_wait3A_430, %dma_wait3A_431] : memref<3072x32xf32, #tpu.memory_space<vmem>> -> memref<128x32xf32, #tpu.memory_space<vmem>>
    %dma_wait3A_433 = arith.constant 0 : i32
    %dma_wait3A_434 = tpu.memref_slice %arg5[%add3A_204, %dma_wait3A_433] : memref<24x128xi32, #tpu.memory_space<vmem>> -> memref<1x128xi32, #tpu.memory_space<vmem>>
    %dma_wait3A_435 = tpu.memref_squeeze %dma_wait3A_434 : memref<1x128xi32, #tpu.memory_space<vmem>> -> memref<128xi32, #tpu.memory_space<vmem>>
    %dma_wait3A_436 = arith.constant 0 : i32
    %dma_wait3A_437 = arith.constant 0 : i32
    %dma_wait3A_438 = tpu.memref_slice %arg2[%dma_wait3A_436, %dma_wait3A_437] : memref<600000x32xf32, #tpu.memory_space<hbm>> -> memref<600000x32xf32, #tpu.memory_space<hbm>>
    tpu.wait_indirect_dma semaphore(%arg7 : memref<!tpu.dma_semaphore, #tpu.memory_space<semaphore_mem>>) src(%dma_wait3A_438 : memref<600000x32xf32, #tpu.memory_space<hbm>>) dst(%dma_wait3A_432 : memref<128x32xf32, #tpu.memory_space<vmem>>)
    %dma_wait3A_439 = arith.constant 2432 : i32
    %dma_wait3A_440 = arith.constant 0 : i32
    %dma_wait3A_441 = tpu.memref_slice %arg6[%dma_wait3A_439, %dma_wait3A_440] : memref<3072x32xf32, #tpu.memory_space<vmem>> -> memref<128x32xf32, #tpu.memory_space<vmem>>
    %dma_wait3A_442 = arith.constant 0 : i32
    %dma_wait3A_443 = tpu.memref_slice %arg5[%add3A_215, %dma_wait3A_442] : memref<24x128xi32, #tpu.memory_space<vmem>> -> memref<1x128xi32, #tpu.memory_space<vmem>>
    %dma_wait3A_444 = tpu.memref_squeeze %dma_wait3A_443 : memref<1x128xi32, #tpu.memory_space<vmem>> -> memref<128xi32, #tpu.memory_space<vmem>>
    %dma_wait3A_445 = arith.constant 0 : i32
    %dma_wait3A_446 = arith.constant 0 : i32
    %dma_wait3A_447 = tpu.memref_slice %arg2[%dma_wait3A_445, %dma_wait3A_446] : memref<600000x32xf32, #tpu.memory_space<hbm>> -> memref<600000x32xf32, #tpu.memory_space<hbm>>
    tpu.wait_indirect_dma semaphore(%arg7 : memref<!tpu.dma_semaphore, #tpu.memory_space<semaphore_mem>>) src(%dma_wait3A_447 : memref<600000x32xf32, #tpu.memory_space<hbm>>) dst(%dma_wait3A_441 : memref<128x32xf32, #tpu.memory_space<vmem>>)
    %dma_wait3A_448 = arith.constant 2560 : i32
    %dma_wait3A_449 = arith.constant 0 : i32
    %dma_wait3A_450 = tpu.memref_slice %arg6[%dma_wait3A_448, %dma_wait3A_449] : memref<3072x32xf32, #tpu.memory_space<vmem>> -> memref<128x32xf32, #tpu.memory_space<vmem>>
    %dma_wait3A_451 = arith.constant 0 : i32
    %dma_wait3A_452 = tpu.memref_slice %arg5[%add3A_226, %dma_wait3A_451] : memref<24x128xi32, #tpu.memory_space<vmem>> -> memref<1x128xi32, #tpu.memory_space<vmem>>
    %dma_wait3A_453 = tpu.memref_squeeze %dma_wait3A_452 : memref<1x128xi32, #tpu.memory_space<vmem>> -> memref<128xi32, #tpu.memory_space<vmem>>
    %dma_wait3A_454 = arith.constant 0 : i32
    %dma_wait3A_455 = arith.constant 0 : i32
    %dma_wait3A_456 = tpu.memref_slice %arg2[%dma_wait3A_454, %dma_wait3A_455] : memref<600000x32xf32, #tpu.memory_space<hbm>> -> memref<600000x32xf32, #tpu.memory_space<hbm>>
    tpu.wait_indirect_dma semaphore(%arg7 : memref<!tpu.dma_semaphore, #tpu.memory_space<semaphore_mem>>) src(%dma_wait3A_456 : memref<600000x32xf32, #tpu.memory_space<hbm>>) dst(%dma_wait3A_450 : memref<128x32xf32, #tpu.memory_space<vmem>>)
    %dma_wait3A_457 = arith.constant 2688 : i32
    %dma_wait3A_458 = arith.constant 0 : i32
    %dma_wait3A_459 = tpu.memref_slice %arg6[%dma_wait3A_457, %dma_wait3A_458] : memref<3072x32xf32, #tpu.memory_space<vmem>> -> memref<128x32xf32, #tpu.memory_space<vmem>>
    %dma_wait3A_460 = arith.constant 0 : i32
    %dma_wait3A_461 = tpu.memref_slice %arg5[%add3A_237, %dma_wait3A_460] : memref<24x128xi32, #tpu.memory_space<vmem>> -> memref<1x128xi32, #tpu.memory_space<vmem>>
    %dma_wait3A_462 = tpu.memref_squeeze %dma_wait3A_461 : memref<1x128xi32, #tpu.memory_space<vmem>> -> memref<128xi32, #tpu.memory_space<vmem>>
    %dma_wait3A_463 = arith.constant 0 : i32
    %dma_wait3A_464 = arith.constant 0 : i32
    %dma_wait3A_465 = tpu.memref_slice %arg2[%dma_wait3A_463, %dma_wait3A_464] : memref<600000x32xf32, #tpu.memory_space<hbm>> -> memref<600000x32xf32, #tpu.memory_space<hbm>>
    tpu.wait_indirect_dma semaphore(%arg7 : memref<!tpu.dma_semaphore, #tpu.memory_space<semaphore_mem>>) src(%dma_wait3A_465 : memref<600000x32xf32, #tpu.memory_space<hbm>>) dst(%dma_wait3A_459 : memref<128x32xf32, #tpu.memory_space<vmem>>)
    %dma_wait3A_466 = arith.constant 2816 : i32
    %dma_wait3A_467 = arith.constant 0 : i32
    %dma_wait3A_468 = tpu.memref_slice %arg6[%dma_wait3A_466, %dma_wait3A_467] : memref<3072x32xf32, #tpu.memory_space<vmem>> -> memref<128x32xf32, #tpu.memory_space<vmem>>
    %dma_wait3A_469 = arith.constant 0 : i32
    %dma_wait3A_470 = tpu.memref_slice %arg5[%add3A_248, %dma_wait3A_469] : memref<24x128xi32, #tpu.memory_space<vmem>> -> memref<1x128xi32, #tpu.memory_space<vmem>>
    %dma_wait3A_471 = tpu.memref_squeeze %dma_wait3A_470 : memref<1x128xi32, #tpu.memory_space<vmem>> -> memref<128xi32, #tpu.memory_space<vmem>>
    %dma_wait3A_472 = arith.constant 0 : i32
    %dma_wait3A_473 = arith.constant 0 : i32
    %dma_wait3A_474 = tpu.memref_slice %arg2[%dma_wait3A_472, %dma_wait3A_473] : memref<600000x32xf32, #tpu.memory_space<hbm>> -> memref<600000x32xf32, #tpu.memory_space<hbm>>
    tpu.wait_indirect_dma semaphore(%arg7 : memref<!tpu.dma_semaphore, #tpu.memory_space<semaphore_mem>>) src(%dma_wait3A_474 : memref<600000x32xf32, #tpu.memory_space<hbm>>) dst(%dma_wait3A_468 : memref<128x32xf32, #tpu.memory_space<vmem>>)
    %dma_wait3A_475 = arith.constant 2944 : i32
    %dma_wait3A_476 = arith.constant 0 : i32
    %dma_wait3A_477 = tpu.memref_slice %arg6[%dma_wait3A_475, %dma_wait3A_476] : memref<3072x32xf32, #tpu.memory_space<vmem>> -> memref<128x32xf32, #tpu.memory_space<vmem>>
    %dma_wait3A_478 = arith.constant 0 : i32
    %dma_wait3A_479 = tpu.memref_slice %arg5[%add3A_259, %dma_wait3A_478] : memref<24x128xi32, #tpu.memory_space<vmem>> -> memref<1x128xi32, #tpu.memory_space<vmem>>
    %dma_wait3A_480 = tpu.memref_squeeze %dma_wait3A_479 : memref<1x128xi32, #tpu.memory_space<vmem>> -> memref<128xi32, #tpu.memory_space<vmem>>
    %dma_wait3A_481 = arith.constant 0 : i32
    %dma_wait3A_482 = arith.constant 0 : i32
    %dma_wait3A_483 = tpu.memref_slice %arg2[%dma_wait3A_481, %dma_wait3A_482] : memref<600000x32xf32, #tpu.memory_space<hbm>> -> memref<600000x32xf32, #tpu.memory_space<hbm>>
    tpu.wait_indirect_dma semaphore(%arg7 : memref<!tpu.dma_semaphore, #tpu.memory_space<semaphore_mem>>) src(%dma_wait3A_483 : memref<600000x32xf32, #tpu.memory_space<hbm>>) dst(%dma_wait3A_477 : memref<128x32xf32, #tpu.memory_space<vmem>>)
    %mul3A_484 = arith.constant 3072 : i32
    %mul3A_485 = arith.muli %scan3A_3, %mul3A_484 : i32
    %add3A_486 = arith.addi %mul3A_2, %mul3A_485 : i32
    "tpu.region"() ({
      %run_scoped3A = tpu.sem_alloc : memref<!tpu.dma_semaphore, #tpu.memory_space<semaphore_mem>>
      %dma_start3A_488 = arith.constant 0 : i32
      %dma_start3A_489 = tpu.memref_slice %arg4[%add3A_486, %dma_start3A_488] : memref<98304x32xf32, #tpu.memory_space<hbm>> -> memref<3072x32xf32, #tpu.memory_space<hbm>>
      %dma_start3A_490 = arith.constant 0 : i32
      %dma_start3A_491 = tpu.memref_slice %arg4[%add3A_486, %dma_start3A_490] : memref<98304x32xf32, #tpu.memory_space<hbm>> -> memref<3072x32xf32, #tpu.memory_space<hbm>>
      tpu.enqueue_dma source(%arg6 : memref<3072x32xf32, #tpu.memory_space<vmem>>) target(%dma_start3A_491 : memref<3072x32xf32, #tpu.memory_space<hbm>>) target_semaphore(%run_scoped3A : memref<!tpu.dma_semaphore, #tpu.memory_space<semaphore_mem>>)
      %dma_wait3A_492 = arith.constant 0 : i32
      %dma_wait3A_493 = tpu.memref_slice %arg4[%add3A_486, %dma_wait3A_492] : memref<98304x32xf32, #tpu.memory_space<hbm>> -> memref<3072x32xf32, #tpu.memory_space<hbm>>
      %dma_wait3A_494 = arith.constant 0 : i32
      %dma_wait3A_495 = tpu.memref_slice %arg4[%add3A_486, %dma_wait3A_494] : memref<98304x32xf32, #tpu.memory_space<hbm>> -> memref<3072x32xf32, #tpu.memory_space<hbm>>
      tpu.wait_dma2 semaphore(%run_scoped3A : memref<!tpu.dma_semaphore, #tpu.memory_space<semaphore_mem>>) src(%arg6 : memref<3072x32xf32, #tpu.memory_space<vmem>>) dst(%dma_wait3A_495 : memref<3072x32xf32, #tpu.memory_space<hbm>>)
      tpu.yield
    }) : () -> ()
    %scan3A_487 = arith.constant 1 : i32
    return
  }
}

module attributes {stable_mosaic.version = 14 : i64} {
  func.func @_tr_body(%arg0: i32, %arg1: memref<1x32x100000xf32, #tpu.memory_space<vmem>>, %arg2: memref<25000x128xf32, #tpu.memory_space<vmem>>) attributes {dimension_semantics = [#tpu.dimension_semantics<arbitrary>], iteration_bounds = array<i64: 20>, scalar_prefetch = 0 : i64, scratch_operands = 0 : i64, tpu.core_type = #tpu.core_type<tc>, window_params = [{transform_indices = @transform_0, window_bounds = array<i64: 1, 32, 100000>}, {transform_indices = @transform_1, window_bounds = array<i64: 25000, 128>}]} {
    %get3A = arith.constant 0 : index
    %get3A_0 = arith.constant 0 : index
    %get3A_1 = arith.constant 0 : index
    %get3A_2 = vector.load %arg1[%get3A, %get3A_0, %get3A_1] : memref<1x32x100000xf32, #tpu.memory_space<vmem>>, vector<1x32x100000xf32>
    %get3A_3 = vector.shape_cast %get3A_2 : vector<1x32x100000xf32> to vector<32x100000xf32>
    %slice3A = vector.extract_strided_slice %get3A_3 {offsets = [0, 0], sizes = [32, 25000], strides = [1, 1]} : vector<32x100000xf32> to vector<32x25000xf32>
    %slice3A_4 = vector.extract_strided_slice %get3A_3 {offsets = [0, 25000], sizes = [32, 25000], strides = [1, 1]} : vector<32x100000xf32> to vector<32x25000xf32>
    %slice3A_5 = vector.extract_strided_slice %get3A_3 {offsets = [0, 50000], sizes = [32, 25000], strides = [1, 1]} : vector<32x100000xf32> to vector<32x25000xf32>
    %slice3A_6 = vector.extract_strided_slice %get3A_3 {offsets = [0, 75000], sizes = [32, 25000], strides = [1, 1]} : vector<32x100000xf32> to vector<32x25000xf32>
    %concatenate3A = tpu.concatenate %slice3A, %slice3A_4, %slice3A_5, %slice3A_6 in 0 : vector<32x25000xf32>, vector<32x25000xf32>, vector<32x25000xf32>, vector<32x25000xf32> -> vector<128x25000xf32>
    %transpose3A = tpu.transpose %concatenate3A, [1, 0] : vector<128x25000xf32> -> vector<25000x128xf32>
    %swap3A = arith.constant 0 : index
    %swap3A_7 = arith.constant 0 : index
    %swap3A_8 = vector.load %arg2[%swap3A, %swap3A_7] : memref<25000x128xf32, #tpu.memory_space<vmem>>, vector<25000x128xf32>
    tpu.vector_store %arg2[%swap3A, %swap3A_7], %transpose3A {strides = array<i32>} : memref<25000x128xf32, #tpu.memory_space<vmem>>, vector<25000x128xf32>,
    return
  }
  func.func @transform_0(%arg0: i32) -> (i32, i32, i32) {
    %add3A = arith.constant 0 : i32
    %add3A_0 = arith.addi %add3A, %arg0 : i32
    %c0_i32 = arith.constant 0 : i32
    %c0_i32_1 = arith.constant 0 : i32
    %c0_i32_2 = arith.constant 0 : i32
    return %add3A_0, %c0_i32, %c0_i32_1 : i32, i32, i32
  }
  func.func @transform_1(%arg0: i32) -> (i32, i32) {
    %c0_i32 = arith.constant 0 : i32
    %c0_i32_0 = arith.constant 0 : i32
    return %arg0, %c0_i32 : i32, i32
  }
}

module attributes {stable_mosaic.version = 14 : i64} {
  func.func @_tr_body(%arg0: i32, %arg1: memref<1x32x100000xf32, #tpu.memory_space<vmem>>, %arg2: memref<25000x128xf32, #tpu.memory_space<vmem>>) attributes {dimension_semantics = [#tpu.dimension_semantics<arbitrary>], iteration_bounds = array<i64: 6>, scalar_prefetch = 0 : i64, scratch_operands = 0 : i64, tpu.core_type = #tpu.core_type<tc>, window_params = [{transform_indices = @transform_0, window_bounds = array<i64: 1, 32, 100000>}, {transform_indices = @transform_1, window_bounds = array<i64: 25000, 128>}]} {
    %get3A = arith.constant 0 : index
    %get3A_0 = arith.constant 0 : index
    %get3A_1 = arith.constant 0 : index
    %get3A_2 = vector.load %arg1[%get3A, %get3A_0, %get3A_1] : memref<1x32x100000xf32, #tpu.memory_space<vmem>>, vector<1x32x100000xf32>
    %get3A_3 = vector.shape_cast %get3A_2 : vector<1x32x100000xf32> to vector<32x100000xf32>
    %slice3A = vector.extract_strided_slice %get3A_3 {offsets = [0, 0], sizes = [32, 25000], strides = [1, 1]} : vector<32x100000xf32> to vector<32x25000xf32>
    %slice3A_4 = vector.extract_strided_slice %get3A_3 {offsets = [0, 25000], sizes = [32, 25000], strides = [1, 1]} : vector<32x100000xf32> to vector<32x25000xf32>
    %slice3A_5 = vector.extract_strided_slice %get3A_3 {offsets = [0, 50000], sizes = [32, 25000], strides = [1, 1]} : vector<32x100000xf32> to vector<32x25000xf32>
    %slice3A_6 = vector.extract_strided_slice %get3A_3 {offsets = [0, 75000], sizes = [32, 25000], strides = [1, 1]} : vector<32x100000xf32> to vector<32x25000xf32>
    %concatenate3A = tpu.concatenate %slice3A, %slice3A_4, %slice3A_5, %slice3A_6 in 0 : vector<32x25000xf32>, vector<32x25000xf32>, vector<32x25000xf32>, vector<32x25000xf32> -> vector<128x25000xf32>
    %transpose3A = tpu.transpose %concatenate3A, [1, 0] : vector<128x25000xf32> -> vector<25000x128xf32>
    %swap3A = arith.constant 0 : index
    %swap3A_7 = arith.constant 0 : index
    %swap3A_8 = vector.load %arg2[%swap3A, %swap3A_7] : memref<25000x128xf32, #tpu.memory_space<vmem>>, vector<25000x128xf32>
    tpu.vector_store %arg2[%swap3A, %swap3A_7], %transpose3A {strides = array<i32>} : memref<25000x128xf32, #tpu.memory_space<vmem>>, vector<25000x128xf32>,
    return
  }
  func.func @transform_0(%arg0: i32) -> (i32, i32, i32) {
    %add3A = arith.constant 20 : i32
    %add3A_0 = arith.addi %add3A, %arg0 : i32
    %c0_i32 = arith.constant 0 : i32
    %c0_i32_1 = arith.constant 0 : i32
    %c0_i32_2 = arith.constant 0 : i32
    return %add3A_0, %c0_i32, %c0_i32_1 : i32, i32, i32
  }
  func.func @transform_1(%arg0: i32) -> (i32, i32) {
    %c0_i32 = arith.constant 0 : i32
    %c0_i32_0 = arith.constant 0 : i32
    return %arg0, %c0_i32 : i32, i32
  }
}

module attributes {stable_mosaic.version = 14 : i64} {
  func.func @_mlp_body(%arg0: i32, %arg1: memref<20x128x128xf32, #tpu.memory_space<vmem>>, %arg2: memref<6x128x128xf32, #tpu.memory_space<vmem>>, %arg3: memref<256x832xf32, #tpu.memory_space<vmem>>, %arg4: memref<256x1xf32, #tpu.memory_space<vmem>>, %arg5: memref<1x256xf32, #tpu.memory_space<vmem>>, %arg6: memref<1x1xf32, #tpu.memory_space<vmem>>, %arg7: memref<1x512xf32, #tpu.memory_space<vmem>>) attributes {dimension_semantics = [#tpu.dimension_semantics<arbitrary>], iteration_bounds = array<i64: 32>, scalar_prefetch = 0 : i64, scratch_operands = 0 : i64, tpu.core_type = #tpu.core_type<tc>, window_params = [{transform_indices = @transform_0, window_bounds = array<i64: 20, 128, 128>}, {transform_indices = @transform_1, window_bounds = array<i64: 6, 128, 128>}, {pipeline_mode = #tpu.pipeline_mode<synchronous>, transform_indices = @transform_2, window_bounds = array<i64: 256, 832>}, {pipeline_mode = #tpu.pipeline_mode<synchronous>, transform_indices = @transform_3, window_bounds = array<i64: 256, 1>}, {pipeline_mode = #tpu.pipeline_mode<synchronous>, transform_indices = @transform_4, window_bounds = array<i64: 1, 256>}, {pipeline_mode = #tpu.pipeline_mode<synchronous>, transform_indices = @transform_5, window_bounds = array<i64: 1, 1>}, {transform_indices = @transform_6, window_bounds = array<i64: 1, 512>}]} {
    %get3A = arith.constant 0 : index
    %get3A_0 = arith.constant 0 : index
    %get3A_1 = arith.constant 0 : index
    %get3A_2 = vector.load %arg1[%get3A, %get3A_0, %get3A_1] : memref<20x128x128xf32, #tpu.memory_space<vmem>>, vector<1x128x128xf32>
    %get3A_3 = vector.shape_cast %get3A_2 : vector<1x128x128xf32> to vector<128x128xf32>
    %transpose3A = tpu.transpose %get3A_3, [1, 0] : vector<128x128xf32> -> vector<128x128xf32>
    %slice3A = vector.extract_strided_slice %transpose3A {offsets = [0, 0], sizes = [32, 128], strides = [1, 1]} : vector<128x128xf32> to vector<32x128xf32>
    %slice3A_4 = vector.extract_strided_slice %transpose3A {offsets = [32, 0], sizes = [32, 128], strides = [1, 1]} : vector<128x128xf32> to vector<32x128xf32>
    %slice3A_5 = vector.extract_strided_slice %transpose3A {offsets = [64, 0], sizes = [32, 128], strides = [1, 1]} : vector<128x128xf32> to vector<32x128xf32>
    %slice3A_6 = vector.extract_strided_slice %transpose3A {offsets = [96, 0], sizes = [32, 128], strides = [1, 1]} : vector<128x128xf32> to vector<32x128xf32>
    %concatenate3A = tpu.concatenate %slice3A, %slice3A_4, %slice3A_5, %slice3A_6 in 1 : vector<32x128xf32>, vector<32x128xf32>, vector<32x128xf32>, vector<32x128xf32> -> vector<32x512xf32>
    %get3A_7 = arith.constant 1 : index
    %get3A_8 = arith.constant 0 : index
    %get3A_9 = arith.constant 0 : index
    %get3A_10 = vector.load %arg1[%get3A_7, %get3A_8, %get3A_9] : memref<20x128x128xf32, #tpu.memory_space<vmem>>, vector<1x128x128xf32>
    %get3A_11 = vector.shape_cast %get3A_10 : vector<1x128x128xf32> to vector<128x128xf32>
    %transpose3A_12 = tpu.transpose %get3A_11, [1, 0] : vector<128x128xf32> -> vector<128x128xf32>
    %slice3A_13 = vector.extract_strided_slice %transpose3A_12 {offsets = [0, 0], sizes = [32, 128], strides = [1, 1]} : vector<128x128xf32> to vector<32x128xf32>
    %slice3A_14 = vector.extract_strided_slice %transpose3A_12 {offsets = [32, 0], sizes = [32, 128], strides = [1, 1]} : vector<128x128xf32> to vector<32x128xf32>
    %slice3A_15 = vector.extract_strided_slice %transpose3A_12 {offsets = [64, 0], sizes = [32, 128], strides = [1, 1]} : vector<128x128xf32> to vector<32x128xf32>
    %slice3A_16 = vector.extract_strided_slice %transpose3A_12 {offsets = [96, 0], sizes = [32, 128], strides = [1, 1]} : vector<128x128xf32> to vector<32x128xf32>
    %concatenate3A_17 = tpu.concatenate %slice3A_13, %slice3A_14, %slice3A_15, %slice3A_16 in 1 : vector<32x128xf32>, vector<32x128xf32>, vector<32x128xf32>, vector<32x128xf32> -> vector<32x512xf32>
    %get3A_18 = arith.constant 2 : index
    %get3A_19 = arith.constant 0 : index
    %get3A_20 = arith.constant 0 : index
    %get3A_21 = vector.load %arg1[%get3A_18, %get3A_19, %get3A_20] : memref<20x128x128xf32, #tpu.memory_space<vmem>>, vector<1x128x128xf32>
    %get3A_22 = vector.shape_cast %get3A_21 : vector<1x128x128xf32> to vector<128x128xf32>
    %transpose3A_23 = tpu.transpose %get3A_22, [1, 0] : vector<128x128xf32> -> vector<128x128xf32>
    %slice3A_24 = vector.extract_strided_slice %transpose3A_23 {offsets = [0, 0], sizes = [32, 128], strides = [1, 1]} : vector<128x128xf32> to vector<32x128xf32>
    %slice3A_25 = vector.extract_strided_slice %transpose3A_23 {offsets = [32, 0], sizes = [32, 128], strides = [1, 1]} : vector<128x128xf32> to vector<32x128xf32>
    %slice3A_26 = vector.extract_strided_slice %transpose3A_23 {offsets = [64, 0], sizes = [32, 128], strides = [1, 1]} : vector<128x128xf32> to vector<32x128xf32>
    %slice3A_27 = vector.extract_strided_slice %transpose3A_23 {offsets = [96, 0], sizes = [32, 128], strides = [1, 1]} : vector<128x128xf32> to vector<32x128xf32>
    %concatenate3A_28 = tpu.concatenate %slice3A_24, %slice3A_25, %slice3A_26, %slice3A_27 in 1 : vector<32x128xf32>, vector<32x128xf32>, vector<32x128xf32>, vector<32x128xf32> -> vector<32x512xf32>
    %get3A_29 = arith.constant 3 : index
    %get3A_30 = arith.constant 0 : index
    %get3A_31 = arith.constant 0 : index
    %get3A_32 = vector.load %arg1[%get3A_29, %get3A_30, %get3A_31] : memref<20x128x128xf32, #tpu.memory_space<vmem>>, vector<1x128x128xf32>
    %get3A_33 = vector.shape_cast %get3A_32 : vector<1x128x128xf32> to vector<128x128xf32>
    %transpose3A_34 = tpu.transpose %get3A_33, [1, 0] : vector<128x128xf32> -> vector<128x128xf32>
    %slice3A_35 = vector.extract_strided_slice %transpose3A_34 {offsets = [0, 0], sizes = [32, 128], strides = [1, 1]} : vector<128x128xf32> to vector<32x128xf32>
    %slice3A_36 = vector.extract_strided_slice %transpose3A_34 {offsets = [32, 0], sizes = [32, 128], strides = [1, 1]} : vector<128x128xf32> to vector<32x128xf32>
    %slice3A_37 = vector.extract_strided_slice %transpose3A_34 {offsets = [64, 0], sizes = [32, 128], strides = [1, 1]} : vector<128x128xf32> to vector<32x128xf32>
    %slice3A_38 = vector.extract_strided_slice %transpose3A_34 {offsets = [96, 0], sizes = [32, 128], strides = [1, 1]} : vector<128x128xf32> to vector<32x128xf32>
    %concatenate3A_39 = tpu.concatenate %slice3A_35, %slice3A_36, %slice3A_37, %slice3A_38 in 1 : vector<32x128xf32>, vector<32x128xf32>, vector<32x128xf32>, vector<32x128xf32> -> vector<32x512xf32>
    %get3A_40 = arith.constant 4 : index
    %get3A_41 = arith.constant 0 : index
    %get3A_42 = arith.constant 0 : index
    %get3A_43 = vector.load %arg1[%get3A_40, %get3A_41, %get3A_42] : memref<20x128x128xf32, #tpu.memory_space<vmem>>, vector<1x128x128xf32>
    %get3A_44 = vector.shape_cast %get3A_43 : vector<1x128x128xf32> to vector<128x128xf32>
    %transpose3A_45 = tpu.transpose %get3A_44, [1, 0] : vector<128x128xf32> -> vector<128x128xf32>
    %slice3A_46 = vector.extract_strided_slice %transpose3A_45 {offsets = [0, 0], sizes = [32, 128], strides = [1, 1]} : vector<128x128xf32> to vector<32x128xf32>
    %slice3A_47 = vector.extract_strided_slice %transpose3A_45 {offsets = [32, 0], sizes = [32, 128], strides = [1, 1]} : vector<128x128xf32> to vector<32x128xf32>
    %slice3A_48 = vector.extract_strided_slice %transpose3A_45 {offsets = [64, 0], sizes = [32, 128], strides = [1, 1]} : vector<128x128xf32> to vector<32x128xf32>
    %slice3A_49 = vector.extract_strided_slice %transpose3A_45 {offsets = [96, 0], sizes = [32, 128], strides = [1, 1]} : vector<128x128xf32> to vector<32x128xf32>
    %concatenate3A_50 = tpu.concatenate %slice3A_46, %slice3A_47, %slice3A_48, %slice3A_49 in 1 : vector<32x128xf32>, vector<32x128xf32>, vector<32x128xf32>, vector<32x128xf32> -> vector<32x512xf32>
    %get3A_51 = arith.constant 5 : index
    %get3A_52 = arith.constant 0 : index
    %get3A_53 = arith.constant 0 : index
    %get3A_54 = vector.load %arg1[%get3A_51, %get3A_52, %get3A_53] : memref<20x128x128xf32, #tpu.memory_space<vmem>>, vector<1x128x128xf32>
    %get3A_55 = vector.shape_cast %get3A_54 : vector<1x128x128xf32> to vector<128x128xf32>
    %transpose3A_56 = tpu.transpose %get3A_55, [1, 0] : vector<128x128xf32> -> vector<128x128xf32>
    %slice3A_57 = vector.extract_strided_slice %transpose3A_56 {offsets = [0, 0], sizes = [32, 128], strides = [1, 1]} : vector<128x128xf32> to vector<32x128xf32>
    %slice3A_58 = vector.extract_strided_slice %transpose3A_56 {offsets = [32, 0], sizes = [32, 128], strides = [1, 1]} : vector<128x128xf32> to vector<32x128xf32>
    %slice3A_59 = vector.extract_strided_slice %transpose3A_56 {offsets = [64, 0], sizes = [32, 128], strides = [1, 1]} : vector<128x128xf32> to vector<32x128xf32>
    %slice3A_60 = vector.extract_strided_slice %transpose3A_56 {offsets = [96, 0], sizes = [32, 128], strides = [1, 1]} : vector<128x128xf32> to vector<32x128xf32>
    %concatenate3A_61 = tpu.concatenate %slice3A_57, %slice3A_58, %slice3A_59, %slice3A_60 in 1 : vector<32x128xf32>, vector<32x128xf32>, vector<32x128xf32>, vector<32x128xf32> -> vector<32x512xf32>
    %get3A_62 = arith.constant 6 : index
    %get3A_63 = arith.constant 0 : index
    %get3A_64 = arith.constant 0 : index
    %get3A_65 = vector.load %arg1[%get3A_62, %get3A_63, %get3A_64] : memref<20x128x128xf32, #tpu.memory_space<vmem>>, vector<1x128x128xf32>
    %get3A_66 = vector.shape_cast %get3A_65 : vector<1x128x128xf32> to vector<128x128xf32>
    %transpose3A_67 = tpu.transpose %get3A_66, [1, 0] : vector<128x128xf32> -> vector<128x128xf32>
    %slice3A_68 = vector.extract_strided_slice %transpose3A_67 {offsets = [0, 0], sizes = [32, 128], strides = [1, 1]} : vector<128x128xf32> to vector<32x128xf32>
    %slice3A_69 = vector.extract_strided_slice %transpose3A_67 {offsets = [32, 0], sizes = [32, 128], strides = [1, 1]} : vector<128x128xf32> to vector<32x128xf32>
    %slice3A_70 = vector.extract_strided_slice %transpose3A_67 {offsets = [64, 0], sizes = [32, 128], strides = [1, 1]} : vector<128x128xf32> to vector<32x128xf32>
    %slice3A_71 = vector.extract_strided_slice %transpose3A_67 {offsets = [96, 0], sizes = [32, 128], strides = [1, 1]} : vector<128x128xf32> to vector<32x128xf32>
    %concatenate3A_72 = tpu.concatenate %slice3A_68, %slice3A_69, %slice3A_70, %slice3A_71 in 1 : vector<32x128xf32>, vector<32x128xf32>, vector<32x128xf32>, vector<32x128xf32> -> vector<32x512xf32>
    %get3A_73 = arith.constant 7 : index
    %get3A_74 = arith.constant 0 : index
    %get3A_75 = arith.constant 0 : index
    %get3A_76 = vector.load %arg1[%get3A_73, %get3A_74, %get3A_75] : memref<20x128x128xf32, #tpu.memory_space<vmem>>, vector<1x128x128xf32>
    %get3A_77 = vector.shape_cast %get3A_76 : vector<1x128x128xf32> to vector<128x128xf32>
    %transpose3A_78 = tpu.transpose %get3A_77, [1, 0] : vector<128x128xf32> -> vector<128x128xf32>
    %slice3A_79 = vector.extract_strided_slice %transpose3A_78 {offsets = [0, 0], sizes = [32, 128], strides = [1, 1]} : vector<128x128xf32> to vector<32x128xf32>
    %slice3A_80 = vector.extract_strided_slice %transpose3A_78 {offsets = [32, 0], sizes = [32, 128], strides = [1, 1]} : vector<128x128xf32> to vector<32x128xf32>
    %slice3A_81 = vector.extract_strided_slice %transpose3A_78 {offsets = [64, 0], sizes = [32, 128], strides = [1, 1]} : vector<128x128xf32> to vector<32x128xf32>
    %slice3A_82 = vector.extract_strided_slice %transpose3A_78 {offsets = [96, 0], sizes = [32, 128], strides = [1, 1]} : vector<128x128xf32> to vector<32x128xf32>
    %concatenate3A_83 = tpu.concatenate %slice3A_79, %slice3A_80, %slice3A_81, %slice3A_82 in 1 : vector<32x128xf32>, vector<32x128xf32>, vector<32x128xf32>, vector<32x128xf32> -> vector<32x512xf32>
    %get3A_84 = arith.constant 8 : index
    %get3A_85 = arith.constant 0 : index
    %get3A_86 = arith.constant 0 : index
    %get3A_87 = vector.load %arg1[%get3A_84, %get3A_85, %get3A_86] : memref<20x128x128xf32, #tpu.memory_space<vmem>>, vector<1x128x128xf32>
    %get3A_88 = vector.shape_cast %get3A_87 : vector<1x128x128xf32> to vector<128x128xf32>
    %transpose3A_89 = tpu.transpose %get3A_88, [1, 0] : vector<128x128xf32> -> vector<128x128xf32>
    %slice3A_90 = vector.extract_strided_slice %transpose3A_89 {offsets = [0, 0], sizes = [32, 128], strides = [1, 1]} : vector<128x128xf32> to vector<32x128xf32>
    %slice3A_91 = vector.extract_strided_slice %transpose3A_89 {offsets = [32, 0], sizes = [32, 128], strides = [1, 1]} : vector<128x128xf32> to vector<32x128xf32>
    %slice3A_92 = vector.extract_strided_slice %transpose3A_89 {offsets = [64, 0], sizes = [32, 128], strides = [1, 1]} : vector<128x128xf32> to vector<32x128xf32>
    %slice3A_93 = vector.extract_strided_slice %transpose3A_89 {offsets = [96, 0], sizes = [32, 128], strides = [1, 1]} : vector<128x128xf32> to vector<32x128xf32>
    %concatenate3A_94 = tpu.concatenate %slice3A_90, %slice3A_91, %slice3A_92, %slice3A_93 in 1 : vector<32x128xf32>, vector<32x128xf32>, vector<32x128xf32>, vector<32x128xf32> -> vector<32x512xf32>
    %get3A_95 = arith.constant 9 : index
    %get3A_96 = arith.constant 0 : index
    %get3A_97 = arith.constant 0 : index
    %get3A_98 = vector.load %arg1[%get3A_95, %get3A_96, %get3A_97] : memref<20x128x128xf32, #tpu.memory_space<vmem>>, vector<1x128x128xf32>
    %get3A_99 = vector.shape_cast %get3A_98 : vector<1x128x128xf32> to vector<128x128xf32>
    %transpose3A_100 = tpu.transpose %get3A_99, [1, 0] : vector<128x128xf32> -> vector<128x128xf32>
    %slice3A_101 = vector.extract_strided_slice %transpose3A_100 {offsets = [0, 0], sizes = [32, 128], strides = [1, 1]} : vector<128x128xf32> to vector<32x128xf32>
    %slice3A_102 = vector.extract_strided_slice %transpose3A_100 {offsets = [32, 0], sizes = [32, 128], strides = [1, 1]} : vector<128x128xf32> to vector<32x128xf32>
    %slice3A_103 = vector.extract_strided_slice %transpose3A_100 {offsets = [64, 0], sizes = [32, 128], strides = [1, 1]} : vector<128x128xf32> to vector<32x128xf32>
    %slice3A_104 = vector.extract_strided_slice %transpose3A_100 {offsets = [96, 0], sizes = [32, 128], strides = [1, 1]} : vector<128x128xf32> to vector<32x128xf32>
    %concatenate3A_105 = tpu.concatenate %slice3A_101, %slice3A_102, %slice3A_103, %slice3A_104 in 1 : vector<32x128xf32>, vector<32x128xf32>, vector<32x128xf32>, vector<32x128xf32> -> vector<32x512xf32>
    %get3A_106 = arith.constant 10 : index
    %get3A_107 = arith.constant 0 : index
    %get3A_108 = arith.constant 0 : index
    %get3A_109 = vector.load %arg1[%get3A_106, %get3A_107, %get3A_108] : memref<20x128x128xf32, #tpu.memory_space<vmem>>, vector<1x128x128xf32>
    %get3A_110 = vector.shape_cast %get3A_109 : vector<1x128x128xf32> to vector<128x128xf32>
    %transpose3A_111 = tpu.transpose %get3A_110, [1, 0] : vector<128x128xf32> -> vector<128x128xf32>
    %slice3A_112 = vector.extract_strided_slice %transpose3A_111 {offsets = [0, 0], sizes = [32, 128], strides = [1, 1]} : vector<128x128xf32> to vector<32x128xf32>
    %slice3A_113 = vector.extract_strided_slice %transpose3A_111 {offsets = [32, 0], sizes = [32, 128], strides = [1, 1]} : vector<128x128xf32> to vector<32x128xf32>
    %slice3A_114 = vector.extract_strided_slice %transpose3A_111 {offsets = [64, 0], sizes = [32, 128], strides = [1, 1]} : vector<128x128xf32> to vector<32x128xf32>
    %slice3A_115 = vector.extract_strided_slice %transpose3A_111 {offsets = [96, 0], sizes = [32, 128], strides = [1, 1]} : vector<128x128xf32> to vector<32x128xf32>
    %concatenate3A_116 = tpu.concatenate %slice3A_112, %slice3A_113, %slice3A_114, %slice3A_115 in 1 : vector<32x128xf32>, vector<32x128xf32>, vector<32x128xf32>, vector<32x128xf32> -> vector<32x512xf32>
    %get3A_117 = arith.constant 11 : index
    %get3A_118 = arith.constant 0 : index
    %get3A_119 = arith.constant 0 : index
    %get3A_120 = vector.load %arg1[%get3A_117, %get3A_118, %get3A_119] : memref<20x128x128xf32, #tpu.memory_space<vmem>>, vector<1x128x128xf32>
    %get3A_121 = vector.shape_cast %get3A_120 : vector<1x128x128xf32> to vector<128x128xf32>
    %transpose3A_122 = tpu.transpose %get3A_121, [1, 0] : vector<128x128xf32> -> vector<128x128xf32>
    %slice3A_123 = vector.extract_strided_slice %transpose3A_122 {offsets = [0, 0], sizes = [32, 128], strides = [1, 1]} : vector<128x128xf32> to vector<32x128xf32>
    %slice3A_124 = vector.extract_strided_slice %transpose3A_122 {offsets = [32, 0], sizes = [32, 128], strides = [1, 1]} : vector<128x128xf32> to vector<32x128xf32>
    %slice3A_125 = vector.extract_strided_slice %transpose3A_122 {offsets = [64, 0], sizes = [32, 128], strides = [1, 1]} : vector<128x128xf32> to vector<32x128xf32>
    %slice3A_126 = vector.extract_strided_slice %transpose3A_122 {offsets = [96, 0], sizes = [32, 128], strides = [1, 1]} : vector<128x128xf32> to vector<32x128xf32>
    %concatenate3A_127 = tpu.concatenate %slice3A_123, %slice3A_124, %slice3A_125, %slice3A_126 in 1 : vector<32x128xf32>, vector<32x128xf32>, vector<32x128xf32>, vector<32x128xf32> -> vector<32x512xf32>
    %get3A_128 = arith.constant 12 : index
    %get3A_129 = arith.constant 0 : index
    %get3A_130 = arith.constant 0 : index
    %get3A_131 = vector.load %arg1[%get3A_128, %get3A_129, %get3A_130] : memref<20x128x128xf32, #tpu.memory_space<vmem>>, vector<1x128x128xf32>
    %get3A_132 = vector.shape_cast %get3A_131 : vector<1x128x128xf32> to vector<128x128xf32>
    %transpose3A_133 = tpu.transpose %get3A_132, [1, 0] : vector<128x128xf32> -> vector<128x128xf32>
    %slice3A_134 = vector.extract_strided_slice %transpose3A_133 {offsets = [0, 0], sizes = [32, 128], strides = [1, 1]} : vector<128x128xf32> to vector<32x128xf32>
    %slice3A_135 = vector.extract_strided_slice %transpose3A_133 {offsets = [32, 0], sizes = [32, 128], strides = [1, 1]} : vector<128x128xf32> to vector<32x128xf32>
    %slice3A_136 = vector.extract_strided_slice %transpose3A_133 {offsets = [64, 0], sizes = [32, 128], strides = [1, 1]} : vector<128x128xf32> to vector<32x128xf32>
    %slice3A_137 = vector.extract_strided_slice %transpose3A_133 {offsets = [96, 0], sizes = [32, 128], strides = [1, 1]} : vector<128x128xf32> to vector<32x128xf32>
    %concatenate3A_138 = tpu.concatenate %slice3A_134, %slice3A_135, %slice3A_136, %slice3A_137 in 1 : vector<32x128xf32>, vector<32x128xf32>, vector<32x128xf32>, vector<32x128xf32> -> vector<32x512xf32>
    %get3A_139 = arith.constant 13 : index
    %get3A_140 = arith.constant 0 : index
    %get3A_141 = arith.constant 0 : index
    %get3A_142 = vector.load %arg1[%get3A_139, %get3A_140, %get3A_141] : memref<20x128x128xf32, #tpu.memory_space<vmem>>, vector<1x128x128xf32>
    %get3A_143 = vector.shape_cast %get3A_142 : vector<1x128x128xf32> to vector<128x128xf32>
    %transpose3A_144 = tpu.transpose %get3A_143, [1, 0] : vector<128x128xf32> -> vector<128x128xf32>
    %slice3A_145 = vector.extract_strided_slice %transpose3A_144 {offsets = [0, 0], sizes = [32, 128], strides = [1, 1]} : vector<128x128xf32> to vector<32x128xf32>
    %slice3A_146 = vector.extract_strided_slice %transpose3A_144 {offsets = [32, 0], sizes = [32, 128], strides = [1, 1]} : vector<128x128xf32> to vector<32x128xf32>
    %slice3A_147 = vector.extract_strided_slice %transpose3A_144 {offsets = [64, 0], sizes = [32, 128], strides = [1, 1]} : vector<128x128xf32> to vector<32x128xf32>
    %slice3A_148 = vector.extract_strided_slice %transpose3A_144 {offsets = [96, 0], sizes = [32, 128], strides = [1, 1]} : vector<128x128xf32> to vector<32x128xf32>
    %concatenate3A_149 = tpu.concatenate %slice3A_145, %slice3A_146, %slice3A_147, %slice3A_148 in 1 : vector<32x128xf32>, vector<32x128xf32>, vector<32x128xf32>, vector<32x128xf32> -> vector<32x512xf32>
    %get3A_150 = arith.constant 14 : index
    %get3A_151 = arith.constant 0 : index
    %get3A_152 = arith.constant 0 : index
    %get3A_153 = vector.load %arg1[%get3A_150, %get3A_151, %get3A_152] : memref<20x128x128xf32, #tpu.memory_space<vmem>>, vector<1x128x128xf32>
    %get3A_154 = vector.shape_cast %get3A_153 : vector<1x128x128xf32> to vector<128x128xf32>
    %transpose3A_155 = tpu.transpose %get3A_154, [1, 0] : vector<128x128xf32> -> vector<128x128xf32>
    %slice3A_156 = vector.extract_strided_slice %transpose3A_155 {offsets = [0, 0], sizes = [32, 128], strides = [1, 1]} : vector<128x128xf32> to vector<32x128xf32>
    %slice3A_157 = vector.extract_strided_slice %transpose3A_155 {offsets = [32, 0], sizes = [32, 128], strides = [1, 1]} : vector<128x128xf32> to vector<32x128xf32>
    %slice3A_158 = vector.extract_strided_slice %transpose3A_155 {offsets = [64, 0], sizes = [32, 128], strides = [1, 1]} : vector<128x128xf32> to vector<32x128xf32>
    %slice3A_159 = vector.extract_strided_slice %transpose3A_155 {offsets = [96, 0], sizes = [32, 128], strides = [1, 1]} : vector<128x128xf32> to vector<32x128xf32>
    %concatenate3A_160 = tpu.concatenate %slice3A_156, %slice3A_157, %slice3A_158, %slice3A_159 in 1 : vector<32x128xf32>, vector<32x128xf32>, vector<32x128xf32>, vector<32x128xf32> -> vector<32x512xf32>
    %get3A_161 = arith.constant 15 : index
    %get3A_162 = arith.constant 0 : index
    %get3A_163 = arith.constant 0 : index
    %get3A_164 = vector.load %arg1[%get3A_161, %get3A_162, %get3A_163] : memref<20x128x128xf32, #tpu.memory_space<vmem>>, vector<1x128x128xf32>
    %get3A_165 = vector.shape_cast %get3A_164 : vector<1x128x128xf32> to vector<128x128xf32>
    %transpose3A_166 = tpu.transpose %get3A_165, [1, 0] : vector<128x128xf32> -> vector<128x128xf32>
    %slice3A_167 = vector.extract_strided_slice %transpose3A_166 {offsets = [0, 0], sizes = [32, 128], strides = [1, 1]} : vector<128x128xf32> to vector<32x128xf32>
    %slice3A_168 = vector.extract_strided_slice %transpose3A_166 {offsets = [32, 0], sizes = [32, 128], strides = [1, 1]} : vector<128x128xf32> to vector<32x128xf32>
    %slice3A_169 = vector.extract_strided_slice %transpose3A_166 {offsets = [64, 0], sizes = [32, 128], strides = [1, 1]} : vector<128x128xf32> to vector<32x128xf32>
    %slice3A_170 = vector.extract_strided_slice %transpose3A_166 {offsets = [96, 0], sizes = [32, 128], strides = [1, 1]} : vector<128x128xf32> to vector<32x128xf32>
    %concatenate3A_171 = tpu.concatenate %slice3A_167, %slice3A_168, %slice3A_169, %slice3A_170 in 1 : vector<32x128xf32>, vector<32x128xf32>, vector<32x128xf32>, vector<32x128xf32> -> vector<32x512xf32>
    %get3A_172 = arith.constant 16 : index
    %get3A_173 = arith.constant 0 : index
    %get3A_174 = arith.constant 0 : index
    %get3A_175 = vector.load %arg1[%get3A_172, %get3A_173, %get3A_174] : memref<20x128x128xf32, #tpu.memory_space<vmem>>, vector<1x128x128xf32>
    %get3A_176 = vector.shape_cast %get3A_175 : vector<1x128x128xf32> to vector<128x128xf32>
    %transpose3A_177 = tpu.transpose %get3A_176, [1, 0] : vector<128x128xf32> -> vector<128x128xf32>
    %slice3A_178 = vector.extract_strided_slice %transpose3A_177 {offsets = [0, 0], sizes = [32, 128], strides = [1, 1]} : vector<128x128xf32> to vector<32x128xf32>
    %slice3A_179 = vector.extract_strided_slice %transpose3A_177 {offsets = [32, 0], sizes = [32, 128], strides = [1, 1]} : vector<128x128xf32> to vector<32x128xf32>
    %slice3A_180 = vector.extract_strided_slice %transpose3A_177 {offsets = [64, 0], sizes = [32, 128], strides = [1, 1]} : vector<128x128xf32> to vector<32x128xf32>
    %slice3A_181 = vector.extract_strided_slice %transpose3A_177 {offsets = [96, 0], sizes = [32, 128], strides = [1, 1]} : vector<128x128xf32> to vector<32x128xf32>
    %concatenate3A_182 = tpu.concatenate %slice3A_178, %slice3A_179, %slice3A_180, %slice3A_181 in 1 : vector<32x128xf32>, vector<32x128xf32>, vector<32x128xf32>, vector<32x128xf32> -> vector<32x512xf32>
    %get3A_183 = arith.constant 17 : index
    %get3A_184 = arith.constant 0 : index
    %get3A_185 = arith.constant 0 : index
    %get3A_186 = vector.load %arg1[%get3A_183, %get3A_184, %get3A_185] : memref<20x128x128xf32, #tpu.memory_space<vmem>>, vector<1x128x128xf32>
    %get3A_187 = vector.shape_cast %get3A_186 : vector<1x128x128xf32> to vector<128x128xf32>
    %transpose3A_188 = tpu.transpose %get3A_187, [1, 0] : vector<128x128xf32> -> vector<128x128xf32>
    %slice3A_189 = vector.extract_strided_slice %transpose3A_188 {offsets = [0, 0], sizes = [32, 128], strides = [1, 1]} : vector<128x128xf32> to vector<32x128xf32>
    %slice3A_190 = vector.extract_strided_slice %transpose3A_188 {offsets = [32, 0], sizes = [32, 128], strides = [1, 1]} : vector<128x128xf32> to vector<32x128xf32>
    %slice3A_191 = vector.extract_strided_slice %transpose3A_188 {offsets = [64, 0], sizes = [32, 128], strides = [1, 1]} : vector<128x128xf32> to vector<32x128xf32>
    %slice3A_192 = vector.extract_strided_slice %transpose3A_188 {offsets = [96, 0], sizes = [32, 128], strides = [1, 1]} : vector<128x128xf32> to vector<32x128xf32>
    %concatenate3A_193 = tpu.concatenate %slice3A_189, %slice3A_190, %slice3A_191, %slice3A_192 in 1 : vector<32x128xf32>, vector<32x128xf32>, vector<32x128xf32>, vector<32x128xf32> -> vector<32x512xf32>
    %get3A_194 = arith.constant 18 : index
    %get3A_195 = arith.constant 0 : index
    %get3A_196 = arith.constant 0 : index
    %get3A_197 = vector.load %arg1[%get3A_194, %get3A_195, %get3A_196] : memref<20x128x128xf32, #tpu.memory_space<vmem>>, vector<1x128x128xf32>
    %get3A_198 = vector.shape_cast %get3A_197 : vector<1x128x128xf32> to vector<128x128xf32>
    %transpose3A_199 = tpu.transpose %get3A_198, [1, 0] : vector<128x128xf32> -> vector<128x128xf32>
    %slice3A_200 = vector.extract_strided_slice %transpose3A_199 {offsets = [0, 0], sizes = [32, 128], strides = [1, 1]} : vector<128x128xf32> to vector<32x128xf32>
    %slice3A_201 = vector.extract_strided_slice %transpose3A_199 {offsets = [32, 0], sizes = [32, 128], strides = [1, 1]} : vector<128x128xf32> to vector<32x128xf32>
    %slice3A_202 = vector.extract_strided_slice %transpose3A_199 {offsets = [64, 0], sizes = [32, 128], strides = [1, 1]} : vector<128x128xf32> to vector<32x128xf32>
    %slice3A_203 = vector.extract_strided_slice %transpose3A_199 {offsets = [96, 0], sizes = [32, 128], strides = [1, 1]} : vector<128x128xf32> to vector<32x128xf32>
    %concatenate3A_204 = tpu.concatenate %slice3A_200, %slice3A_201, %slice3A_202, %slice3A_203 in 1 : vector<32x128xf32>, vector<32x128xf32>, vector<32x128xf32>, vector<32x128xf32> -> vector<32x512xf32>
    %get3A_205 = arith.constant 19 : index
    %get3A_206 = arith.constant 0 : index
    %get3A_207 = arith.constant 0 : index
    %get3A_208 = vector.load %arg1[%get3A_205, %get3A_206, %get3A_207] : memref<20x128x128xf32, #tpu.memory_space<vmem>>, vector<1x128x128xf32>
    %get3A_209 = vector.shape_cast %get3A_208 : vector<1x128x128xf32> to vector<128x128xf32>
    %transpose3A_210 = tpu.transpose %get3A_209, [1, 0] : vector<128x128xf32> -> vector<128x128xf32>
    %slice3A_211 = vector.extract_strided_slice %transpose3A_210 {offsets = [0, 0], sizes = [32, 128], strides = [1, 1]} : vector<128x128xf32> to vector<32x128xf32>
    %slice3A_212 = vector.extract_strided_slice %transpose3A_210 {offsets = [32, 0], sizes = [32, 128], strides = [1, 1]} : vector<128x128xf32> to vector<32x128xf32>
    %slice3A_213 = vector.extract_strided_slice %transpose3A_210 {offsets = [64, 0], sizes = [32, 128], strides = [1, 1]} : vector<128x128xf32> to vector<32x128xf32>
    %slice3A_214 = vector.extract_strided_slice %transpose3A_210 {offsets = [96, 0], sizes = [32, 128], strides = [1, 1]} : vector<128x128xf32> to vector<32x128xf32>
    %concatenate3A_215 = tpu.concatenate %slice3A_211, %slice3A_212, %slice3A_213, %slice3A_214 in 1 : vector<32x128xf32>, vector<32x128xf32>, vector<32x128xf32>, vector<32x128xf32> -> vector<32x512xf32>
    %get3A_216 = arith.constant 0 : index
    %get3A_217 = arith.constant 0 : index
    %get3A_218 = arith.constant 0 : index
    %get3A_219 = vector.load %arg2[%get3A_216, %get3A_217, %get3A_218] : memref<6x128x128xf32, #tpu.memory_space<vmem>>, vector<1x128x128xf32>
    %get3A_220 = vector.shape_cast %get3A_219 : vector<1x128x128xf32> to vector<128x128xf32>
    %transpose3A_221 = tpu.transpose %get3A_220, [1, 0] : vector<128x128xf32> -> vector<128x128xf32>
    %slice3A_222 = vector.extract_strided_slice %transpose3A_221 {offsets = [0, 0], sizes = [32, 128], strides = [1, 1]} : vector<128x128xf32> to vector<32x128xf32>
    %slice3A_223 = vector.extract_strided_slice %transpose3A_221 {offsets = [32, 0], sizes = [32, 128], strides = [1, 1]} : vector<128x128xf32> to vector<32x128xf32>
    %slice3A_224 = vector.extract_strided_slice %transpose3A_221 {offsets = [64, 0], sizes = [32, 128], strides = [1, 1]} : vector<128x128xf32> to vector<32x128xf32>
    %slice3A_225 = vector.extract_strided_slice %transpose3A_221 {offsets = [96, 0], sizes = [32, 128], strides = [1, 1]} : vector<128x128xf32> to vector<32x128xf32>
    %concatenate3A_226 = tpu.concatenate %slice3A_222, %slice3A_223, %slice3A_224, %slice3A_225 in 1 : vector<32x128xf32>, vector<32x128xf32>, vector<32x128xf32>, vector<32x128xf32> -> vector<32x512xf32>
    %get3A_227 = arith.constant 1 : index
    %get3A_228 = arith.constant 0 : index
    %get3A_229 = arith.constant 0 : index
    %get3A_230 = vector.load %arg2[%get3A_227, %get3A_228, %get3A_229] : memref<6x128x128xf32, #tpu.memory_space<vmem>>, vector<1x128x128xf32>
    %get3A_231 = vector.shape_cast %get3A_230 : vector<1x128x128xf32> to vector<128x128xf32>
    %transpose3A_232 = tpu.transpose %get3A_231, [1, 0] : vector<128x128xf32> -> vector<128x128xf32>
    %slice3A_233 = vector.extract_strided_slice %transpose3A_232 {offsets = [0, 0], sizes = [32, 128], strides = [1, 1]} : vector<128x128xf32> to vector<32x128xf32>
    %slice3A_234 = vector.extract_strided_slice %transpose3A_232 {offsets = [32, 0], sizes = [32, 128], strides = [1, 1]} : vector<128x128xf32> to vector<32x128xf32>
    %slice3A_235 = vector.extract_strided_slice %transpose3A_232 {offsets = [64, 0], sizes = [32, 128], strides = [1, 1]} : vector<128x128xf32> to vector<32x128xf32>
    %slice3A_236 = vector.extract_strided_slice %transpose3A_232 {offsets = [96, 0], sizes = [32, 128], strides = [1, 1]} : vector<128x128xf32> to vector<32x128xf32>
    %concatenate3A_237 = tpu.concatenate %slice3A_233, %slice3A_234, %slice3A_235, %slice3A_236 in 1 : vector<32x128xf32>, vector<32x128xf32>, vector<32x128xf32>, vector<32x128xf32> -> vector<32x512xf32>
    %get3A_238 = arith.constant 2 : index
    %get3A_239 = arith.constant 0 : index
    %get3A_240 = arith.constant 0 : index
    %get3A_241 = vector.load %arg2[%get3A_238, %get3A_239, %get3A_240] : memref<6x128x128xf32, #tpu.memory_space<vmem>>, vector<1x128x128xf32>
    %get3A_242 = vector.shape_cast %get3A_241 : vector<1x128x128xf32> to vector<128x128xf32>
    %transpose3A_243 = tpu.transpose %get3A_242, [1, 0] : vector<128x128xf32> -> vector<128x128xf32>
    %slice3A_244 = vector.extract_strided_slice %transpose3A_243 {offsets = [0, 0], sizes = [32, 128], strides = [1, 1]} : vector<128x128xf32> to vector<32x128xf32>
    %slice3A_245 = vector.extract_strided_slice %transpose3A_243 {offsets = [32, 0], sizes = [32, 128], strides = [1, 1]} : vector<128x128xf32> to vector<32x128xf32>
    %slice3A_246 = vector.extract_strided_slice %transpose3A_243 {offsets = [64, 0], sizes = [32, 128], strides = [1, 1]} : vector<128x128xf32> to vector<32x128xf32>
    %slice3A_247 = vector.extract_strided_slice %transpose3A_243 {offsets = [96, 0], sizes = [32, 128], strides = [1, 1]} : vector<128x128xf32> to vector<32x128xf32>
    %concatenate3A_248 = tpu.concatenate %slice3A_244, %slice3A_245, %slice3A_246, %slice3A_247 in 1 : vector<32x128xf32>, vector<32x128xf32>, vector<32x128xf32>, vector<32x128xf32> -> vector<32x512xf32>
    %get3A_249 = arith.constant 3 : index
    %get3A_250 = arith.constant 0 : index
    %get3A_251 = arith.constant 0 : index
    %get3A_252 = vector.load %arg2[%get3A_249, %get3A_250, %get3A_251] : memref<6x128x128xf32, #tpu.memory_space<vmem>>, vector<1x128x128xf32>
    %get3A_253 = vector.shape_cast %get3A_252 : vector<1x128x128xf32> to vector<128x128xf32>
    %transpose3A_254 = tpu.transpose %get3A_253, [1, 0] : vector<128x128xf32> -> vector<128x128xf32>
    %slice3A_255 = vector.extract_strided_slice %transpose3A_254 {offsets = [0, 0], sizes = [32, 128], strides = [1, 1]} : vector<128x128xf32> to vector<32x128xf32>
    %slice3A_256 = vector.extract_strided_slice %transpose3A_254 {offsets = [32, 0], sizes = [32, 128], strides = [1, 1]} : vector<128x128xf32> to vector<32x128xf32>
    %slice3A_257 = vector.extract_strided_slice %transpose3A_254 {offsets = [64, 0], sizes = [32, 128], strides = [1, 1]} : vector<128x128xf32> to vector<32x128xf32>
    %slice3A_258 = vector.extract_strided_slice %transpose3A_254 {offsets = [96, 0], sizes = [32, 128], strides = [1, 1]} : vector<128x128xf32> to vector<32x128xf32>
    %concatenate3A_259 = tpu.concatenate %slice3A_255, %slice3A_256, %slice3A_257, %slice3A_258 in 1 : vector<32x128xf32>, vector<32x128xf32>, vector<32x128xf32>, vector<32x128xf32> -> vector<32x512xf32>
    %get3A_260 = arith.constant 4 : index
    %get3A_261 = arith.constant 0 : index
    %get3A_262 = arith.constant 0 : index
    %get3A_263 = vector.load %arg2[%get3A_260, %get3A_261, %get3A_262] : memref<6x128x128xf32, #tpu.memory_space<vmem>>, vector<1x128x128xf32>
    %get3A_264 = vector.shape_cast %get3A_263 : vector<1x128x128xf32> to vector<128x128xf32>
    %transpose3A_265 = tpu.transpose %get3A_264, [1, 0] : vector<128x128xf32> -> vector<128x128xf32>
    %slice3A_266 = vector.extract_strided_slice %transpose3A_265 {offsets = [0, 0], sizes = [32, 128], strides = [1, 1]} : vector<128x128xf32> to vector<32x128xf32>
    %slice3A_267 = vector.extract_strided_slice %transpose3A_265 {offsets = [32, 0], sizes = [32, 128], strides = [1, 1]} : vector<128x128xf32> to vector<32x128xf32>
    %slice3A_268 = vector.extract_strided_slice %transpose3A_265 {offsets = [64, 0], sizes = [32, 128], strides = [1, 1]} : vector<128x128xf32> to vector<32x128xf32>
    %slice3A_269 = vector.extract_strided_slice %transpose3A_265 {offsets = [96, 0], sizes = [32, 128], strides = [1, 1]} : vector<128x128xf32> to vector<32x128xf32>
    %concatenate3A_270 = tpu.concatenate %slice3A_266, %slice3A_267, %slice3A_268, %slice3A_269 in 1 : vector<32x128xf32>, vector<32x128xf32>, vector<32x128xf32>, vector<32x128xf32> -> vector<32x512xf32>
    %get3A_271 = arith.constant 5 : index
    %get3A_272 = arith.constant 0 : index
    %get3A_273 = arith.constant 0 : index
    %get3A_274 = vector.load %arg2[%get3A_271, %get3A_272, %get3A_273] : memref<6x128x128xf32, #tpu.memory_space<vmem>>, vector<1x128x128xf32>
    %get3A_275 = vector.shape_cast %get3A_274 : vector<1x128x128xf32> to vector<128x128xf32>
    %transpose3A_276 = tpu.transpose %get3A_275, [1, 0] : vector<128x128xf32> -> vector<128x128xf32>
    %slice3A_277 = vector.extract_strided_slice %transpose3A_276 {offsets = [0, 0], sizes = [32, 128], strides = [1, 1]} : vector<128x128xf32> to vector<32x128xf32>
    %slice3A_278 = vector.extract_strided_slice %transpose3A_276 {offsets = [32, 0], sizes = [32, 128], strides = [1, 1]} : vector<128x128xf32> to vector<32x128xf32>
    %slice3A_279 = vector.extract_strided_slice %transpose3A_276 {offsets = [64, 0], sizes = [32, 128], strides = [1, 1]} : vector<128x128xf32> to vector<32x128xf32>
    %slice3A_280 = vector.extract_strided_slice %transpose3A_276 {offsets = [96, 0], sizes = [32, 128], strides = [1, 1]} : vector<128x128xf32> to vector<32x128xf32>
    %concatenate3A_281 = tpu.concatenate %slice3A_277, %slice3A_278, %slice3A_279, %slice3A_280 in 1 : vector<32x128xf32>, vector<32x128xf32>, vector<32x128xf32>, vector<32x128xf32> -> vector<32x512xf32>
    %concatenate3A_282 = tpu.concatenate %concatenate3A, %concatenate3A_17, %concatenate3A_28, %concatenate3A_39, %concatenate3A_50, %concatenate3A_61, %concatenate3A_72, %concatenate3A_83, %concatenate3A_94, %concatenate3A_105, %concatenate3A_116, %concatenate3A_127, %concatenate3A_138, %concatenate3A_149, %concatenate3A_160, %concatenate3A_171, %concatenate3A_182, %concatenate3A_193, %concatenate3A_204, %concatenate3A_215, %concatenate3A_226, %concatenate3A_237, %concatenate3A_248, %concatenate3A_259, %concatenate3A_270, %concatenate3A_281 in 0 : vector<32x512xf32>, vector<32x512xf32>, vector<32x512xf32>, vector<32x512xf32>, vector<32x512xf32>, vector<32x512xf32>, vector<32x512xf32>, vector<32x512xf32>, vector<32x512xf32>, vector<32x512xf32>, vector<32x512xf32>, vector<32x512xf32>, vector<32x512xf32>, vector<32x512xf32>, vector<32x512xf32>, vector<32x512xf32>, vector<32x512xf32>, vector<32x512xf32>, vector<32x512xf32>, vector<32x512xf32>, vector<32x512xf32>, vector<32x512xf32>, vector<32x512xf32>, vector<32x512xf32>, vector<32x512xf32>, vector<32x512xf32> -> vector<832x512xf32>
    %get3A_283 = arith.constant 0 : index
    %get3A_284 = arith.constant 0 : index
    %get3A_285 = vector.load %arg3[%get3A_283, %get3A_284] : memref<256x832xf32, #tpu.memory_space<vmem>>, vector<256x832xf32>
    %dot_general3A = arith.constant dense<0.000000e+00> : vector<256x512xf32>
    %dot_general3A_286 = tpu.matmul %get3A_285, %concatenate3A_282, %dot_general3A {dimension_numbers = #tpu.dot_dimension_numbers<[1], [0], [0], [1], [0, 0, 1, 1], [], []>, transpose_lhs_hint = false} : vector<256x832xf32>, vector<832x512xf32>, vector<256x512xf32> -> vector<256x512xf32>
    %get3A_287 = arith.constant 0 : index
    %get3A_288 = arith.constant 0 : index
    %get3A_289 = vector.load %arg4[%get3A_287, %get3A_288] : memref<256x1xf32, #tpu.memory_space<vmem>>, vector<256x1xf32>
    %add3A = vector.broadcast %get3A_289 : vector<256x1xf32> to vector<256x512xf32>
    %add3A_290 = arith.addf %dot_general3A_286, %add3A : vector<256x512xf32>
    %max3A = arith.constant 0.000000e+00 : f32
    %max3A_291 = vector.broadcast %max3A : f32 to vector<256x512xf32>
    %max3A_292 = arith.maximumf %add3A_290, %max3A_291 : vector<256x512xf32>
    %get3A_293 = arith.constant 0 : index
    %get3A_294 = arith.constant 0 : index
    %get3A_295 = vector.load %arg5[%get3A_293, %get3A_294] : memref<1x256xf32, #tpu.memory_space<vmem>>, vector<1x256xf32>
    %dot_general3A_296 = arith.constant dense<0.000000e+00> : vector<1x512xf32>
    %dot_general3A_297 = tpu.matmul %get3A_295, %max3A_292, %dot_general3A_296 {dimension_numbers = #tpu.dot_dimension_numbers<[1], [0], [0], [1], [0, 0, 1, 1], [], []>, transpose_lhs_hint = false} : vector<1x256xf32>, vector<256x512xf32>, vector<1x512xf32> -> vector<1x512xf32>
    %get3A_298 = arith.constant 0 : index
    %get3A_299 = arith.constant 0 : index
    %get3A_300 = vector.load %arg6[%get3A_298, %get3A_299] : memref<1x1xf32, #tpu.memory_space<vmem>>, vector<1x1xf32>
    %add3A_301 = vector.broadcast %get3A_300 : vector<1x1xf32> to vector<1x512xf32>
    %add3A_302 = arith.addf %dot_general3A_297, %add3A_301 : vector<1x512xf32>
    %logistic3A = arith.negf %add3A_302 : vector<1x512xf32>
    %logistic3A_303 = math.exp %logistic3A : vector<1x512xf32>
    %logistic3A_304 = arith.constant 1.000000e+00 : f32
    %logistic3A_305 = vector.broadcast %logistic3A_304 : f32 to vector<1x512xf32>
    %logistic3A_306 = arith.addf %logistic3A_305, %logistic3A_303 : vector<1x512xf32>
    %logistic3A_307 = arith.divf %logistic3A_305, %logistic3A_306 : vector<1x512xf32>
    %swap3A = arith.constant 0 : index
    %swap3A_308 = arith.constant 0 : index
    %swap3A_309 = vector.load %arg7[%swap3A, %swap3A_308] : memref<1x512xf32, #tpu.memory_space<vmem>>, vector<1x512xf32>
    tpu.vector_store %arg7[%swap3A, %swap3A_308], %logistic3A_307 {strides = array<i32>} : memref<1x512xf32, #tpu.memory_space<vmem>>, vector<1x512xf32>,
    return
  }
  func.func @transform_0(%arg0: i32) -> (i32, i32, i32) {
    %c0_i32 = arith.constant 0 : i32
    %c0_i32_0 = arith.constant 0 : i32
    %c0_i32_1 = arith.constant 0 : i32
    return %c0_i32, %arg0, %c0_i32_0 : i32, i32, i32
  }
  func.func @transform_1(%arg0: i32) -> (i32, i32, i32) {
    %c0_i32 = arith.constant 0 : i32
    %c0_i32_0 = arith.constant 0 : i32
    %c0_i32_1 = arith.constant 0 : i32
    return %c0_i32, %arg0, %c0_i32_0 : i32, i32, i32
  }
  func.func @transform_2(%arg0: i32) -> (i32, i32) {
    %c0_i32 = arith.constant 0 : i32
    %c0_i32_0 = arith.constant 0 : i32
    %c0_i32_1 = arith.constant 0 : i32
    return %c0_i32, %c0_i32_0 : i32, i32
  }
  func.func @transform_3(%arg0: i32) -> (i32, i32) {
    %c0_i32 = arith.constant 0 : i32
    %c0_i32_0 = arith.constant 0 : i32
    %c0_i32_1 = arith.constant 0 : i32
    return %c0_i32, %c0_i32_0 : i32, i32
  }
  func.func @transform_4(%arg0: i32) -> (i32, i32) {
    %c0_i32 = arith.constant 0 : i32
    %c0_i32_0 = arith.constant 0 : i32
    %c0_i32_1 = arith.constant 0 : i32
    return %c0_i32, %c0_i32_0 : i32, i32
  }
  func.func @transform_5(%arg0: i32) -> (i32, i32) {
    %c0_i32 = arith.constant 0 : i32
    %c0_i32_0 = arith.constant 0 : i32
    %c0_i32_1 = arith.constant 0 : i32
    return %c0_i32, %c0_i32_0 : i32, i32
  }
  func.func @transform_6(%arg0: i32) -> (i32, i32) {
    %c0_i32 = arith.constant 0 : i32
    %c0_i32_0 = arith.constant 0 : i32
    return %c0_i32, %arg0 : i32, i32
  }
}

</mosaic_0001>

<sc_bundles>
// kernel: kernel.10.cloned.1.call-start
scs
__scs_entry_jumppad:
0x0: {  	(pc) =	sbr.rel $0x88, $3  }
0x1: {  	(tag) =	ssettag $0x0;
	lr =	simm.s32 $0x1  }
0x2: {  	[smem:$0x3F9B] =	sst lr;
	_ =	strace $0xD0000000  }
0x3: {  	_ = 	snop  }
0x4: {  	_ = 	snop  }
0x5: {  	_ = 	snop  }
0x6: {  	_ = 	snop  }
0x7: {  	_ = 	snop  }
__scs_overlays_trampoline_lowered:
0x8: {  	[smem:$0x3FAA] =	sst s0  }
0x9: {  	[smem:$0x3FAB] =	sst s1  }
0xa: {  	[smem:$0x3FAC] =	sst s2  }
0xb: {  	[smem:$0x3FAD] =	sst s3  }
0xc: {  	[smem:$0x3FAE] =	sst s4  }
0xd: {  	[smem:$0x3FAF] =	sst s5  }
0xe: {  	[smem:$0x3FB0] =	sst s6  }
0xf: {  	[smem:$0x3FB1] =	sst s7  }
0x10: {  	[smem:$0x3FB2] =	sst s8  }
0x11: {  	[smem:$0x3FB3] =	sst s9;
	s0 =	simm.s32 @!p0 $0x0  }
0x12: {  	s1 =	sld [smem:$0x3F99];
	s0 =	simm.s32 @p0 $0x1  }
0x13: {  	[smem:$0x3FB4] =	sst s0;
	s0 =	simm.s32 @!p1 $0x0  }
0x14: {  	s2 =	sld [smem:$0x3F98];
	s0 =	simm.s32 @p1 $0x1  }
0x15: {  	[smem:$0x3FB5] =	sst s0;
	s0 =	simm.s32 @!p2 $0x0  }
0x16: {  	s3 =	sld [smem:$0x3FDB];
	s0 =	simm.s32 @p2 $0x1  }
0x17: {  	s4 =	simm.s32 $0x1BF5;
	[smem:$0x3FB7] =	sst s0  }
0x18: {  	s0 =	sld [smem:$0x3F9A];
	_ =	swait.ge [sflag:s4], $0x0  }
0x19: {  	s7 =	sld [smem:$0x3F9B]  }
0x1a: {  	s8 =	sadd.s32 $0xFFFFE003, lr  }
0x1b: {  	s9 =	sadd.s32 $0xFFFFFEF7, lr;
	s5 =	simm.s32 $0xFFFFFFFF;
	p2 =	slt.u32 s8, $0xFFFFF086  }
0x1c: {  	p1 =	slt.u32 s9, $0xF7A;
	s5 =	simm.s32 @!p2 $0x0  }
0x1d: {  	s5 =	simm.s32 @p1 $0x1;
	p0 =	seq.s32 s7, s2  }
0x1e: {  	s7 =	smul.u32 @!p0 $0xF7A, s2;
	p2 =	seq.s32 @!p0 s5, $0x0  }
0x1f: {  	s9 =	smul.u32 $0xF7A, s1;
	s8 =	simm.s32 @!p0 $0x1BF5;
	p2 =	por !p2, p0  }
0x20: {  	[sflag:s8] =	ssyncset.s32 @!p0 $0xFFFFF086;
	s6 =	sadd.s32 @!p0 s3, s7;
	s7 =	simm.s32 @!p0 $0x108  }
0x21: {  	s3 =	sadd.s32 s3, s9;
	s6 =	sadd.s32 @!p0 $0x88, s6;
	s7 =	simm.s32 @p2 $0x1082  }
0x22: {  	[simem:s7], [sflag:s8] =	dma.local @!p0 [hbm:s6], $0xF7A  }
0x23: {  	s9 =	sor.u32 $0xD0000000, s2;
	s6 =	simm.s32 $0x108;
	_ =	swait.ge @!p0 [sflag:s8], $0x0  }
0x24: {  	s3 =	sadd.s32 $0x88, s3;
	s6 =	simm.s32 @!p1 $0x1082;
	[sflag:s4] =	ssyncset.s32 $0xFFFFF086  }
0x25: {  	[simem:s6], [sflag:s4] =	dma.local [hbm:s3], $0xF7A  }
0x26: {  	[smem:$0x3F9B] =	sst s1;
	(tag) =	ssettag s2;
	_ =	strace s9  }
0x27: {  	s1 =	sld [smem:$0x3FAB]  }
0x28: {  	s2 =	sld [smem:$0x3FAC]  }
0x29: {  	s4 =	sld [smem:$0x3FAE]  }
0x2a: {  	p0 =	seq.s32 s5, $0x0;
	s5 =	sld [smem:$0x3FAF]  }
0x2b: {  	s6 =	sld [smem:$0x3FB0]  }
0x2c: {  	s7 =	sld [smem:$0x3FB1]  }
0x2d: {  	s3 =	simm.s32 $0x108;
	s8 =	sld [smem:$0x3FB2]  }
0x2e: {  	s3 =	simm.s32 @!p0 $0x1082;
	s9 =	sld [smem:$0x3FB3]  }
0x2f: {  	lr =	sadd.s32 s0, s3;
	s0 =	sld [smem:$0x3FAA]  }
0x30: {  	s3 =	sld [smem:$0x3FAD]  }
0x31: {  	[smem:$0x3FB6] =	sst s10  }
0x32: {  	s10 =	sld [smem:$0x3FB4];
	_ =	sdelay $0x3  }
0x33: {  	p0 =	seq.s32 s10, $0x1;
	s10 =	sld [smem:$0x3FB6];
	_ =	sdelay $0x3  }
0x34: {  	[smem:$0x3FB6] =	sst s10  }
0x35: {  	s10 =	sld [smem:$0x3FB5];
	_ =	sdelay $0x3  }
0x36: {  	p1 =	seq.s32 s10, $0x1;
	s10 =	sld [smem:$0x3FB6];
	_ =	sdelay $0x3  }
0x37: {  	[smem:$0x3FB6] =	sst s10  }
0x38: {  	s10 =	sld [smem:$0x3FB7]  }
0x39: {  	_ = 	snop;
	(pc) =	sbr.ind lr, $3  }
0x3a: {  	_ = 	snop  }
0x3b: {  	_ = 	snop  }
0x3c: {  	p2 =	seq.s32 s10, $0x1;
	s10 =	sld [smem:$0x3FB6]  }
0x3d: {  	_ =	shalt  }
0x3e: {  	_ =	shalt  }
0x3f: {  	_ =	shalt  }
0x40: {  	_ =	shalt  }
0x41: {  	_ =	shalt  }
0x42: {  	_ =	shalt  }
0x43: {  	_ =	shalt  }
0x44: {  	_ =	shalt  }
0x45: {  	_ =	shalt  }
0x46: {  	_ =	shalt  }
0x47: {  	_ =	shalt  }
0x48: {  	_ =	shalt  }
0x49: {  	_ =	shalt  }
0x4a: {  	_ =	shalt  }
0x4b: {  	_ =	shalt  }
0x4c: {  	_ =	shalt  }
0x4d: {  	_ =	shalt  }
0x4e: {  	_ =	shalt  }
0x4f: {  	_ =	shalt  }
0x50: {  	_ =	shalt  }
0x51: {  	_ =	shalt  }
0x52: {  	_ =	shalt  }
0x53: {  	_ =	shalt  }
0x54: {  	_ =	shalt  }
0x55: {  	_ =	shalt  }
0x56: {  	_ =	shalt  }
0x57: {  	_ =	shalt  }
0x58: {  	_ =	shalt  }
0x59: {  	_ =	shalt  }
0x5a: {  	_ =	shalt  }
0x5b: {  	_ =	shalt  }
0x5c: {  	_ =	shalt  }
0x5d: {  	_ =	shalt  }
0x5e: {  	_ =	shalt  }
0x5f: {  	_ =	shalt  }
0x60: {  	_ =	shalt  }
0x61: {  	_ =	shalt  }
0x62: {  	_ =	shalt  }
0x63: {  	_ =	shalt  }
0x64: {  	_ =	shalt  }
0x65: {  	_ =	shalt  }
0x66: {  	_ =	shalt  }
0x67: {  	_ =	shalt  }
0x68: {  	_ =	shalt  }
0x69: {  	_ =	shalt  }
0x6a: {  	_ =	shalt  }
0x6b: {  	_ =	shalt  }
0x6c: {  	_ =	shalt  }
0x6d: {  	_ =	shalt  }
0x6e: {  	_ =	shalt  }
0x6f: {  	_ =	shalt  }
0x70: {  	_ =	shalt  }
0x71: {  	_ =	shalt  }
0x72: {  	_ =	shalt  }
0x73: {  	_ =	shalt  }
0x74: {  	_ =	shalt  }
0x75: {  	_ =	shalt  }
0x76: {  	_ =	shalt  }
0x77: {  	_ =	shalt  }
0x78: {  	_ =	shalt  }
0x79: {  	_ =	shalt  }
0x7a: {  	_ =	shalt  }
0x7b: {  	_ =	shalt  }
0x7c: {  	_ =	shalt  }
0x7d: {  	_ =	shalt  }
0x7e: {  	_ =	shalt  }
0x7f: {  	_ =	shalt  }
0x80: {  	_ =	shalt  }
0x81: {  	_ =	shalt  }
0x82: {  	_ =	shalt  }
0x83: {  	_ =	shalt  }
0x84: {  	_ =	shalt  }
0x85: {  	_ =	shalt  }
0x86: {  	_ =	shalt  }
0x87: {  	_ =	shalt  }
.Lfunc_end0:
.L_simem_size_0:
called_computation.1_lowered:
.L_overlay_start_0:
0x88: {  	s2 =	sld [smem:$0x3FD9]  }
0x89: {  	s3 =	sld [smem:$0x3FFE];
	_ =	sdelay $0x1  }
0x8a: {  	s1 =	srdreg.scid  }
0x8b: {  	s0 =	sand.u32 $0x1, s1  }
0x8c: {  	s17 =	sshll.u32 s0, $0xA;
	s2 =	sadd.s32 s3, s2  }
0x8d: {  	s2 =	sadd.s32 s2, s17  }
0x8e: {  	[smem:$0x3FC2] =	sst s2  }
0x8f: {  	_ = 	snop  }
0x90: {  	(tm) =	ssettm $0x1  }
0x91: {  	s18 =	sld [smem:$0x3FFB];
	_ =	sdelay $0x3  }
0x92: {  	_ =	strace s18  }
0x93: {  	s2 =	sld [smem:$0x3FFC];
	_ =	sdelay $0x3  }
0x94: {  	_ =	strace s2  }
0x95: {  	s2 =	sld [smem:$0x3FFD];
	_ =	sdelay $0x3  }
0x96: {  	_ =	strace s2  }
0x97: {  	_ =	strace $0x8FFFFFFF  }
0x98: {  	s19 =	sld [smem:$0x3FDB];
	_ =	sdelay $0x1  }
0x99: {  	s20 =	simm.s32 $_scs_section_size  }
0x9a: {  	s4 =	simm.s32 $_size__tile_overlayer_lowered;
	s5 =	simm.s32 $_tile_overlayer_lowered  }
0x9b: {  	s6 =	simm.s32 $0x1BFF;
	s21 =	sshll.u32 s5, $0x1;
	s3 =	sadd.s32 s20, s19  }
0x9c: {  	s22 =	simm.s32 $0x0;
	s4 =	sshll.u32 s4, $0x1;
	s5 =	sadd.s32 s21, s3  }
0x9d: {  	[timem:s22], [sflag:s6] =	dma.local [hbm:s5], s4  }
0x9e: {  	_ =	swait.ge [sflag:s6], s4  }
0x9f: {  	s4 =	ssub.s32 $0x0, s4;
	[sflag:s6] =	ssyncset.done $0x0  }
0xa0: {  	[sflag:s6] =	ssyncadd.s32 s4;
	_ =	sdelay $0x1  }
0xa1: {  	s23 =	simm.s32 $0x1B8B  }
0xa2: {  	_ =	swait.ge [sflag:s23], $0x1  }
0xa3: {  	[sflag:s23] =	ssyncset.done $0x0  }
0xa4: {  	[sflag:s23] =	ssyncadd.s32 $0xFFFFFFFF  }
0xa5: {  	s4 =	sld [smem:$0x0]  }
0xa6: {  	s5 =	sand.u32 $0xFFFFFFFE, s1  }
0xa7: {  	p0 =	sne.s32 s1, s5  }
0xa8: {  	s5 =	sshll.u32 @p0 s5, $0xE  }
0xa9: {  	s5 =	sadd.s32 @p0 $0x11B8D, s5;
	s6 =	sshll.u32 @p0 s4, $0x11  }
0xaa: {  	s5 =	sor.u32 @p0 s6, s5  }
0xab: {  	[sflag:s5] =	ssyncadd.remote.s32 @p0 $0x1;
	_ =	sdelay $0x1  }
0xac: {  	s5 =	simm.s32 @p0 $0x1B8D  }
0xad: {  	_ =	swait.eq @p0 [sflag:s5], $0x1  }
0xae: {  	[sflag:s5] =	ssyncadd.s32 @p0 $0xFFFFFFFF  }
0xaf: {  	s6 =	sshll.u32 @!p0 s1, $0xE  }
0xb0: {  	s6 =	sor.u32 @!p0 $0x4000, s6;
	s5 =	simm.s32 @!p0 $0x1B8D  }
0xb1: {  	s4 =	sshll.u32 @!p0 s4, $0x11;
	s6 =	sadd.s32 @!p0 $0x11B8D, s6;
	_ =	swait.eq @!p0 [sflag:s5], $0x1  }
0xb2: {  	s4 =	sor.u32 @!p0 s4, s6;
	[sflag:s5] =	ssyncadd.s32 @!p0 $0xFFFFFFFF  }
0xb3: {  	s25 =	simm.s32 $0x1B8E;
	s24 =	sld [smem:$0x3FFE];
	[sflag:s4] =	ssyncadd.remote.s32 @!p0 $0x1  }
0xb4: {  	s26 =	simm.s32 $execute0_lowered;
	[smem:$0x3FD2] =	sst s25  }
0xb5: {  	s5 =	sshll.u32 s26, $0x1;
	_ =	strace $0x80000049;
	[dreg:$0x1] =	wrdreg $0xFFFFFFFF  }
0xb6: {  	s28 =	simm.s32 $_size_execute0_lowered;
	s3 =	sadd.s32 s3, s5;
	[dreg:$0x0] =	wrdreg $0x0  }
0xb7: {  	s5 =	sshll.u32 s28, $0x1;
	[dreg:$0x2] =	wrdreg s3  }
0xb8: {  	[dreg:$0x3] =	wrdreg s5  }
0xb9: {  	[dreg:$0x4] =	wrdreg $0xC0  }
0xba: {  	_ =	task [dreg:s22], $0x5FFFF  }
0xbb: {  	[dreg:$0x1] =	wrdreg $0xFFFFFFFF  }
0xbc: {  	[dreg:$0x0] =	wrdreg $0x60  }
0xbd: {  	[dreg:$0x2] =	wrdreg s24  }
0xbe: {  	[dreg:$0x3] =	wrdreg $0xA  }
0xbf: {  	_ =	task.clear_ibuf [dreg:s22], $0x4FFFF;
	_ =	strace $0x90000049  }
0xc0: {  	s29 =	simm.s32 $0xA;
	_ =	strace $0x8000004B  }
0xc1: {  	_ =	swait.ge [sflag:s29], $0x1  }
0xc2: {  	[sflag:s29] =	ssyncadd.s32 $0xFFFFFFFF  }
0xc3: {  	_ =	strace $0x9000004B  }
0xc4: {  	_ =	sfence  }
0xc5: {  	s30 =	sld [smem:$0x0];
	_ =	sdelay $0x2  }
0xc6: {  	s31 =	sshll.u32 s1, $0xD;
	s1 =	sshrl.u32 s1, $0x2  }
0xc7: {  	s4 =	sand.u32 $0x4000, s31;
	s1 =	sadd.s32 s1, s30  }
0xc8: {  	s0 =	sor.u32 s4, s0;
	s1 =	sshll.u32 s1, $0x11  }
0xc9: {  	s0 =	sor.u32 s1, s0  }
0xca: {  	s0 =	sadd.s32 $0x8F2B, s0  }
0xcb: {  	[sflag:s0] =	ssyncadd.remote.s32 $0x1  }
0xcc: {  	_ =	sfence.sel $0xFFFF  }
0xcd: {  	[dreg:$0x0] =	wrdreg $0xFFFFFFFF;
	(pc) =	sbr.abs _section_cstart, $3  }
0xce: {  	[dreg:$0x1] =	wrdreg $0xFFFFFFFF  }
0xcf: {  	_ =	task.clear_ibuf [dreg:s22], $0x2FFFF;
	_ =	strace $0x9FFFFFFF  }
0xd0: {  	(tm) =	ssettm $0x7FFFFFFF  }
0xd1: {  	_ =	shalt  }
tec
execute0_lowered:
.L_overlay_start_1:
0x0: {  	(tag) =	ssettag $0x1  }
0x1: {  	s0 =	srdreg.scid;
	s2 =	stileid.u32  }
0x2: {  	s1 =	sand.u32 $0x1, s0;
	s2 =	sshll.u32 s2, $0x1  }
0x3: {  	s4 =	rddreg [dreg:$0x0];
	s0 =	sor.u32 s1, s2;
	s2 =	simm.s32 $0x0  }
0x4: {  	s5 =	simm.s32 $0x100;
	[smem:$0x7FF] =	sst s2  }
0x5: {  	s6 =	simm.s32 $0x2C00;
	_ =	strace $0x8000004A;
	[dreg:$0x5] =	wrdreg s5  }
0x6: {  	s7 =	simm.s32 $0x180;
	[dreg:$0x6] =	wrdreg s6  }
0x7: {  	s8 =	simm.s32 $0x3C00;
	[dreg:$0x7] =	wrdreg s7  }
0x8: {  	s9 =	simm.s32 $0x200;
	[dreg:$0x8] =	wrdreg s8  }
0x9: {  	s10 =	simm.s32 $0x4C00;
	[dreg:$0x9] =	wrdreg s9  }
0xa: {  	s11 =	simm.s32 $0x280;
	[dreg:$0xa] =	wrdreg s10  }
0xb: {  	s12 =	simm.s32 $0x5C00;
	[dreg:$0xb] =	wrdreg s11  }
0xc: {  	s13 =	simm.s32 $0x300;
	[dreg:$0xc] =	wrdreg s12  }
0xd: {  	s14 =	simm.s32 $0x6C00;
	[dreg:$0xd] =	wrdreg s13  }
0xe: {  	s15 =	simm.s32 $0x380;
	[dreg:$0xe] =	wrdreg s14  }
0xf: {  	s16 =	simm.s32 $0x7C00;
	[dreg:$0xf] =	wrdreg s15  }
0x10: {  	s17 =	simm.s32 $0x400;
	[dreg:$0x10] =	wrdreg s16  }
0x11: {  	s18 =	simm.s32 $0x8C00;
	[dreg:$0x11] =	wrdreg s17  }
0x12: {  	s19 =	simm.s32 $0x480;
	[dreg:$0x12] =	wrdreg s18  }
0x13: {  	s20 =	simm.s32 $0x9C00;
	[dreg:$0x13] =	wrdreg s19  }
0x14: {  	s21 =	simm.s32 $0x500;
	[dreg:$0x14] =	wrdreg s20  }
0x15: {  	s22 =	simm.s32 $0xAC00;
	[dreg:$0x15] =	wrdreg s21  }
0x16: {  	s23 =	simm.s32 $0x580;
	s3 =	smul.u32 $0x180, s0;
	[dreg:$0x16] =	wrdreg s22  }
0x17: {  	s24 =	simm.s32 $0xBC00;
	s0 =	smul.u32 $0x3000, s0;
	[dreg:$0x17] =	wrdreg s23  }
0x18: {  	s25 =	simm.s32 $0x600;
	[dreg:$0x18] =	wrdreg s24;
	s3 =	sadd.s32 s3, s4  }
0x19: {  	[dreg:$0x19] =	wrdreg s25;
	s0 =	sadd.s32 s0, s4;
	s3 =	sadd.s32 $0x7A2400, s3  }
0x1a: {  	s0 =	sadd.s32 $0xB46400, s0;
	[dreg:$0x2] =	wrdreg s3  }
0x1b: {  	[dreg:$0x3] =	wrdreg s0;
	s3 =	simm.s32 $0x1C00  }
0x1c: {  	[dreg:$0x4] =	wrdreg s3  }
0x1d: {  	s5 =	rddreg [dreg:$0x2];
	s3 =	simm.s32 $0x2  }
0x1e: {  	[tilespmem:s2], [sflag:$0x2] =	stream.linear.gather [hbm4b:s5+s2], $0xC00, $0x38;
	[tilespmem:$0x18C00] =	vst v63  }
0x1f: {  	_ =	swait.ge [sflag:s3], $0xC00  }
0x20: {  	s0 =	rddreg [dreg:$0x18]  }
0x21: {  	s7 =	rddreg [dreg:$0x16]  }
0x22: {  	s8 =	rddreg [dreg:$0x14]  }
0x23: {  	s9 =	rddreg [dreg:$0x12]  }
0x24: {  	s10 =	rddreg [dreg:$0x10]  }
0x25: {  	s11 =	rddreg [dreg:$0xe]  }
0x26: {  	s12 =	rddreg [dreg:$0xc]  }
0x27: {  	s6 =	simm.s32 $0x80;
	s13 =	rddreg [dreg:$0xa]  }
0x28: {  	s5 =	sadd.s32 $0x8FC400, s4;
	s14 =	rddreg [dreg:$0x5];
	[sflag:s3] =	ssyncset.done $0x0  }
0x29: {  	s4 =	simm.s32 $0xC00;
	s15 =	rddreg [dreg:$0x4];
	[sflag:s3] =	ssyncadd.s32 $0xFFFFF400  }
0x2a: {  	[tilespmem:s4], [sflag:$0x1] =	stream.indirect.gather [hbm4b:s5+s6], $0x20, s2, s6, $0xb8;
	[tilespmem:$0x18C00] =	vst v63  }
0x2b: {  	s16 =	rddreg [dreg:$0x6]  }
0x2c: {  	[tilespmem:s15], [sflag:$0x1] =	stream.indirect.gather [hbm4b:s5+s6], $0x20, s6, s6, $0xb8;
	[tilespmem:$0x18C00] =	vst v63  }
0x2d: {  	s17 =	rddreg [dreg:$0x8]  }
0x2e: {  	[tilespmem:s16], [sflag:$0x1] =	stream.indirect.gather [hbm4b:s5+s6], $0x20, s14, s6, $0xb8;
	[tilespmem:$0x18C00] =	vst v63  }
0x2f: {  	s26 =	rddreg [dreg:$0x7]  }
0x30: {  	[tilespmem:s17], [sflag:$0x1] =	stream.indirect.gather [hbm4b:s5+s6], $0x20, s26, s6, $0xb8;
	[tilespmem:$0x18C00] =	vst v63  }
0x31: {  	s16 =	rddreg [dreg:$0x9]  }
0x32: {  	[tilespmem:s13], [sflag:$0x1] =	stream.indirect.gather [hbm4b:s5+s6], $0x20, s16, s6, $0xb8;
	[tilespmem:$0x18C00] =	vst v63  }
0x33: {  	s18 =	rddreg [dreg:$0xb]  }
0x34: {  	[tilespmem:s12], [sflag:$0x1] =	stream.indirect.gather [hbm4b:s5+s6], $0x20, s18, s6, $0xb8;
	[tilespmem:$0x18C00] =	vst v63  }
0x35: {  	s19 =	rddreg [dreg:$0xd]  }
0x36: {  	[tilespmem:s11], [sflag:$0x1] =	stream.indirect.gather [hbm4b:s5+s6], $0x20, s19, s6, $0xb8;
	[tilespmem:$0x18C00] =	vst v63  }
0x37: {  	s20 =	rddreg [dreg:$0xf]  }
0x38: {  	[tilespmem:s10], [sflag:$0x1] =	stream.indirect.gather [hbm4b:s5+s6], $0x20, s20, s6, $0xb8;
	[tilespmem:$0x18C00] =	vst v63  }
0x39: {  	s21 =	rddreg [dreg:$0x11]  }
0x3a: {  	[tilespmem:s9], [sflag:$0x1] =	stream.indirect.gather [hbm4b:s5+s6], $0x20, s21, s6, $0xb8;
	[tilespmem:$0x18C00] =	vst v63  }
0x3b: {  	s22 =	rddreg [dreg:$0x13]  }
0x3c: {  	[tilespmem:s8], [sflag:$0x1] =	stream.indirect.gather [hbm4b:s5+s6], $0x20, s22, s6, $0xb8;
	[tilespmem:$0x18C00] =	vst v63  }
0x3d: {  	s23 =	rddreg [dreg:$0x15]  }
0x3e: {  	[tilespmem:s7], [sflag:$0x1] =	stream.indirect.gather [hbm4b:s5+s6], $0x20, s23, s6, $0xb8;
	[tilespmem:$0x18C00] =	vst v63  }
0x3f: {  	s24 =	rddreg [dreg:$0x17]  }
0x40: {  	[tilespmem:s0], [sflag:$0x1] =	stream.indirect.gather [hbm4b:s5+s6], $0x20, s24, s6, $0xb8;
	[tilespmem:$0x18C00] =	vst v63  }
0x41: {  	s25 =	rddreg [dreg:$0x19];
	s26 =	simm.s32 $0xCC00  }
0x42: {  	[tilespmem:s26], [sflag:$0x1] =	stream.indirect.gather [hbm4b:s5+s6], $0x20, s25, s6, $0xb8;
	[tilespmem:$0x18C00] =	vst v63  }
0x43: {  	s8 =	simm.s32 $0xDC00;
	s7 =	simm.s32 $0x680  }
0x44: {  	[tilespmem:s8], [sflag:$0x1] =	stream.indirect.gather [hbm4b:s5+s6], $0x20, s7, s6, $0xb8;
	[tilespmem:$0x18C00] =	vst v63  }
0x45: {  	s10 =	simm.s32 $0xEC00;
	s9 =	simm.s32 $0x700  }
0x46: {  	[tilespmem:s10], [sflag:$0x1] =	stream.indirect.gather [hbm4b:s5+s6], $0x20, s9, s6, $0xb8;
	[tilespmem:$0x18C00] =	vst v63  }
0x47: {  	s12 =	simm.s32 $0xFC00;
	s11 =	simm.s32 $0x780  }
0x48: {  	[tilespmem:s12], [sflag:$0x1] =	stream.indirect.gather [hbm4b:s5+s6], $0x20, s11, s6, $0xb8;
	[tilespmem:$0x18C00] =	vst v63  }
0x49: {  	s14 =	simm.s32 $0x10C00;
	s13 =	simm.s32 $0x800  }
0x4a: {  	[tilespmem:s14], [sflag:$0x1] =	stream.indirect.gather [hbm4b:s5+s6], $0x20, s13, s6, $0xb8;
	[tilespmem:$0x18C00] =	vst v63  }
0x4b: {  	s15 =	simm.s32 $0x880;
	s16 =	simm.s32 $0x11C00  }
0x4c: {  	[tilespmem:s16], [sflag:$0x1] =	stream.indirect.gather [hbm4b:s5+s6], $0x20, s15, s6, $0xb8;
	[tilespmem:$0x18C00] =	vst v63  }
0x4d: {  	s18 =	simm.s32 $0x900;
	s19 =	simm.s32 $0x12C00  }
0x4e: {  	[tilespmem:s19], [sflag:$0x1] =	stream.indirect.gather [hbm4b:s5+s6], $0x20, s18, s6, $0xb8;
	[tilespmem:$0x18C00] =	vst v63  }
0x4f: {  	s20 =	simm.s32 $0x980;
	s21 =	simm.s32 $0x13C00  }
0x50: {  	[tilespmem:s21], [sflag:$0x1] =	stream.indirect.gather [hbm4b:s5+s6], $0x20, s20, s6, $0xb8;
	[tilespmem:$0x18C00] =	vst v63  }
0x51: {  	s22 =	simm.s32 $0xA00;
	s23 =	simm.s32 $0x14C00  }
0x52: {  	[tilespmem:s23], [sflag:$0x1] =	stream.indirect.gather [hbm4b:s5+s6], $0x20, s22, s6, $0xb8;
	[tilespmem:$0x18C00] =	vst v63  }
0x53: {  	s24 =	simm.s32 $0xA80;
	s25 =	simm.s32 $0x15C00  }
0x54: {  	[tilespmem:s25], [sflag:$0x1] =	stream.indirect.gather [hbm4b:s5+s6], $0x20, s24, s6, $0xb8;
	[tilespmem:$0x18C00] =	vst v63  }
0x55: {  	s28 =	simm.s32 $0xB00;
	s29 =	simm.s32 $0x16C00  }
0x56: {  	[tilespmem:s29], [sflag:$0x1] =	stream.indirect.gather [hbm4b:s5+s6], $0x20, s28, s6, $0xb8;
	[tilespmem:$0x18C00] =	vst v63  }
0x57: {  	s30 =	simm.s32 $0xB80;
	s31 =	simm.s32 $0x17C00;
	s26 =	simm.s32 $0x1  }
0x58: {  	[tilespmem:s31], [sflag:$0x1] =	stream.indirect.gather [hbm4b:s5+s6], $0x20, s30, s6, $0xb8;
	[tilespmem:$0x18C00] =	vst v63  }
0x59: {  	_ =	swait.ge [sflag:s26], $0x1000  }
0x5a: {  	[sflag:s26] =	ssyncset.done $0x0  }
0x5b: {  	[sflag:s26] =	ssyncadd.s32 $0xFFFFF000  }
0x5c: {  	_ =	swait.ge [sflag:s26], $0x1000  }
0x5d: {  	[sflag:s26] =	ssyncset.done $0x0  }
0x5e: {  	[sflag:s26] =	ssyncadd.s32 $0xFFFFF000  }
0x5f: {  	_ =	swait.ge [sflag:s26], $0x1000  }
0x60: {  	[sflag:s26] =	ssyncset.done $0x0  }
0x61: {  	[sflag:s26] =	ssyncadd.s32 $0xFFFFF000  }
0x62: {  	_ =	swait.ge [sflag:s26], $0x1000  }
0x63: {  	[sflag:s26] =	ssyncset.done $0x0  }
0x64: {  	[sflag:s26] =	ssyncadd.s32 $0xFFFFF000  }
0x65: {  	_ =	swait.ge [sflag:s26], $0x1000  }
0x66: {  	[sflag:s26] =	ssyncset.done $0x0  }
0x67: {  	[sflag:s26] =	ssyncadd.s32 $0xFFFFF000  }
0x68: {  	_ =	swait.ge [sflag:s26], $0x1000  }
0x69: {  	[sflag:s26] =	ssyncset.done $0x0  }
0x6a: {  	[sflag:s26] =	ssyncadd.s32 $0xFFFFF000  }
0x6b: {  	_ =	swait.ge [sflag:s26], $0x1000  }
0x6c: {  	[sflag:s26] =	ssyncset.done $0x0  }
0x6d: {  	[sflag:s26] =	ssyncadd.s32 $0xFFFFF000  }
0x6e: {  	_ =	swait.ge [sflag:s26], $0x1000  }
0x6f: {  	[sflag:s26] =	ssyncset.done $0x0  }
0x70: {  	[sflag:s26] =	ssyncadd.s32 $0xFFFFF000  }
0x71: {  	_ =	swait.ge [sflag:s26], $0x1000  }
0x72: {  	[sflag:s26] =	ssyncset.done $0x0  }
0x73: {  	[sflag:s26] =	ssyncadd.s32 $0xFFFFF000  }
0x74: {  	_ =	swait.ge [sflag:s26], $0x1000  }
0x75: {  	[sflag:s26] =	ssyncset.done $0x0  }
0x76: {  	[sflag:s26] =	ssyncadd.s32 $0xFFFFF000  }
0x77: {  	_ =	swait.ge [sflag:s26], $0x1000  }
0x78: {  	[sflag:s26] =	ssyncset.done $0x0  }
0x79: {  	[sflag:s26] =	ssyncadd.s32 $0xFFFFF000  }
0x7a: {  	_ =	swait.ge [sflag:s26], $0x1000  }
0x7b: {  	[sflag:s26] =	ssyncset.done $0x0  }
0x7c: {  	[sflag:s26] =	ssyncadd.s32 $0xFFFFF000  }
0x7d: {  	_ =	swait.ge [sflag:s26], $0x1000  }
0x7e: {  	[sflag:s26] =	ssyncset.done $0x0  }
0x7f: {  	[sflag:s26] =	ssyncadd.s32 $0xFFFFF000  }
0x80: {  	_ =	swait.ge [sflag:s26], $0x1000  }
0x81: {  	[sflag:s26] =	ssyncset.done $0x0  }
0x82: {  	[sflag:s26] =	ssyncadd.s32 $0xFFFFF000  }
0x83: {  	_ =	swait.ge [sflag:s26], $0x1000  }
0x84: {  	[sflag:s26] =	ssyncset.done $0x0  }
0x85: {  	[sflag:s26] =	ssyncadd.s32 $0xFFFFF000  }
0x86: {  	_ =	swait.ge [sflag:s26], $0x1000  }
0x87: {  	[sflag:s26] =	ssyncset.done $0x0  }
0x88: {  	[sflag:s26] =	ssyncadd.s32 $0xFFFFF000  }
0x89: {  	_ =	swait.ge [sflag:s26], $0x1000  }
0x8a: {  	[sflag:s26] =	ssyncset.done $0x0  }
0x8b: {  	[sflag:s26] =	ssyncadd.s32 $0xFFFFF000  }
0x8c: {  	_ =	swait.ge [sflag:s26], $0x1000  }
0x8d: {  	[sflag:s26] =	ssyncset.done $0x0  }
0x8e: {  	[sflag:s26] =	ssyncadd.s32 $0xFFFFF000  }
0x8f: {  	_ =	swait.ge [sflag:s26], $0x1000  }
0x90: {  	[sflag:s26] =	ssyncset.done $0x0  }
0x91: {  	s17 =	ssub.s32 $0x2, s1;
	[sflag:s26] =	ssyncadd.s32 $0xFFFFF000  }
0x92: {  	s1 =	sshrl.u32 s17, $0x1;
	_ =	swait.ge [sflag:s26], $0x1000  }
0x93: {  	s0 =	ssub.s32 s17, s1;
	[sflag:s26] =	ssyncset.done $0x0  }
0x94: {  	s0 =	smax.u32 s0, $0x1;
	[sflag:s26] =	ssyncadd.s32 $0xFFFFF000  }
0x95: {  	p0 =	sne.s32 s0, $0x1;
	_ =	swait.ge [sflag:s26], $0x1000  }
.Ltmp0:
0x96: {  	[sflag:s26] =	ssyncset.done $0x0;
	(pc) =	sbr.rel @!p0 .LBB2_2-.Ltmp0, $4  }
0x97: {  	[sflag:s26] =	ssyncadd.s32 $0xFFFFF000  }
0x98: {  	_ =	swait.ge [sflag:s26], $0x1000  }
0x99: {  	[sflag:s26] =	ssyncset.done $0x0  }
0x9a: {  	s1 =	sadd.s32 $0xFFFFFFFF, s0;
	[sflag:s26] =	ssyncadd.s32 $0xFFFFF000  }
.LBB2_1:
0x9b: {  	_ =	swait.ge [sflag:s26], $0x1000  }
0x9c: {  	[sflag:s26] =	ssyncset.done $0x0  }
0x9d: {  	[sflag:s26] =	ssyncadd.s32 $0xFFFFF000  }
0x9e: {  	_ =	swait.ge [sflag:s26], $0x1000  }
0x9f: {  	[sflag:s26] =	ssyncset.done $0x0  }
0xa0: {  	s0 =	rddreg [dreg:$0x3];
	[sflag:s26] =	ssyncadd.s32 $0xFFFFF000  }
0xa1: {  	[hbm4b:s0+s2] =	stream.linear.scatter [tilespmem:s4], [sflag:$0x2], $0x18000, $0x38;
	[tilespmem:$0x18C00] =	vst v63  }
0xa2: {  	_ =	swait.ge [sflag:s3], $0x18000  }
0xa3: {  	[sflag:s3] =	ssyncset.done $0x0  }
0xa4: {  	s15 =	rddreg [dreg:$0x2];
	[sflag:s3] =	ssyncadd.s32 $0xFFFE8000  }
0xa5: {  	[tilespmem:s2], [sflag:$0x2] =	stream.linear.gather [hbm4b:s15+s2], $0xC00, $0x38;
	[tilespmem:$0x18C00] =	vst v63  }
0xa6: {  	_ =	swait.ge [sflag:s3], $0xC00  }
0xa7: {  	s0 =	rddreg [dreg:$0x18]  }
0xa8: {  	s7 =	rddreg [dreg:$0x16]  }
0xa9: {  	s8 =	rddreg [dreg:$0x14]  }
0xaa: {  	s9 =	rddreg [dreg:$0x12]  }
0xab: {  	s10 =	rddreg [dreg:$0x10]  }
0xac: {  	s11 =	rddreg [dreg:$0xe]  }
0xad: {  	s12 =	rddreg [dreg:$0xc]  }
0xae: {  	s13 =	rddreg [dreg:$0xa]  }
0xaf: {  	s14 =	rddreg [dreg:$0x5];
	[sflag:s3] =	ssyncset.done $0x0  }
0xb0: {  	s15 =	rddreg [dreg:$0x4];
	[sflag:s3] =	ssyncadd.s32 $0xFFFFF400  }
0xb1: {  	[tilespmem:s4], [sflag:$0x1] =	stream.indirect.gather [hbm4b:s5+s6], $0x20, s2, s6, $0xb8;
	[tilespmem:$0x18C00] =	vst v63  }
0xb2: {  	s16 =	rddreg [dreg:$0x6]  }
0xb3: {  	[tilespmem:s15], [sflag:$0x1] =	stream.indirect.gather [hbm4b:s5+s6], $0x20, s6, s6, $0xb8;
	[tilespmem:$0x18C00] =	vst v63  }
0xb4: {  	s17 =	rddreg [dreg:$0x8]  }
0xb5: {  	[tilespmem:s16], [sflag:$0x1] =	stream.indirect.gather [hbm4b:s5+s6], $0x20, s14, s6, $0xb8;
	[tilespmem:$0x18C00] =	vst v63  }
0xb6: {  	s15 =	rddreg [dreg:$0x7]  }
0xb7: {  	[tilespmem:s17], [sflag:$0x1] =	stream.indirect.gather [hbm4b:s5+s6], $0x20, s15, s6, $0xb8;
	[tilespmem:$0x18C00] =	vst v63  }
0xb8: {  	s16 =	rddreg [dreg:$0x9]  }
0xb9: {  	[tilespmem:s13], [sflag:$0x1] =	stream.indirect.gather [hbm4b:s5+s6], $0x20, s16, s6, $0xb8;
	[tilespmem:$0x18C00] =	vst v63  }
0xba: {  	s17 =	rddreg [dreg:$0xb]  }
0xbb: {  	[tilespmem:s12], [sflag:$0x1] =	stream.indirect.gather [hbm4b:s5+s6], $0x20, s17, s6, $0xb8;
	[tilespmem:$0x18C00] =	vst v63  }
0xbc: {  	s14 =	rddreg [dreg:$0xd]  }
0xbd: {  	[tilespmem:s11], [sflag:$0x1] =	stream.indirect.gather [hbm4b:s5+s6], $0x20, s14, s6, $0xb8;
	[tilespmem:$0x18C00] =	vst v63  }
0xbe: {  	s16 =	rddreg [dreg:$0xf]  }
0xbf: {  	[tilespmem:s10], [sflag:$0x1] =	stream.indirect.gather [hbm4b:s5+s6], $0x20, s16, s6, $0xb8;
	[tilespmem:$0x18C00] =	vst v63  }
0xc0: {  	s17 =	rddreg [dreg:$0x11]  }
0xc1: {  	[tilespmem:s9], [sflag:$0x1] =	stream.indirect.gather [hbm4b:s5+s6], $0x20, s17, s6, $0xb8;
	[tilespmem:$0x18C00] =	vst v63  }
0xc2: {  	s13 =	rddreg [dreg:$0x13]  }
0xc3: {  	[tilespmem:s8], [sflag:$0x1] =	stream.indirect.gather [hbm4b:s5+s6], $0x20, s13, s6, $0xb8;
	[tilespmem:$0x18C00] =	vst v63  }
0xc4: {  	s14 =	rddreg [dreg:$0x15]  }
0xc5: {  	[tilespmem:s7], [sflag:$0x1] =	stream.indirect.gather [hbm4b:s5+s6], $0x20, s14, s6, $0xb8;
	[tilespmem:$0x18C00] =	vst v63  }
0xc6: {  	s15 =	rddreg [dreg:$0x17]  }
0xc7: {  	[tilespmem:s0], [sflag:$0x1] =	stream.indirect.gather [hbm4b:s5+s6], $0x20, s15, s6, $0xb8;
	[tilespmem:$0x18C00] =	vst v63  }
0xc8: {  	s16 =	rddreg [dreg:$0x19];
	s17 =	simm.s32 $0xCC00  }
0xc9: {  	[tilespmem:s17], [sflag:$0x1] =	stream.indirect.gather [hbm4b:s5+s6], $0x20, s16, s6, $0xb8;
	[tilespmem:$0x18C00] =	vst v63  }
0xca: {  	s9 =	simm.s32 $0xDC00;
	s8 =	simm.s32 $0x680  }
0xcb: {  	[tilespmem:s9], [sflag:$0x1] =	stream.indirect.gather [hbm4b:s5+s6], $0x20, s8, s6, $0xb8;
	[tilespmem:$0x18C00] =	vst v63  }
0xcc: {  	s11 =	simm.s32 $0xEC00;
	s10 =	simm.s32 $0x700  }
0xcd: {  	[tilespmem:s11], [sflag:$0x1] =	stream.indirect.gather [hbm4b:s5+s6], $0x20, s10, s6, $0xb8;
	[tilespmem:$0x18C00] =	vst v63  }
0xce: {  	s12 =	simm.s32 $0x780;
	s13 =	simm.s32 $0xFC00  }
0xcf: {  	[tilespmem:s13], [sflag:$0x1] =	stream.indirect.gather [hbm4b:s5+s6], $0x20, s12, s6, $0xb8;
	[tilespmem:$0x18C00] =	vst v63  }
0xd0: {  	s14 =	simm.s32 $0x800;
	s15 =	simm.s32 $0x10C00  }
0xd1: {  	[tilespmem:s15], [sflag:$0x1] =	stream.indirect.gather [hbm4b:s5+s6], $0x20, s14, s6, $0xb8;
	[tilespmem:$0x18C00] =	vst v63  }
0xd2: {  	s16 =	simm.s32 $0x880;
	s17 =	simm.s32 $0x11C00  }
0xd3: {  	[tilespmem:s17], [sflag:$0x1] =	stream.indirect.gather [hbm4b:s5+s6], $0x20, s16, s6, $0xb8;
	[tilespmem:$0x18C00] =	vst v63  }
0xd4: {  	_ = 	snop  }
0xd5: {  	[tilespmem:s19], [sflag:$0x1] =	stream.indirect.gather [hbm4b:s5+s6], $0x20, s18, s6, $0xb8;
	[tilespmem:$0x18C00] =	vst v63  }
0xd6: {  	_ = 	snop  }
0xd7: {  	[tilespmem:s21], [sflag:$0x1] =	stream.indirect.gather [hbm4b:s5+s6], $0x20, s20, s6, $0xb8;
	[tilespmem:$0x18C00] =	vst v63  }
0xd8: {  	_ = 	snop  }
0xd9: {  	[tilespmem:s23], [sflag:$0x1] =	stream.indirect.gather [hbm4b:s5+s6], $0x20, s22, s6, $0xb8;
	[tilespmem:$0x18C00] =	vst v63  }
0xda: {  	_ = 	snop  }
0xdb: {  	[tilespmem:s25], [sflag:$0x1] =	stream.indirect.gather [hbm4b:s5+s6], $0x20, s24, s6, $0xb8;
	[tilespmem:$0x18C00] =	vst v63  }
0xdc: {  	_ = 	snop  }
0xdd: {  	[tilespmem:s29], [sflag:$0x1] =	stream.indirect.gather [hbm4b:s5+s6], $0x20, s28, s6, $0xb8;
	[tilespmem:$0x18C00] =	vst v63  }
0xde: {  	_ = 	snop  }
0xdf: {  	[tilespmem:s31], [sflag:$0x1] =	stream.indirect.gather [hbm4b:s5+s6], $0x20, s30, s6, $0xb8;
	[tilespmem:$0x18C00] =	vst v63  }
0xe0: {  	_ =	swait.ge [sflag:s26], $0x1000  }
0xe1: {  	[sflag:s26] =	ssyncset.done $0x0  }
0xe2: {  	[sflag:s26] =	ssyncadd.s32 $0xFFFFF000  }
0xe3: {  	_ =	swait.ge [sflag:s26], $0x1000  }
0xe4: {  	[sflag:s26] =	ssyncset.done $0x0  }
0xe5: {  	[sflag:s26] =	ssyncadd.s32 $0xFFFFF000  }
0xe6: {  	_ =	swait.ge [sflag:s26], $0x1000  }
0xe7: {  	[sflag:s26] =	ssyncset.done $0x0  }
0xe8: {  	[sflag:s26] =	ssyncadd.s32 $0xFFFFF000  }
0xe9: {  	_ =	swait.ge [sflag:s26], $0x1000  }
0xea: {  	[sflag:s26] =	ssyncset.done $0x0  }
0xeb: {  	[sflag:s26] =	ssyncadd.s32 $0xFFFFF000  }
0xec: {  	_ =	swait.ge [sflag:s26], $0x1000  }
0xed: {  	[sflag:s26] =	ssyncset.done $0x0  }
0xee: {  	[sflag:s26] =	ssyncadd.s32 $0xFFFFF000  }
0xef: {  	_ =	swait.ge [sflag:s26], $0x1000  }
0xf0: {  	[sflag:s26] =	ssyncset.done $0x0  }
0xf1: {  	[sflag:s26] =	ssyncadd.s32 $0xFFFFF000  }
0xf2: {  	_ =	swait.ge [sflag:s26], $0x1000  }
0xf3: {  	[sflag:s26] =	ssyncset.done $0x0  }
0xf4: {  	[sflag:s26] =	ssyncadd.s32 $0xFFFFF000  }
0xf5: {  	_ =	swait.ge [sflag:s26], $0x1000  }
0xf6: {  	[sflag:s26] =	ssyncset.done $0x0  }
0xf7: {  	[sflag:s26] =	ssyncadd.s32 $0xFFFFF000  }
0xf8: {  	_ =	swait.ge [sflag:s26], $0x1000  }
0xf9: {  	[sflag:s26] =	ssyncset.done $0x0  }
0xfa: {  	[sflag:s26] =	ssyncadd.s32 $0xFFFFF000  }
0xfb: {  	_ =	swait.ge [sflag:s26], $0x1000  }
0xfc: {  	[sflag:s26] =	ssyncset.done $0x0  }
0xfd: {  	[sflag:s26] =	ssyncadd.s32 $0xFFFFF000  }
0xfe: {  	_ =	swait.ge [sflag:s26], $0x1000  }
0xff: {  	[sflag:s26] =	ssyncset.done $0x0  }
0x100: {  	[sflag:s26] =	ssyncadd.s32 $0xFFFFF000  }
0x101: {  	_ =	swait.ge [sflag:s26], $0x1000  }
0x102: {  	[sflag:s26] =	ssyncset.done $0x0  }
0x103: {  	[sflag:s26] =	ssyncadd.s32 $0xFFFFF000  }
0x104: {  	_ =	swait.ge [sflag:s26], $0x1000  }
0x105: {  	[sflag:s26] =	ssyncset.done $0x0  }
0x106: {  	[sflag:s26] =	ssyncadd.s32 $0xFFFFF000  }
0x107: {  	_ =	swait.ge [sflag:s26], $0x1000  }
0x108: {  	[sflag:s26] =	ssyncset.done $0x0  }
0x109: {  	[sflag:s26] =	ssyncadd.s32 $0xFFFFF000  }
0x10a: {  	_ =	swait.ge [sflag:s26], $0x1000  }
0x10b: {  	[sflag:s26] =	ssyncset.done $0x0  }
0x10c: {  	[sflag:s26] =	ssyncadd.s32 $0xFFFFF000  }
0x10d: {  	_ =	swait.ge [sflag:s26], $0x1000  }
0x10e: {  	[sflag:s26] =	ssyncset.done $0x0  }
0x10f: {  	[sflag:s26] =	ssyncadd.s32 $0xFFFFF000  }
0x110: {  	_ =	swait.ge [sflag:s26], $0x1000  }
0x111: {  	[sflag:s26] =	ssyncset.done $0x0  }
0x112: {  	[sflag:s26] =	ssyncadd.s32 $0xFFFFF000  }
0x113: {  	_ =	swait.ge [sflag:s26], $0x1000  }
0x114: {  	[sflag:s26] =	ssyncset.done $0x0  }
0x115: {  	[sflag:s26] =	ssyncadd.s32 $0xFFFFF000  }
0x116: {  	_ =	swait.ge [sflag:s26], $0x1000  }
0x117: {  	[sflag:s26] =	ssyncset.done $0x0  }
0x118: {  	[sflag:s26] =	ssyncadd.s32 $0xFFFFF000  }
0x119: {  	_ =	swait.ge [sflag:s26], $0x1000  }
0x11a: {  	[sflag:s26] =	ssyncset.done $0x0  }
0x11b: {  	[sflag:s26] =	ssyncadd.s32 $0xFFFFF000  }
0x11c: {  	p0 =	sne.s32 s1, $0x1;
	_ =	swait.ge [sflag:s26], $0x1000  }
.Ltmp1:
0x11d: {  	[sflag:s26] =	ssyncset.done $0x0;
	(pc) =	sbr.rel @p0 .LBB2_1-.Ltmp1, $4  }
0x11e: {  	[sflag:s26] =	ssyncadd.s32 $0xFFFFF000  }
0x11f: {  	_ =	swait.ge [sflag:s26], $0x1000  }
0x120: {  	[sflag:s26] =	ssyncset.done $0x0  }
0x121: {  	s1 =	sadd.s32 $0xFFFFFFFF, s1;
	[sflag:s26] =	ssyncadd.s32 $0xFFFFF000  }
.LBB2_2:
0x122: {  	_ =	swait.ge [sflag:s26], $0x1000  }
0x123: {  	[sflag:s26] =	ssyncset.done $0x0  }
0x124: {  	[sflag:s26] =	ssyncadd.s32 $0xFFFFF000  }
0x125: {  	_ =	swait.ge [sflag:s26], $0x1000  }
0x126: {  	[sflag:s26] =	ssyncset.done $0x0  }
0x127: {  	s0 =	rddreg [dreg:$0x3];
	[sflag:s26] =	ssyncadd.s32 $0xFFFFF000  }
0x128: {  	[hbm4b:s0+s2] =	stream.linear.scatter [tilespmem:s4], [sflag:$0x2], $0x18000, $0x38;
	[tilespmem:$0x18C00] =	vst v63  }
0x129: {  	_ =	swait.ge [sflag:s3], $0x18000  }
0x12a: {  	[sflag:s3] =	ssyncset.done $0x0  }
0x12b: {  	[sflag:s3] =	ssyncadd.s32 $0xFFFE8000  }
0x12c: {  	_ =	sfence.sel $0x180000  }
0x12d: {  	[bflag:$0x0] =	sbarrier.arrive $0xFFFF  }
0x12e: {  	_ =	strace $0x9000004A  }
0x12f: {  	s31 =	stileid.u32;
	[bflag:$0x2] =	sbarrier.arrive $0xFFFF  }
0x130: {  	p0 =	sne.s32 s31, $0x0;
	s0 =	rddreg [dreg:$0x1]  }
0x131: {  	s0 =	sadd.s32 @!p0 $0x100000, s0  }
0x132: {  	[sflag:s0] =	ssyncadd.tile.s32 @!p0 $0x1;
	_ =	shalt  }
.Lfunc_end2:
_tile_overlayer_lowered:
.L_overlay_start_2:
0x133: {  	(tag) =	ssettag $0x2  }
0x134: {  	s0 =	rddreg [dreg:$0x0];
	s2 =	stileid.u32  }
0x135: {  	s1 =	rddreg [dreg:$0x1];
	p0 =	sne.s32 s2, $0x0  }
0x136: {  	s3 =	rddreg [dreg:$0x2];
	[bflag:$0x3] =	sbarrier.arrive $0xFFFF;
	s2 =	simm.s32 @!p0 $0x1C02  }
0x137: {  	[timem:s3], [sflag:s2] =	dma.local @!p0 [hbm:s0], s1  }
0x138: {  	s0 =	simm.s32 @!p0 $0x2  }
0x139: {  	_ =	swait.ge @!p0 [sflag:s0], s1  }
0x13a: {  	s1 =	ssub.s32 @!p0 $0x0, s1;
	[sflag:s0] =	ssyncset.done @!p0 $0x0  }
0x13b: {  	[sflag:s0] =	ssyncadd.s32 @!p0 s1  }
0x13c: {  	[bflag:$0x3] =	sbarrier.arrive $0xFFFF  }
0x13d: {  	_ =	shalt  }

// kernel: kernel.7.cloned.1.call-start
scs
__scs_entry_jumppad:
0x0: {  	(pc) =	sbr.rel $0x88, $3  }
0x1: {  	(tag) =	ssettag $0x0;
	lr =	simm.s32 $0x1  }
0x2: {  	[smem:$0x3F9B] =	sst lr;
	_ =	strace $0xD0000000  }
0x3: {  	_ = 	snop  }
0x4: {  	_ = 	snop  }
0x5: {  	_ = 	snop  }
0x6: {  	_ = 	snop  }
0x7: {  	_ = 	snop  }
__scs_overlays_trampoline_lowered:
0x8: {  	[smem:$0x3FAA] =	sst s0  }
0x9: {  	[smem:$0x3FAB] =	sst s1  }
0xa: {  	[smem:$0x3FAC] =	sst s2  }
0xb: {  	[smem:$0x3FAD] =	sst s3  }
0xc: {  	[smem:$0x3FAE] =	sst s4  }
0xd: {  	[smem:$0x3FAF] =	sst s5  }
0xe: {  	[smem:$0x3FB0] =	sst s6  }
0xf: {  	[smem:$0x3FB1] =	sst s7  }
0x10: {  	[smem:$0x3FB2] =	sst s8  }
0x11: {  	[smem:$0x3FB3] =	sst s9;
	s0 =	simm.s32 @!p0 $0x0  }
0x12: {  	s1 =	sld [smem:$0x3F99];
	s0 =	simm.s32 @p0 $0x1  }
0x13: {  	[smem:$0x3FB4] =	sst s0;
	s0 =	simm.s32 @!p1 $0x0  }
0x14: {  	s2 =	sld [smem:$0x3F98];
	s0 =	simm.s32 @p1 $0x1  }
0x15: {  	[smem:$0x3FB5] =	sst s0;
	s0 =	simm.s32 @!p2 $0x0  }
0x16: {  	s3 =	sld [smem:$0x3FDB];
	s0 =	simm.s32 @p2 $0x1  }
0x17: {  	s4 =	simm.s32 $0x1BF5;
	[smem:$0x3FB7] =	sst s0  }
0x18: {  	s0 =	sld [smem:$0x3F9A];
	_ =	swait.ge [sflag:s4], $0x0  }
0x19: {  	s7 =	sld [smem:$0x3F9B]  }
0x1a: {  	s8 =	sadd.s32 $0xFFFFE003, lr  }
0x1b: {  	s9 =	sadd.s32 $0xFFFFFEF7, lr;
	s5 =	simm.s32 $0xFFFFFFFF;
	p2 =	slt.u32 s8, $0xFFFFF086  }
0x1c: {  	p1 =	slt.u32 s9, $0xF7A;
	s5 =	simm.s32 @!p2 $0x0  }
0x1d: {  	s5 =	simm.s32 @p1 $0x1;
	p0 =	seq.s32 s7, s2  }
0x1e: {  	s7 =	smul.u32 @!p0 $0xF7A, s2;
	p2 =	seq.s32 @!p0 s5, $0x0  }
0x1f: {  	s9 =	smul.u32 $0xF7A, s1;
	s8 =	simm.s32 @!p0 $0x1BF5;
	p2 =	por !p2, p0  }
0x20: {  	[sflag:s8] =	ssyncset.s32 @!p0 $0xFFFFF086;
	s6 =	sadd.s32 @!p0 s3, s7;
	s7 =	simm.s32 @!p0 $0x108  }
0x21: {  	s3 =	sadd.s32 s3, s9;
	s6 =	sadd.s32 @!p0 $0x88, s6;
	s7 =	simm.s32 @p2 $0x1082  }
0x22: {  	[simem:s7], [sflag:s8] =	dma.local @!p0 [hbm:s6], $0xF7A  }
0x23: {  	s9 =	sor.u32 $0xD0000000, s2;
	s6 =	simm.s32 $0x108;
	_ =	swait.ge @!p0 [sflag:s8], $0x0  }
0x24: {  	s3 =	sadd.s32 $0x88, s3;
	s6 =	simm.s32 @!p1 $0x1082;
	[sflag:s4] =	ssyncset.s32 $0xFFFFF086  }
0x25: {  	[simem:s6], [sflag:s4] =	dma.local [hbm:s3], $0xF7A  }
0x26: {  	[smem:$0x3F9B] =	sst s1;
	(tag) =	ssettag s2;
	_ =	strace s9  }
0x27: {  	s1 =	sld [smem:$0x3FAB]  }
0x28: {  	s2 =	sld [smem:$0x3FAC]  }
0x29: {  	s4 =	sld [smem:$0x3FAE]  }
0x2a: {  	p0 =	seq.s32 s5, $0x0;
	s5 =	sld [smem:$0x3FAF]  }
0x2b: {  	s6 =	sld [smem:$0x3FB0]  }
0x2c: {  	s7 =	sld [smem:$0x3FB1]  }
0x2d: {  	s3 =	simm.s32 $0x108;
	s8 =	sld [smem:$0x3FB2]  }
0x2e: {  	s3 =	simm.s32 @!p0 $0x1082;
	s9 =	sld [smem:$0x3FB3]  }
0x2f: {  	lr =	sadd.s32 s0, s3;
	s0 =	sld [smem:$0x3FAA]  }
0x30: {  	s3 =	sld [smem:$0x3FAD]  }
0x31: {  	[smem:$0x3FB6] =	sst s10  }
0x32: {  	s10 =	sld [smem:$0x3FB4];
	_ =	sdelay $0x3  }
0x33: {  	p0 =	seq.s32 s10, $0x1;
	s10 =	sld [smem:$0x3FB6];
	_ =	sdelay $0x3  }
0x34: {  	[smem:$0x3FB6] =	sst s10  }
0x35: {  	s10 =	sld [smem:$0x3FB5];
	_ =	sdelay $0x3  }
0x36: {  	p1 =	seq.s32 s10, $0x1;
	s10 =	sld [smem:$0x3FB6];
	_ =	sdelay $0x3  }
0x37: {  	[smem:$0x3FB6] =	sst s10  }
0x38: {  	s10 =	sld [smem:$0x3FB7]  }
0x39: {  	_ = 	snop;
	(pc) =	sbr.ind lr, $3  }
0x3a: {  	_ = 	snop  }
0x3b: {  	_ = 	snop  }
0x3c: {  	p2 =	seq.s32 s10, $0x1;
	s10 =	sld [smem:$0x3FB6]  }
0x3d: {  	_ =	shalt  }
0x3e: {  	_ =	shalt  }
0x3f: {  	_ =	shalt  }
0x40: {  	_ =	shalt  }
0x41: {  	_ =	shalt  }
0x42: {  	_ =	shalt  }
0x43: {  	_ =	shalt  }
0x44: {  	_ =	shalt  }
0x45: {  	_ =	shalt  }
0x46: {  	_ =	shalt  }
0x47: {  	_ =	shalt  }
0x48: {  	_ =	shalt  }
0x49: {  	_ =	shalt  }
0x4a: {  	_ =	shalt  }
0x4b: {  	_ =	shalt  }
0x4c: {  	_ =	shalt  }
0x4d: {  	_ =	shalt  }
0x4e: {  	_ =	shalt  }
0x4f: {  	_ =	shalt  }
0x50: {  	_ =	shalt  }
0x51: {  	_ =	shalt  }
0x52: {  	_ =	shalt  }
0x53: {  	_ =	shalt  }
0x54: {  	_ =	shalt  }
0x55: {  	_ =	shalt  }
0x56: {  	_ =	shalt  }
0x57: {  	_ =	shalt  }
0x58: {  	_ =	shalt  }
0x59: {  	_ =	shalt  }
0x5a: {  	_ =	shalt  }
0x5b: {  	_ =	shalt  }
0x5c: {  	_ =	shalt  }
0x5d: {  	_ =	shalt  }
0x5e: {  	_ =	shalt  }
0x5f: {  	_ =	shalt  }
0x60: {  	_ =	shalt  }
0x61: {  	_ =	shalt  }
0x62: {  	_ =	shalt  }
0x63: {  	_ =	shalt  }
0x64: {  	_ =	shalt  }
0x65: {  	_ =	shalt  }
0x66: {  	_ =	shalt  }
0x67: {  	_ =	shalt  }
0x68: {  	_ =	shalt  }
0x69: {  	_ =	shalt  }
0x6a: {  	_ =	shalt  }
0x6b: {  	_ =	shalt  }
0x6c: {  	_ =	shalt  }
0x6d: {  	_ =	shalt  }
0x6e: {  	_ =	shalt  }
0x6f: {  	_ =	shalt  }
0x70: {  	_ =	shalt  }
0x71: {  	_ =	shalt  }
0x72: {  	_ =	shalt  }
0x73: {  	_ =	shalt  }
0x74: {  	_ =	shalt  }
0x75: {  	_ =	shalt  }
0x76: {  	_ =	shalt  }
0x77: {  	_ =	shalt  }
0x78: {  	_ =	shalt  }
0x79: {  	_ =	shalt  }
0x7a: {  	_ =	shalt  }
0x7b: {  	_ =	shalt  }
0x7c: {  	_ =	shalt  }
0x7d: {  	_ =	shalt  }
0x7e: {  	_ =	shalt  }
0x7f: {  	_ =	shalt  }
0x80: {  	_ =	shalt  }
0x81: {  	_ =	shalt  }
0x82: {  	_ =	shalt  }
0x83: {  	_ =	shalt  }
0x84: {  	_ =	shalt  }
0x85: {  	_ =	shalt  }
0x86: {  	_ =	shalt  }
0x87: {  	_ =	shalt  }
.Lfunc_end0:
.L_simem_size_0:
called_computation_lowered:
.L_overlay_start_0:
0x88: {  	s2 =	sld [smem:$0x3FD9]  }
0x89: {  	s3 =	sld [smem:$0x3FFE];
	_ =	sdelay $0x1  }
0x8a: {  	s1 =	srdreg.scid  }
0x8b: {  	s0 =	sand.u32 $0x1, s1  }
0x8c: {  	s16 =	sshll.u32 s0, $0xA;
	s2 =	sadd.s32 s3, s2  }
0x8d: {  	s2 =	sadd.s32 s2, s16  }
0x8e: {  	[smem:$0x3FC2] =	sst s2  }
0x8f: {  	_ = 	snop  }
0x90: {  	(tm) =	ssettm $0x1  }
0x91: {  	s17 =	sld [smem:$0x3FFB];
	_ =	sdelay $0x3  }
0x92: {  	_ =	strace s17  }
0x93: {  	s2 =	sld [smem:$0x3FFC];
	_ =	sdelay $0x3  }
0x94: {  	_ =	strace s2  }
0x95: {  	s2 =	sld [smem:$0x3FFD];
	_ =	sdelay $0x3  }
0x96: {  	_ =	strace s2  }
0x97: {  	_ =	strace $0x8FFFFFFF  }
0x98: {  	s18 =	sld [smem:$0x3FDB];
	_ =	sdelay $0x1  }
0x99: {  	s19 =	simm.s32 $_scs_section_size  }
0x9a: {  	s4 =	simm.s32 $_size__tile_overlayer_lowered;
	s5 =	simm.s32 $_tile_overlayer_lowered  }
0x9b: {  	s22 =	simm.s32 $0x1BFF;
	s21 =	sshll.u32 s5, $0x1;
	s2 =	sadd.s32 s19, s18  }
0x9c: {  	s6 =	simm.s32 $0x0;
	s20 =	sshll.u32 s4, $0x1;
	s4 =	sadd.s32 s21, s2  }
0x9d: {  	[timem:s6], [sflag:s22] =	dma.local [hbm:s4], s20  }
0x9e: {  	_ =	swait.ge [sflag:s22], s20  }
0x9f: {  	s3 =	ssub.s32 $0x0, s20;
	[sflag:s22] =	ssyncset.done $0x0  }
0xa0: {  	[sflag:s22] =	ssyncadd.s32 s3;
	_ =	sdelay $0x1  }
0xa1: {  	s23 =	simm.s32 $0x1B8B  }
0xa2: {  	_ =	swait.ge [sflag:s23], $0x1  }
0xa3: {  	[sflag:s23] =	ssyncset.done $0x0  }
0xa4: {  	s25 =	simm.s32 $0x1B8E;
	s24 =	sld [smem:$0x3FFE];
	[sflag:s23] =	ssyncadd.s32 $0xFFFFFFFF  }
0xa5: {  	s26 =	simm.s32 $execute0_lowered;
	[smem:$0x3FD2] =	sst s25  }
0xa6: {  	s4 =	sshll.u32 s26, $0x1;
	_ =	strace $0x80000046;
	[dreg:$0x1] =	wrdreg $0xFFFFFFFF  }
0xa7: {  	s28 =	simm.s32 $_size_execute0_lowered;
	s2 =	sadd.s32 s2, s4;
	[dreg:$0x0] =	wrdreg $0x0  }
0xa8: {  	s4 =	sshll.u32 s28, $0x1;
	[dreg:$0x2] =	wrdreg s2  }
0xa9: {  	[dreg:$0x3] =	wrdreg s4  }
0xaa: {  	[dreg:$0x4] =	wrdreg $0xC0  }
0xab: {  	_ =	task [dreg:s6], $0x5FFFF  }
0xac: {  	[dreg:$0x1] =	wrdreg $0xFFFFFFFF  }
0xad: {  	[dreg:$0x0] =	wrdreg $0x60  }
0xae: {  	[dreg:$0x2] =	wrdreg s24  }
0xaf: {  	[dreg:$0x3] =	wrdreg $0x9  }
0xb0: {  	_ =	task.clear_ibuf [dreg:s6], $0x4FFFF;
	_ =	strace $0x90000046  }
0xb1: {  	s29 =	simm.s32 $0x9;
	_ =	strace $0x80000048  }
0xb2: {  	_ =	swait.ge [sflag:s29], $0x1  }
0xb3: {  	[sflag:s29] =	ssyncadd.s32 $0xFFFFFFFF  }
0xb4: {  	_ =	strace $0x90000048  }
0xb5: {  	_ =	sfence  }
0xb6: {  	s30 =	sld [smem:$0x0];
	_ =	sdelay $0x2  }
0xb7: {  	s31 =	sshll.u32 s1, $0xD;
	s1 =	sshrl.u32 s1, $0x2  }
0xb8: {  	s3 =	sand.u32 $0x4000, s31;
	s1 =	sadd.s32 s1, s30  }
0xb9: {  	s0 =	sor.u32 s3, s0;
	s1 =	sshll.u32 s1, $0x11  }
0xba: {  	s0 =	sor.u32 s1, s0  }
0xbb: {  	s0 =	sadd.s32 $0x8F2B, s0  }
0xbc: {  	[sflag:s0] =	ssyncadd.remote.s32 $0x1  }
0xbd: {  	_ =	sfence.sel $0xFFFF  }
0xbe: {  	[dreg:$0x0] =	wrdreg $0xFFFFFFFF;
	(pc) =	sbr.abs _section_cstart, $3  }
0xbf: {  	[dreg:$0x1] =	wrdreg $0xFFFFFFFF  }
0xc0: {  	_ =	task.clear_ibuf [dreg:s6], $0x2FFFF;
	_ =	strace $0x9FFFFFFF  }
0xc1: {  	(tm) =	ssettm $0x7FFFFFFF  }
tec
execute0_lowered:
.L_overlay_start_1:
0x0: {  	(tag) =	ssettag $0x1  }
0x1: {  	s1 =	srdreg.scid  }
0x2: {  	s0 =	stileid.u32;
	s5 =	rddreg [dreg:$0x0]  }
0x3: {  	s2 =	simm.s32 $0x0;
	s28 =	simm.s32 $0x3800;
	s29 =	simm.s32 $0x4800  }
0x4: {  	s30 =	simm.s32 $0x5800;
	s8 =	simm.s32 $0x6800;
	s9 =	simm.s32 $0x7800  }
0x5: {  	s31 =	simm.s32 $0x8800;
	s10 =	simm.s32 $0xA800;
	s11 =	simm.s32 $0xB800  }
0x6: {  	s12 =	simm.s32 $0xC800;
	s4 =	sand.u32 $0x1, s1;
	s1 =	rddreg [dreg:$0x1]  }
0x7: {  	s13 =	simm.s32 $0xD800;
	s14 =	simm.s32 $0xE800;
	[smem:$0x7FF] =	sst s2  }
0x8: {  	s15 =	simm.s32 $0xF800;
	_ =	strace $0x80000047;
	[dreg:$0x3] =	wrdreg s28  }
0x9: {  	s16 =	simm.s32 $0x10800;
	s17 =	simm.s32 $0x11800;
	[dreg:$0x4] =	wrdreg s29  }
0xa: {  	s18 =	simm.s32 $0x1;
	s19 =	simm.s32 $0x0;
	[dreg:$0x5] =	wrdreg s30  }
0xb: {  	s3 =	smul.u32 $0xA0000, s0;
	s7 =	sshll.u32 s0, $0x1;
	[dreg:$0x6] =	wrdreg s8  }
0xc: {  	s6 =	smul.u32 $0x50000, s4;
	s7 =	sor.u32 s4, s7;
	[dreg:$0x7] =	wrdreg s9  }
0xd: {  	s4 =	ssub.s32 $0x2, s4;
	s8 =	simm.s32 $0x2800;
	[dreg:$0x8] =	wrdreg s31  }
0xe: {  	s24 =	smul.u32 $0x500, s7;
	s26 =	sshrl.u32 s4, $0x1;
	s3 =	sadd.s32 s6, s3  }
0xf: {  	s9 =	simm.s32 $0x9800;
	s6 =	ssub.s32 s4, s26;
	s25 =	sshrl.u32 s3, $0x3  }
0x10: {  	s3 =	sadd.s32 $0x1200, s5;
	s7 =	sadd.s32 s25, s5;
	s5 =	sadd.s32 s24, s5  }
0x11: {  	s7 =	sadd.s32 $0x7BC400, s7;
	s4 =	sadd.s32 $0x7B2400, s5;
	s5 =	smax.u32 s6, $0x1  }
0x12: {  	s6 =	simm.s32 $0x2;
	[dreg:$0x2] =	wrdreg s7;
	s7 =	simm.s32 $0x80  }
.LBB2_1:
0x13: {  	[tilespmem:s2], [sflag:$0x2] =	stream.linear.gather [hbm4b:s4+s2], $0x2800, $0x38;
	[tilespmem:$0x12800] =	vst v63  }
0x14: {  	_ =	swait.ge [sflag:s6], $0x2800  }
0x15: {  	[sflag:s6] =	ssyncset.done $0x0  }
0x16: {  	s20 =	simm.s32 $0x0;
	[sflag:s6] =	ssyncadd.s32 $0xFFFFD800  }
0x17: {  	[tilespmem:s8], [sflag:$0x1] =	stream.indirect.gather [hbm4b:s3+s7], $0x20, s20, s7, $0xb8;
	[tilespmem:$0x12800] =	vst v63  }
0x18: {  	s22 =	simm.s32 $0x80;
	s21 =	rddreg [dreg:$0x3]  }
0x19: {  	[tilespmem:s21], [sflag:$0x1] =	stream.indirect.gather [hbm4b:s3+s7], $0x20, s22, s7, $0xb8;
	[tilespmem:$0x12800] =	vst v63  }
0x1a: {  	s31 =	rddreg [dreg:$0x4];
	s22 =	simm.s32 $0x100  }
0x1b: {  	[tilespmem:s31], [sflag:$0x1] =	stream.indirect.gather [hbm4b:s3+s7], $0x20, s22, s7, $0xb8;
	[tilespmem:$0x12800] =	vst v63  }
0x1c: {  	s24 =	simm.s32 $0x180;
	s23 =	rddreg [dreg:$0x5]  }
0x1d: {  	[tilespmem:s23], [sflag:$0x1] =	stream.indirect.gather [hbm4b:s3+s7], $0x20, s24, s7, $0xb8;
	[tilespmem:$0x12800] =	vst v63  }
0x1e: {  	s28 =	simm.s32 $0x200;
	s25 =	rddreg [dreg:$0x6]  }
0x1f: {  	[tilespmem:s25], [sflag:$0x1] =	stream.indirect.gather [hbm4b:s3+s7], $0x20, s28, s7, $0xb8;
	[tilespmem:$0x12800] =	vst v63  }
0x20: {  	s29 =	simm.s32 $0x280;
	s26 =	rddreg [dreg:$0x7]  }
0x21: {  	[tilespmem:s26], [sflag:$0x1] =	stream.indirect.gather [hbm4b:s3+s7], $0x20, s29, s7, $0xb8;
	[tilespmem:$0x12800] =	vst v63  }
0x22: {  	s30 =	rddreg [dreg:$0x8];
	s31 =	simm.s32 $0x300  }
0x23: {  	[tilespmem:s30], [sflag:$0x1] =	stream.indirect.gather [hbm4b:s3+s7], $0x20, s31, s7, $0xb8;
	[tilespmem:$0x12800] =	vst v63  }
0x24: {  	s21 =	simm.s32 $0x380  }
0x25: {  	[tilespmem:s9], [sflag:$0x1] =	stream.indirect.gather [hbm4b:s3+s7], $0x20, s21, s7, $0xb8;
	[tilespmem:$0x12800] =	vst v63  }
0x26: {  	s22 =	simm.s32 $0x400  }
0x27: {  	[tilespmem:s10], [sflag:$0x1] =	stream.indirect.gather [hbm4b:s3+s7], $0x20, s22, s7, $0xb8;
	[tilespmem:$0x12800] =	vst v63  }
0x28: {  	s23 =	simm.s32 $0x480  }
0x29: {  	[tilespmem:s11], [sflag:$0x1] =	stream.indirect.gather [hbm4b:s3+s7], $0x20, s23, s7, $0xb8;
	[tilespmem:$0x12800] =	vst v63  }
0x2a: {  	s24 =	simm.s32 $0x500  }
0x2b: {  	[tilespmem:s12], [sflag:$0x1] =	stream.indirect.gather [hbm4b:s3+s7], $0x20, s24, s7, $0xb8;
	[tilespmem:$0x12800] =	vst v63  }
0x2c: {  	s25 =	simm.s32 $0x580  }
0x2d: {  	[tilespmem:s13], [sflag:$0x1] =	stream.indirect.gather [hbm4b:s3+s7], $0x20, s25, s7, $0xb8;
	[tilespmem:$0x12800] =	vst v63  }
0x2e: {  	s26 =	simm.s32 $0x600  }
0x2f: {  	[tilespmem:s14], [sflag:$0x1] =	stream.indirect.gather [hbm4b:s3+s7], $0x20, s26, s7, $0xb8;
	[tilespmem:$0x12800] =	vst v63  }
0x30: {  	s28 =	simm.s32 $0x680  }
0x31: {  	[tilespmem:s15], [sflag:$0x1] =	stream.indirect.gather [hbm4b:s3+s7], $0x20, s28, s7, $0xb8;
	[tilespmem:$0x12800] =	vst v63  }
0x32: {  	s29 =	simm.s32 $0x700  }
0x33: {  	[tilespmem:s16], [sflag:$0x1] =	stream.indirect.gather [hbm4b:s3+s7], $0x20, s29, s7, $0xb8;
	[tilespmem:$0x12800] =	vst v63  }
0x34: {  	s30 =	simm.s32 $0x780  }
0x35: {  	[tilespmem:s17], [sflag:$0x1] =	stream.indirect.gather [hbm4b:s3+s7], $0x20, s30, s7, $0xb8;
	[tilespmem:$0x12800] =	vst v63  }
0x36: {  	_ =	swait.ge [sflag:s18], $0x1000  }
0x37: {  	[sflag:s18] =	ssyncset.done $0x0  }
0x38: {  	[sflag:s18] =	ssyncadd.s32 $0xFFFFF000  }
0x39: {  	_ =	swait.ge [sflag:s18], $0x1000  }
0x3a: {  	[sflag:s18] =	ssyncset.done $0x0  }
0x3b: {  	[sflag:s18] =	ssyncadd.s32 $0xFFFFF000  }
0x3c: {  	_ =	swait.ge [sflag:s18], $0x1000  }
0x3d: {  	[sflag:s18] =	ssyncset.done $0x0  }
0x3e: {  	[sflag:s18] =	ssyncadd.s32 $0xFFFFF000  }
0x3f: {  	_ =	swait.ge [sflag:s18], $0x1000  }
0x40: {  	[sflag:s18] =	ssyncset.done $0x0  }
0x41: {  	[sflag:s18] =	ssyncadd.s32 $0xFFFFF000  }
0x42: {  	_ =	swait.ge [sflag:s18], $0x1000  }
0x43: {  	[sflag:s18] =	ssyncset.done $0x0  }
0x44: {  	[sflag:s18] =	ssyncadd.s32 $0xFFFFF000  }
0x45: {  	_ =	swait.ge [sflag:s18], $0x1000  }
0x46: {  	[sflag:s18] =	ssyncset.done $0x0  }
0x47: {  	[sflag:s18] =	ssyncadd.s32 $0xFFFFF000  }
0x48: {  	_ =	swait.ge [sflag:s18], $0x1000  }
0x49: {  	[sflag:s18] =	ssyncset.done $0x0  }
0x4a: {  	[sflag:s18] =	ssyncadd.s32 $0xFFFFF000  }
0x4b: {  	_ =	swait.ge [sflag:s18], $0x1000  }
0x4c: {  	[sflag:s18] =	ssyncset.done $0x0  }
0x4d: {  	[sflag:s18] =	ssyncadd.s32 $0xFFFFF000  }
0x4e: {  	_ =	swait.ge [sflag:s18], $0x1000  }
0x4f: {  	[sflag:s18] =	ssyncset.done $0x0  }
0x50: {  	[sflag:s18] =	ssyncadd.s32 $0xFFFFF000  }
0x51: {  	_ =	swait.ge [sflag:s18], $0x1000  }
0x52: {  	[sflag:s18] =	ssyncset.done $0x0  }
0x53: {  	[sflag:s18] =	ssyncadd.s32 $0xFFFFF000  }
0x54: {  	_ =	swait.ge [sflag:s18], $0x1000  }
0x55: {  	[sflag:s18] =	ssyncset.done $0x0  }
0x56: {  	[sflag:s18] =	ssyncadd.s32 $0xFFFFF000  }
0x57: {  	_ =	swait.ge [sflag:s18], $0x1000  }
0x58: {  	[sflag:s18] =	ssyncset.done $0x0  }
0x59: {  	[sflag:s18] =	ssyncadd.s32 $0xFFFFF000  }
0x5a: {  	_ =	swait.ge [sflag:s18], $0x1000  }
0x5b: {  	[sflag:s18] =	ssyncset.done $0x0  }
0x5c: {  	[sflag:s18] =	ssyncadd.s32 $0xFFFFF000  }
0x5d: {  	_ =	swait.ge [sflag:s18], $0x1000  }
0x5e: {  	[sflag:s18] =	ssyncset.done $0x0  }
0x5f: {  	[sflag:s18] =	ssyncadd.s32 $0xFFFFF000  }
0x60: {  	_ =	swait.ge [sflag:s18], $0x1000  }
0x61: {  	[sflag:s18] =	ssyncset.done $0x0  }
0x62: {  	[sflag:s18] =	ssyncadd.s32 $0xFFFFF000  }
0x63: {  	_ =	swait.ge [sflag:s18], $0x1000  }
0x64: {  	s31 =	rddreg [dreg:$0x2];
	[sflag:s18] =	ssyncset.done $0x0  }
0x65: {  	[sflag:s18] =	ssyncadd.s32 $0xFFFFF000;
	s20 =	sadd.s32 $0x0, s31  }
0x66: {  	[hbm4b:s20+s2] =	stream.linear.scatter [tilespmem:s8], [sflag:$0x2], $0x10000, $0x38;
	[tilespmem:$0x12800] =	vst v63  }
0x67: {  	s25 =	simm.s32 $0x4000;
	_ =	swait.ge [sflag:s6], $0x10000  }
0x68: {  	s20 =	simm.s32 $0x2000;
	s24 =	rddreg [dreg:$0x4];
	[sflag:s6] =	ssyncset.done $0x0  }
.LBB2_2:
0x69: {  	s23 =	sshra.s32 s20, $0x2;
	[sflag:s6] =	ssyncadd.s32 $0xFFFF0000  }
0x6a: {  	[tilespmem:s8], [sflag:$0x1] =	stream.indirect.gather [hbm4b:s3+s7], $0x20, s23, s7, $0xb8;
	[tilespmem:$0x12800] =	vst v63  }
0x6b: {  	s26 =	rddreg [dreg:$0x3];
	s28 =	sadd.s32 $0x80, s23  }
0x6c: {  	[tilespmem:s26], [sflag:$0x1] =	stream.indirect.gather [hbm4b:s3+s7], $0x20, s28, s7, $0xb8;
	[tilespmem:$0x12800] =	vst v63  }
0x6d: {  	s30 =	sadd.s32 $0x100, s23  }
0x6e: {  	[tilespmem:s24], [sflag:$0x1] =	stream.indirect.gather [hbm4b:s3+s7], $0x20, s30, s7, $0xb8;
	[tilespmem:$0x12800] =	vst v63  }
0x6f: {  	s22 =	smov.u32 s25;
	s31 =	rddreg [dreg:$0x5];
	s28 =	sadd.s32 $0x180, s23  }
0x70: {  	[tilespmem:s31], [sflag:$0x1] =	stream.indirect.gather [hbm4b:s3+s7], $0x20, s28, s7, $0xb8;
	[tilespmem:$0x12800] =	vst v63  }
0x71: {  	s21 =	sadd.s32 $0x2000, s25;
	s30 =	rddreg [dreg:$0x6];
	s31 =	sadd.s32 $0x200, s23  }
0x72: {  	[tilespmem:s30], [sflag:$0x1] =	stream.indirect.gather [hbm4b:s3+s7], $0x20, s31, s7, $0xb8;
	[tilespmem:$0x12800] =	vst v63  }
0x73: {  	s29 =	rddreg [dreg:$0x7];
	p0 =	sne.s32 s25, $0x8000;
	s25 =	sadd.s32 $0x280, s23  }
0x74: {  	[tilespmem:s29], [sflag:$0x1] =	stream.indirect.gather [hbm4b:s3+s7], $0x20, s25, s7, $0xb8;
	[tilespmem:$0x12800] =	vst v63  }
0x75: {  	s26 =	rddreg [dreg:$0x8];
	s28 =	sadd.s32 $0x300, s23  }
0x76: {  	[tilespmem:s26], [sflag:$0x1] =	stream.indirect.gather [hbm4b:s3+s7], $0x20, s28, s7, $0xb8;
	[tilespmem:$0x12800] =	vst v63  }
0x77: {  	s29 =	sadd.s32 $0x380, s23  }
0x78: {  	[tilespmem:s9], [sflag:$0x1] =	stream.indirect.gather [hbm4b:s3+s7], $0x20, s29, s7, $0xb8;
	[tilespmem:$0x12800] =	vst v63  }
0x79: {  	s30 =	sadd.s32 $0x400, s23  }
0x7a: {  	[tilespmem:s10], [sflag:$0x1] =	stream.indirect.gather [hbm4b:s3+s7], $0x20, s30, s7, $0xb8;
	[tilespmem:$0x12800] =	vst v63  }
0x7b: {  	s31 =	sadd.s32 $0x480, s23  }
0x7c: {  	[tilespmem:s11], [sflag:$0x1] =	stream.indirect.gather [hbm4b:s3+s7], $0x20, s31, s7, $0xb8;
	[tilespmem:$0x12800] =	vst v63  }
0x7d: {  	s25 =	sadd.s32 $0x500, s23  }
0x7e: {  	[tilespmem:s12], [sflag:$0x1] =	stream.indirect.gather [hbm4b:s3+s7], $0x20, s25, s7, $0xb8;
	[tilespmem:$0x12800] =	vst v63  }
0x7f: {  	s26 =	sadd.s32 $0x580, s23  }
0x80: {  	[tilespmem:s13], [sflag:$0x1] =	stream.indirect.gather [hbm4b:s3+s7], $0x20, s26, s7, $0xb8;
	[tilespmem:$0x12800] =	vst v63  }
0x81: {  	s28 =	sadd.s32 $0x600, s23  }
0x82: {  	[tilespmem:s14], [sflag:$0x1] =	stream.indirect.gather [hbm4b:s3+s7], $0x20, s28, s7, $0xb8;
	[tilespmem:$0x12800] =	vst v63  }
0x83: {  	s29 =	sadd.s32 $0x680, s23  }
0x84: {  	[tilespmem:s15], [sflag:$0x1] =	stream.indirect.gather [hbm4b:s3+s7], $0x20, s29, s7, $0xb8;
	[tilespmem:$0x12800] =	vst v63  }
0x85: {  	s30 =	sadd.s32 $0x700, s23  }
0x86: {  	[tilespmem:s16], [sflag:$0x1] =	stream.indirect.gather [hbm4b:s3+s7], $0x20, s30, s7, $0xb8;
	[tilespmem:$0x12800] =	vst v63  }
0x87: {  	s23 =	sadd.s32 $0x780, s23  }
0x88: {  	[tilespmem:s17], [sflag:$0x1] =	stream.indirect.gather [hbm4b:s3+s7], $0x20, s23, s7, $0xb8;
	[tilespmem:$0x12800] =	vst v63  }
0x89: {  	_ =	swait.ge [sflag:s18], $0x1000  }
0x8a: {  	[sflag:s18] =	ssyncset.done $0x0  }
0x8b: {  	[sflag:s18] =	ssyncadd.s32 $0xFFFFF000  }
0x8c: {  	_ =	swait.ge [sflag:s18], $0x1000  }
0x8d: {  	[sflag:s18] =	ssyncset.done $0x0  }
0x8e: {  	[sflag:s18] =	ssyncadd.s32 $0xFFFFF000  }
0x8f: {  	_ =	swait.ge [sflag:s18], $0x1000  }
0x90: {  	[sflag:s18] =	ssyncset.done $0x0  }
0x91: {  	[sflag:s18] =	ssyncadd.s32 $0xFFFFF000  }
0x92: {  	_ =	swait.ge [sflag:s18], $0x1000  }
0x93: {  	[sflag:s18] =	ssyncset.done $0x0  }
0x94: {  	[sflag:s18] =	ssyncadd.s32 $0xFFFFF000  }
0x95: {  	_ =	swait.ge [sflag:s18], $0x1000  }
0x96: {  	[sflag:s18] =	ssyncset.done $0x0  }
0x97: {  	[sflag:s18] =	ssyncadd.s32 $0xFFFFF000  }
0x98: {  	_ =	swait.ge [sflag:s18], $0x1000  }
0x99: {  	[sflag:s18] =	ssyncset.done $0x0  }
0x9a: {  	[sflag:s18] =	ssyncadd.s32 $0xFFFFF000  }
0x9b: {  	_ =	swait.ge [sflag:s18], $0x1000  }
0x9c: {  	[sflag:s18] =	ssyncset.done $0x0  }
0x9d: {  	[sflag:s18] =	ssyncadd.s32 $0xFFFFF000  }
0x9e: {  	_ =	swait.ge [sflag:s18], $0x1000  }
0x9f: {  	[sflag:s18] =	ssyncset.done $0x0  }
0xa0: {  	[sflag:s18] =	ssyncadd.s32 $0xFFFFF000  }
0xa1: {  	_ =	swait.ge [sflag:s18], $0x1000  }
0xa2: {  	[sflag:s18] =	ssyncset.done $0x0  }
0xa3: {  	[sflag:s18] =	ssyncadd.s32 $0xFFFFF000  }
0xa4: {  	_ =	swait.ge [sflag:s18], $0x1000  }
0xa5: {  	[sflag:s18] =	ssyncset.done $0x0  }
0xa6: {  	[sflag:s18] =	ssyncadd.s32 $0xFFFFF000  }
0xa7: {  	_ =	swait.ge [sflag:s18], $0x1000  }
0xa8: {  	[sflag:s18] =	ssyncset.done $0x0  }
0xa9: {  	[sflag:s18] =	ssyncadd.s32 $0xFFFFF000  }
0xaa: {  	_ =	swait.ge [sflag:s18], $0x1000  }
0xab: {  	[sflag:s18] =	ssyncset.done $0x0  }
0xac: {  	[sflag:s18] =	ssyncadd.s32 $0xFFFFF000  }
0xad: {  	_ =	swait.ge [sflag:s18], $0x1000  }
0xae: {  	[sflag:s18] =	ssyncset.done $0x0  }
0xaf: {  	[sflag:s18] =	ssyncadd.s32 $0xFFFFF000  }
0xb0: {  	_ =	swait.ge [sflag:s18], $0x1000  }
0xb1: {  	[sflag:s18] =	ssyncset.done $0x0  }
0xb2: {  	[sflag:s18] =	ssyncadd.s32 $0xFFFFF000  }
0xb3: {  	_ =	swait.ge [sflag:s18], $0x1000  }
0xb4: {  	[sflag:s18] =	ssyncset.done $0x0  }
0xb5: {  	[sflag:s18] =	ssyncadd.s32 $0xFFFFF000  }
0xb6: {  	_ =	swait.ge [sflag:s18], $0x1000  }
.Ltmp0:
0xb7: {  	s31 =	rddreg [dreg:$0x2];
	[sflag:s18] =	ssyncset.done $0x0;
	(pc) =	sbr.rel @p0 .LBB2_2-.Ltmp0, $4  }
0xb8: {  	[sflag:s18] =	ssyncadd.s32 $0xFFFFF000;
	s23 =	sadd.s32 s20, s31  }
0xb9: {  	[hbm4b:s23+s2] =	stream.linear.scatter [tilespmem:s8], [sflag:$0x2], $0x10000, $0x38;
	[tilespmem:$0x12800] =	vst v63  }
0xba: {  	s25 =	smov.u32 s21;
	_ =	swait.ge [sflag:s6], $0x10000  }
0xbb: {  	s20 =	smov.u32 s22;
	s24 =	rddreg [dreg:$0x4];
	[sflag:s6] =	ssyncset.done $0x0  }
0xbc: {  	s21 =	sshra.s32 s20, $0x2;
	[sflag:s6] =	ssyncadd.s32 $0xFFFF0000  }
0xbd: {  	[tilespmem:s8], [sflag:$0x1] =	stream.indirect.gather [hbm4b:s3+s7], $0x20, s21, s7, $0xb8;
	[tilespmem:$0x12800] =	vst v63  }
0xbe: {  	s22 =	rddreg [dreg:$0x3];
	s23 =	sadd.s32 $0x80, s21  }
0xbf: {  	[tilespmem:s22], [sflag:$0x1] =	stream.indirect.gather [hbm4b:s3+s7], $0x20, s23, s7, $0xb8;
	[tilespmem:$0x12800] =	vst v63  }
0xc0: {  	s26 =	sadd.s32 $0x100, s21  }
0xc1: {  	[tilespmem:s24], [sflag:$0x1] =	stream.indirect.gather [hbm4b:s3+s7], $0x20, s26, s7, $0xb8;
	[tilespmem:$0x12800] =	vst v63  }
0xc2: {  	s28 =	rddreg [dreg:$0x5];
	s29 =	sadd.s32 $0x180, s21  }
0xc3: {  	[tilespmem:s28], [sflag:$0x1] =	stream.indirect.gather [hbm4b:s3+s7], $0x20, s29, s7, $0xb8;
	[tilespmem:$0x12800] =	vst v63  }
0xc4: {  	s30 =	rddreg [dreg:$0x6];
	s25 =	sadd.s32 $0x200, s21  }
0xc5: {  	[tilespmem:s30], [sflag:$0x1] =	stream.indirect.gather [hbm4b:s3+s7], $0x20, s25, s7, $0xb8;
	[tilespmem:$0x12800] =	vst v63  }
0xc6: {  	s31 =	rddreg [dreg:$0x7];
	s26 =	sadd.s32 $0x280, s21  }
0xc7: {  	[tilespmem:s31], [sflag:$0x1] =	stream.indirect.gather [hbm4b:s3+s7], $0x20, s26, s7, $0xb8;
	[tilespmem:$0x12800] =	vst v63  }
0xc8: {  	s28 =	rddreg [dreg:$0x8];
	s29 =	sadd.s32 $0x300, s21  }
0xc9: {  	[tilespmem:s28], [sflag:$0x1] =	stream.indirect.gather [hbm4b:s3+s7], $0x20, s29, s7, $0xb8;
	[tilespmem:$0x12800] =	vst v63  }
0xca: {  	s30 =	sadd.s32 $0x380, s21  }
0xcb: {  	[tilespmem:s9], [sflag:$0x1] =	stream.indirect.gather [hbm4b:s3+s7], $0x20, s30, s7, $0xb8;
	[tilespmem:$0x12800] =	vst v63  }
0xcc: {  	s31 =	sadd.s32 $0x400, s21  }
0xcd: {  	[tilespmem:s10], [sflag:$0x1] =	stream.indirect.gather [hbm4b:s3+s7], $0x20, s31, s7, $0xb8;
	[tilespmem:$0x12800] =	vst v63  }
0xce: {  	s23 =	sadd.s32 $0x480, s21  }
0xcf: {  	[tilespmem:s11], [sflag:$0x1] =	stream.indirect.gather [hbm4b:s3+s7], $0x20, s23, s7, $0xb8;
	[tilespmem:$0x12800] =	vst v63  }
0xd0: {  	s24 =	sadd.s32 $0x500, s21  }
0xd1: {  	[tilespmem:s12], [sflag:$0x1] =	stream.indirect.gather [hbm4b:s3+s7], $0x20, s24, s7, $0xb8;
	[tilespmem:$0x12800] =	vst v63  }
0xd2: {  	s25 =	sadd.s32 $0x580, s21  }
0xd3: {  	[tilespmem:s13], [sflag:$0x1] =	stream.indirect.gather [hbm4b:s3+s7], $0x20, s25, s7, $0xb8;
	[tilespmem:$0x12800] =	vst v63  }
0xd4: {  	s26 =	sadd.s32 $0x600, s21  }
0xd5: {  	[tilespmem:s14], [sflag:$0x1] =	stream.indirect.gather [hbm4b:s3+s7], $0x20, s26, s7, $0xb8;
	[tilespmem:$0x12800] =	vst v63  }
0xd6: {  	s28 =	sadd.s32 $0x680, s21  }
0xd7: {  	[tilespmem:s15], [sflag:$0x1] =	stream.indirect.gather [hbm4b:s3+s7], $0x20, s28, s7, $0xb8;
	[tilespmem:$0x12800] =	vst v63  }
0xd8: {  	s29 =	sadd.s32 $0x700, s21  }
0xd9: {  	[tilespmem:s16], [sflag:$0x1] =	stream.indirect.gather [hbm4b:s3+s7], $0x20, s29, s7, $0xb8;
	[tilespmem:$0x12800] =	vst v63  }
0xda: {  	s21 =	sadd.s32 $0x780, s21  }
0xdb: {  	[tilespmem:s17], [sflag:$0x1] =	stream.indirect.gather [hbm4b:s3+s7], $0x20, s21, s7, $0xb8;
	[tilespmem:$0x12800] =	vst v63  }
0xdc: {  	_ =	swait.ge [sflag:s18], $0x1000  }
0xdd: {  	[sflag:s18] =	ssyncset.done $0x0  }
0xde: {  	[sflag:s18] =	ssyncadd.s32 $0xFFFFF000  }
0xdf: {  	_ =	swait.ge [sflag:s18], $0x1000  }
0xe0: {  	[sflag:s18] =	ssyncset.done $0x0  }
0xe1: {  	[sflag:s18] =	ssyncadd.s32 $0xFFFFF000  }
0xe2: {  	_ =	swait.ge [sflag:s18], $0x1000  }
0xe3: {  	[sflag:s18] =	ssyncset.done $0x0  }
0xe4: {  	[sflag:s18] =	ssyncadd.s32 $0xFFFFF000  }
0xe5: {  	_ =	swait.ge [sflag:s18], $0x1000  }
0xe6: {  	[sflag:s18] =	ssyncset.done $0x0  }
0xe7: {  	[sflag:s18] =	ssyncadd.s32 $0xFFFFF000  }
0xe8: {  	_ =	swait.ge [sflag:s18], $0x1000  }
0xe9: {  	[sflag:s18] =	ssyncset.done $0x0  }
0xea: {  	[sflag:s18] =	ssyncadd.s32 $0xFFFFF000  }
0xeb: {  	_ =	swait.ge [sflag:s18], $0x1000  }
0xec: {  	[sflag:s18] =	ssyncset.done $0x0  }
0xed: {  	[sflag:s18] =	ssyncadd.s32 $0xFFFFF000  }
0xee: {  	_ =	swait.ge [sflag:s18], $0x1000  }
0xef: {  	[sflag:s18] =	ssyncset.done $0x0  }
0xf0: {  	[sflag:s18] =	ssyncadd.s32 $0xFFFFF000  }
0xf1: {  	_ =	swait.ge [sflag:s18], $0x1000  }
0xf2: {  	[sflag:s18] =	ssyncset.done $0x0  }
0xf3: {  	[sflag:s18] =	ssyncadd.s32 $0xFFFFF000  }
0xf4: {  	_ =	swait.ge [sflag:s18], $0x1000  }
0xf5: {  	[sflag:s18] =	ssyncset.done $0x0  }
0xf6: {  	[sflag:s18] =	ssyncadd.s32 $0xFFFFF000  }
0xf7: {  	_ =	swait.ge [sflag:s18], $0x1000  }
0xf8: {  	[sflag:s18] =	ssyncset.done $0x0  }
0xf9: {  	[sflag:s18] =	ssyncadd.s32 $0xFFFFF000  }
0xfa: {  	_ =	swait.ge [sflag:s18], $0x1000  }
0xfb: {  	[sflag:s18] =	ssyncset.done $0x0  }
0xfc: {  	[sflag:s18] =	ssyncadd.s32 $0xFFFFF000  }
0xfd: {  	_ =	swait.ge [sflag:s18], $0x1000  }
0xfe: {  	[sflag:s18] =	ssyncset.done $0x0  }
0xff: {  	[sflag:s18] =	ssyncadd.s32 $0xFFFFF000  }
0x100: {  	_ =	swait.ge [sflag:s18], $0x1000  }
0x101: {  	[sflag:s18] =	ssyncset.done $0x0  }
0x102: {  	[sflag:s18] =	ssyncadd.s32 $0xFFFFF000  }
0x103: {  	_ =	swait.ge [sflag:s18], $0x1000  }
0x104: {  	[sflag:s18] =	ssyncset.done $0x0  }
0x105: {  	[sflag:s18] =	ssyncadd.s32 $0xFFFFF000  }
0x106: {  	_ =	swait.ge [sflag:s18], $0x1000  }
0x107: {  	[sflag:s18] =	ssyncset.done $0x0  }
0x108: {  	[sflag:s18] =	ssyncadd.s32 $0xFFFFF000  }
0x109: {  	s19 =	sadd.s32 $0x1, s19;
	_ =	swait.ge [sflag:s18], $0x1000  }
0x10a: {  	p0 =	sne.s32 s19, s5;
	s30 =	rddreg [dreg:$0x2];
	[sflag:s18] =	ssyncset.done $0x0  }
.Ltmp1:
0x10b: {  	[sflag:s18] =	ssyncadd.s32 $0xFFFFF000;
	s31 =	sadd.s32 s20, s30;
	(pc) =	sbr.rel @p0 .LBB2_1-.Ltmp1, $4  }
0x10c: {  	[hbm4b:s31+s2] =	stream.linear.scatter [tilespmem:s8], [sflag:$0x2], $0x10000, $0x38;
	[tilespmem:$0x12800] =	vst v63  }
0x10d: {  	_ =	swait.ge [sflag:s6], $0x10000  }
0x10e: {  	[sflag:s6] =	ssyncset.done $0x0  }
0x10f: {  	[sflag:s6] =	ssyncadd.s32 $0xFFFF0000  }
0x110: {  	_ =	sfence.sel $0x180000  }
0x111: {  	[bflag:$0x0] =	sbarrier.arrive $0xFFFF  }
0x112: {  	p0 =	sne.s32 s0, $0x0;
	_ =	strace $0x90000047  }
0x113: {  	s0 =	sadd.s32 @!p0 $0x100000, s1;
	[bflag:$0x2] =	sbarrier.arrive $0xFFFF  }
0x114: {  	[sflag:s0] =	ssyncadd.tile.s32 @!p0 $0x1;
	_ =	shalt  }
.Lfunc_end2:
_tile_overlayer_lowered:
.L_overlay_start_2:
0x115: {  	(tag) =	ssettag $0x2  }
0x116: {  	s0 =	rddreg [dreg:$0x0];
	s2 =	stileid.u32  }
0x117: {  	s1 =	rddreg [dreg:$0x1];
	p0 =	sne.s32 s2, $0x0  }
0x118: {  	s3 =	rddreg [dreg:$0x2];
	[bflag:$0x3] =	sbarrier.arrive $0xFFFF;
	s2 =	simm.s32 @!p0 $0x1C02  }
0x119: {  	[timem:s3], [sflag:s2] =	dma.local @!p0 [hbm:s0], s1  }
0x11a: {  	s0 =	simm.s32 @!p0 $0x2  }
0x11b: {  	_ =	swait.ge @!p0 [sflag:s0], s1  }
0x11c: {  	s1 =	ssub.s32 @!p0 $0x0, s1;
	[sflag:s0] =	ssyncset.done @!p0 $0x0  }
0x11d: {  	[sflag:s0] =	ssyncadd.s32 @!p0 s1  }
0x11e: {  	[bflag:$0x3] =	sbarrier.arrive $0xFFFF  }
0x11f: {  	_ =	shalt  }

</sc_bundles>
